<compile_context>
chip_gen: v7x
topology: tpu7x:2x2x1
jax: 0.10.2.dev20260603
libtpu: 0.0.44.dev20260713+nightly
codegen_flags: <defaults>
</compile_context>

<pallas_src>
import functools

import jax
import jax.numpy as jnp
from jax import lax
from jax.experimental import pallas as pl
from jax.experimental.pallas import tpu as pltpu
from jax.experimental.pallas import tpu_sc as plsc

H = 16
NUM_GRAPHS = 64
NW = 32



def _sc_gather(table, idx):
    n_rows = idx.shape[0]
    per_w = n_rows // NW
    mesh = plsc.VectorSubcoreMesh(core_axis_name="c", subcore_axis_name="s")

    @functools.partial(
        pl.kernel,
        mesh=mesh,
        out_type=jax.ShapeDtypeStruct((n_rows, H), jnp.float32),
        scratch_types=[
            pltpu.VMEM((per_w,), jnp.int32),
            pltpu.VMEM((per_w, H), jnp.float32),
            pltpu.SemaphoreType.DMA,
        ],
        compiler_params=pltpu.CompilerParams(use_tc_tiling_on_sc=False),
    )
    def k(table_hbm, idx_hbm, out_hbm, idx_v, rows_v, sem):
        wid = lax.axis_index("s") * 2 + lax.axis_index("c")
        base = wid * per_w
        pltpu.sync_copy(idx_hbm.at[pl.ds(base, per_w)], idx_v)
        pltpu.async_copy(table_hbm.at[idx_v], rows_v, sem).wait()
        pltpu.sync_copy(rows_v, out_hbm.at[pl.ds(base, per_w)])

    return k(table, idx)


def _sc_scatter_add(values, idx, zeros_init):
    n_rows = idx.shape[0]
    n_nodes = zeros_init.shape[0]
    per_w = n_rows // NW
    mesh = plsc.VectorSubcoreMesh(core_axis_name="c", subcore_axis_name="s")

    @functools.partial(
        pl.kernel,
        mesh=mesh,
        out_type=jax.ShapeDtypeStruct((2, n_nodes, H), jnp.float32),
        scratch_types=[
            pltpu.VMEM((per_w,), jnp.int32),
            pltpu.VMEM((per_w, H), jnp.float32),
            pltpu.VMEM_SHARED((n_nodes, H), jnp.float32),
        ],
        compiler_params=pltpu.CompilerParams(use_tc_tiling_on_sc=False),
    )
    def k(vals_hbm, idx_hbm, zeros_hbm, out_hbm, idx_v, vals_v, acc, ):
        cid = lax.axis_index("c")
        sid = lax.axis_index("s")
        wid = sid * 2 + cid

        @pl.when(sid == 0)
        def _():
            pltpu.sync_copy(zeros_hbm, acc)

        plsc.subcore_barrier()
        base = wid * per_w
        pltpu.sync_copy(idx_hbm.at[pl.ds(base, per_w)], idx_v)
        pltpu.sync_copy(vals_hbm.at[pl.ds(base, per_w)], vals_v)
        pltpu.sync_copy(vals_v, acc.at[idx_v], add=True)
        plsc.subcore_barrier()

        @pl.when(sid == 0)
        def _():
            pltpu.sync_copy(acc, out_hbm.at[cid])

    return k(values, idx, zeros_init)



def _proj_body(x_ref, w_ref, b_ref, o_ref):
    o_ref[...] = jnp.maximum(x_ref[...] @ w_ref[...] + b_ref[...], 0.0)


def _msg_body(eap_ref, xp_ref, bdwe1_ref, be1t_ref, bdwe2_ref, bdr16_ref,
              bdsel_ref, bdbe2r_ref, o_ref):
    X = xp_ref[...]
    T = jnp.maximum(eap_ref[...] @ bdwe1_ref[...] + be1t_ref[...], 0.0)
    U = (T @ bdwe2_ref[...]).astype(jnp.bfloat16)
    Xr = (X @ bdr16_ref[...]).astype(jnp.bfloat16)
    msg = lax.dot(U * Xr, bdsel_ref[...],
                  preferred_element_type=jnp.float32)
    o_ref[...] = msg + X @ bdbe2r_ref[...]


def _gru_body(p_ref, dp_ref, out_ref, h_ref, wroot_ref, bconv_ref,
              wr_ref, wz_ref, wn_ref, ur_ref, uz_ref, un_ref,
              bir_ref, biz_ref, bin_ref, bhr_ref, bhz_ref, bhn_ref, o_ref):
    deg = jnp.maximum(dp_ref[0] + dp_ref[1], 1.0)
    aggr = (p_ref[0] + p_ref[1]) / deg
    out = out_ref[...]
    h = h_ref[...]
    m = jnp.maximum(aggr + out @ wroot_ref[...] + bconv_ref[...], 0.0)
    r = jax.nn.sigmoid(m @ wr_ref[...] + bir_ref[...] + h @ ur_ref[...] + bhr_ref[...])
    z = jax.nn.sigmoid(m @ wz_ref[...] + biz_ref[...] + h @ uz_ref[...] + bhz_ref[...])
    n = jnp.tanh(m @ wn_ref[...] + bin_ref[...] + r * (h @ un_ref[...] + bhn_ref[...]))
    o_ref[...] = (1.0 - z) * n + z * h


def _s2s_body(out_ref, batch_ref, aih_ref, arh_ref, uh_ref, b_ref,
              wtop_ref, wbot_ref, bemb_ref, o_ref):
    nodes = out_ref.shape[0]
    out = out_ref[...]
    oh = (batch_ref[...] == lax.broadcasted_iota(
        jnp.int32, (nodes, NUM_GRAPHS), 1)).astype(jnp.float32)
    aih = aih_ref[...]
    arh = arh_ref[...]
    uh = uh_ref[...]
    b = b_ref[...]

    hl = jnp.zeros((NUM_GRAPHS, H), jnp.float32)
    cl = jnp.zeros((NUM_GRAPHS, H), jnp.float32)
    q_h = jnp.zeros((NUM_GRAPHS, H), jnp.float32)
    q_r = jnp.zeros((NUM_GRAPHS, H), jnp.float32)
    for _ in range(3):
        ig = jax.nn.sigmoid(q_h @ aih[0] + q_r @ arh[0] + hl @ uh[0] + b[0])
        fg = jax.nn.sigmoid(q_h @ aih[1] + q_r @ arh[1] + hl @ uh[1] + b[1])
        gg = jnp.tanh(q_h @ aih[2] + q_r @ arh[2] + hl @ uh[2] + b[2])
        og = jax.nn.sigmoid(q_h @ aih[3] + q_r @ arh[3] + hl @ uh[3] + b[3])
        cl = fg * cl + ig * gg
        hl = og * jnp.tanh(cl)

        hl_b = oh @ hl
        e = jnp.sum(out * hl_b, axis=1, keepdims=True)
        masked = jnp.where(oh > 0.0, e, -jnp.inf)
        m = jnp.max(masked, axis=0, keepdims=True)
        m = jnp.where(jnp.abs(m) < jnp.inf, m, 0.0)
        m_node = jnp.sum(oh * m, axis=1, keepdims=True)
        ex = jnp.exp(e - m_node)
        s = jnp.sum(oh * ex, axis=0, keepdims=True)
        s_node = jnp.sum(oh * s, axis=1, keepdims=True)
        a = ex / (s_node + 1e-16)
        r_g = lax.dot_general(oh, a * out,
                              (((0,), (0,)), ((), ())))
        q_h = hl
        q_r = r_g

    o_ref[...] = jnp.maximum(
        q_h @ wtop_ref[...] + q_r @ wbot_ref[...] + bemb_ref[...], 0.0)


def _full(shape):
    return pl.BlockSpec(shape, lambda *_: tuple(0 for _ in shape))


def kernel(x, edge_index, edge_attr, batch, W_p, b_p, We1, be1, We2, be2,
           W_root, b_conv, gru_Wih, gru_Whh, gru_bih, gru_bhh,
           lstm_Wih, lstm_Whh, lstm_bih, lstm_bhh, W_emb, b_emb):
    N, D = x.shape
    E, De = edge_attr.shape
    src = edge_index[0]
    dst = edge_index[1]

    from jax.scipy.linalg import block_diag as _bd

    be2r = be2.reshape(H, H)
    hidx = jnp.arange(H * H, dtype=jnp.int32)
    R16 = (hidx // H == jnp.arange(H, dtype=jnp.int32)[:, None]
           ).astype(jnp.float32)
    S = (hidx[:, None] % H == jnp.arange(H, dtype=jnp.int32)[None, :]
         ).astype(jnp.float32)
    BDWe1 = _bd(*([We1] * 8))
    BDWe2 = _bd(*([We2] * 8))
    BDR16 = _bd(*([R16] * 8))
    BDSel = _bd(*([S] * 8)).astype(jnp.bfloat16)
    BDbe2r = _bd(*([be2r] * 8))
    be1t = jnp.tile(be1, 8).reshape(1, 8 * 2 * H)

    WihT = gru_Wih.T
    WhhT = gru_Whh.T
    gw = [_bd(*([WihT[:, i * H:(i + 1) * H]] * 8)) for i in range(3)]
    gu = [_bd(*([WhhT[:, i * H:(i + 1) * H]] * 8)) for i in range(3)]
    gbi = [jnp.tile(gru_bih[i * H:(i + 1) * H], 8).reshape(1, 8 * H)
           for i in range(3)]
    gbh = [jnp.tile(gru_bhh[i * H:(i + 1) * H], 8).reshape(1, 8 * H)
           for i in range(3)]
    BDW_root = _bd(*([W_root] * 8))
    bconv_t = jnp.tile(b_conv, 8).reshape(1, 8 * H)

    lWihT = lstm_Wih.T
    aih = jnp.stack([lWihT[:H, i * H:(i + 1) * H] for i in range(4)])
    arh = jnp.stack([lWihT[H:, i * H:(i + 1) * H] for i in range(4)])
    lWhhT = lstm_Whh.T
    uh = jnp.stack([lWhhT[:, i * H:(i + 1) * H] for i in range(4)])
    lb = (lstm_bih + lstm_bhh)
    bl = jnp.stack([lb[i * H:(i + 1) * H].reshape(1, H) for i in range(4)])

    zerosN = jnp.zeros((N, H), jnp.float32)
    onesE = jnp.ones((E, H), jnp.float32)
    batch2d = batch.reshape(N, 1)

    out0 = pl.pallas_call(
        _proj_body,
        out_shape=jax.ShapeDtypeStruct((N, H), jnp.float32),
    )(x, W_p, b_p.reshape(1, H))

    dp = _sc_scatter_add(onesE, dst, zerosN)

    B = 16000
    G8 = B // 8
    grid = (E // B,)
    msg_call = pl.pallas_call(
        _msg_body,
        grid=grid,
        in_specs=[
            pl.BlockSpec((G8, 8 * De), lambda i: (i, 0)),
            pl.BlockSpec((G8, 8 * H), lambda i: (i, 0)),
            _full((8 * De, 8 * 2 * H)),
            _full((1, 8 * 2 * H)),
            _full((8 * 2 * H, 8 * H * H)),
            _full((8 * H, 8 * H * H)),
            _full((8 * H * H, 8 * H)),
            _full((8 * H, 8 * H)),
        ],
        out_specs=pl.BlockSpec((G8, 8 * H), lambda i: (i, 0)),
        out_shape=jax.ShapeDtypeStruct((E // 8, 8 * H), jnp.float32),
    )

    gru_call = pl.pallas_call(
        _gru_body,
        out_shape=jax.ShapeDtypeStruct((N // 8, 8 * H), jnp.float32),
    )

    ea_p = edge_attr.reshape(E // 8, 8 * De)
    dp_p = dp.reshape(2, N // 8, 8 * H)

    out = out0.reshape(N // 8, 8 * H)
    h = out
    for _ in range(3):
        x_j = _sc_gather(out.reshape(N, H), src)
        msg = msg_call(ea_p, x_j.reshape(E // 8, 8 * H), BDWe1, be1t,
                       BDWe2, BDR16, BDSel, BDbe2r)
        p = _sc_scatter_add(msg.reshape(E, H), dst, zerosN)
        h = gru_call(p.reshape(2, N // 8, 8 * H), dp_p, out, h,
                     BDW_root, bconv_t,
                     gw[0], gw[1], gw[2], gu[0], gu[1], gu[2],
                     gbi[0], gbi[1], gbi[2], gbh[0], gbh[1], gbh[2])
        out = h

    return pl.pallas_call(
        _s2s_body,
        out_shape=jax.ShapeDtypeStruct((NUM_GRAPHS, b_emb.shape[0]),
                                       jnp.float32),
    )(out.reshape(N, H), batch2d, aih, arh, uh, bl,
      W_emb[:H], W_emb[H:], b_emb.reshape(1, -1))

# --- scband reference (transcript-rebuilt; emitter-appended) ---
"""Pipeline reference for scband-mpnn-18588618457284 (READ-ONLY COPY).

The authoritative reference and input builder live on the scoring server;
editing this copy changes nothing except your own understanding.
"""

import jax, jax.numpy as jnp
import numpy as np

H = 16
STEPS = 3
S2S_STEPS = 3
NUM_GRAPHS = 64
N_NODES = 10000
N_EDGES = 160000
D_FEAT = 128
D_EDGE = 16
EMBED = 64

def _segment_softmax(e, seg, num_segments):
    m = jax.ops.segment_max(e, seg, num_segments=num_segments)
    m = jnp.where(jnp.isfinite(m), m, 0.0)
    ex = jnp.exp(e - m[seg])
    s = jax.ops.segment_sum(ex, seg, num_segments=num_segments)
    return ex / (s[seg] + 1e-16)

def _lin(k, fan_in, shape):
    return jax.random.normal(k, shape, dtype=jnp.float32) / np.sqrt(fan_in)

def setup_inputs():
    key = jax.random.PRNGKey(0)
    ks = jax.random.split(key, 16)
    x = jax.random.normal(ks[0], (N_NODES, D_FEAT), dtype=jnp.float32)
    edge_index = jax.random.randint(ks[1], (2, N_EDGES), 0, N_NODES, dtype=jnp.int32)
    edge_attr = jax.random.normal(ks[2], (N_EDGES, D_EDGE), dtype=jnp.float32)
    batch = jnp.sort(jax.random.randint(ks[3], (N_NODES,), 0, NUM_GRAPHS, dtype=jnp.int32))
    return {
        'x': x, 'edge_index': edge_index, 'edge_attr': edge_attr, 'batch': batch,
        'W_p': _lin(ks[4], D_FEAT, (D_FEAT, H)), 'b_p': jnp.zeros((H,), jnp.float32),
        'We1': _lin(ks[5], D_EDGE, (D_EDGE, 2 * H)), 'be1': jnp.zeros((2 * H,), jnp.float32),
        'We2': _lin(ks[6], 2 * H, (2 * H, H * H)) * 0.1, 'be2': jnp.zeros((H * H,), jnp.float32),
        'W_root': _lin(ks[7], H, (H, H)), 'b_conv': jnp.zeros((H,), jnp.float32),
        'gru_Wih': _lin(ks[8], H, (3 * H, H)), 'gru_Whh': _lin(ks[9], H, (3 * H, H)),
        'gru_bih': jnp.zeros((3 * H,), jnp.float32), 'gru_bhh': jnp.zeros((3 * H,), jnp.float32),
        'lstm_Wih': _lin(ks[10], 2 * H, (4 * H, 2 * H)), 'lstm_Whh': _lin(ks[11], H, (4 * H, H)),
        'lstm_bih': jnp.zeros((4 * H,), jnp.float32), 'lstm_bhh': jnp.zeros((4 * H,), jnp.float32),
        'W_emb': _lin(ks[12], 2 * H, (2 * H, EMBED)), 'b_emb': jnp.zeros((EMBED,), jnp.float32),
    }

def reference(x, edge_index, edge_attr, batch, W_p, b_p, We1, be1, We2, be2, W_root, b_conv, gru_Wih, gru_Whh, gru_bih, gru_bhh, lstm_Wih, lstm_Whh, lstm_bih, lstm_bhh, W_emb, b_emb):
    N = x.shape[0]
    src, dst = edge_index[0], edge_index[1]
    out = jax.nn.relu(x @ W_p + b_p)
    h = out
    t = jax.nn.relu(edge_attr @ We1 + be1)
    W_edges = (t @ We2 + be2).reshape(-1, H, H)
    deg = jax.ops.segment_sum(jnp.ones((src.shape[0],), x.dtype), dst, num_segments=N)
    deg = jnp.maximum(deg, 1.0)
    for _ in range(STEPS):
        x_j = out[src]
        msg = jnp.einsum('eh,ehk->ek', x_j, W_edges)
        aggr = jax.ops.segment_sum(msg, dst, num_segments=N) / deg[:, None]
        m = jax.nn.relu(aggr + out @ W_root + b_conv)
        gi = m @ gru_Wih.T + gru_bih
        gh = h @ gru_Whh.T + gru_bhh
        i_r, i_z, i_n = jnp.split(gi, 3, axis=-1)
        h_r, h_z, h_n = jnp.split(gh, 3, axis=-1)
        r = jax.nn.sigmoid(i_r + h_r)
        z = jax.nn.sigmoid(i_z + h_z)
        n = jnp.tanh(i_n + r * h_n)
        h = (1.0 - z) * n + z * h
        out = h
    q_star = jnp.zeros((NUM_GRAPHS, 2 * H), x.dtype)
    hl = jnp.zeros((NUM_GRAPHS, H), x.dtype)
    cl = jnp.zeros((NUM_GRAPHS, H), x.dtype)
    for _ in range(S2S_STEPS):
        gates = q_star @ lstm_Wih.T + lstm_bih + hl @ lstm_Whh.T + lstm_bhh
        ig, fg, gg, og = jnp.split(gates, 4, axis=-1)
        ig = jax.nn.sigmoid(ig)
        fg = jax.nn.sigmoid(fg)
        gg = jnp.tanh(gg)
        og = jax.nn.sigmoid(og)
        cl = fg * cl + ig * gg
        hl = og * jnp.tanh(cl)
        e = jnp.sum(out * hl[batch], axis=-1)
        a = _segment_softmax(e, batch, NUM_GRAPHS)
        r_ = jax.ops.segment_sum(a[:, None] * out, batch, num_segments=NUM_GRAPHS)
        q_star = jnp.concatenate([hl, r_], axis=-1)
    return jax.nn.relu(q_star @ W_emb + b_emb)

if __name__ == "__main__":
    import jax
    _d = setup_inputs()
    print(jax.jit(kernel)(*tuple(_d.values())))

</pallas_src>

<mosaic_0001>
#map = affine_map<(d0, d1) -> (0, 0)>
#map1 = affine_map<(d0, d1) -> (0)>
module attributes {stable_mosaic.version = 14 : i64} {
  func.func @k(%arg0: i32, %arg1: i32, %arg2: memref<10000x16xf32, #tpu.memory_space<hbm>>, %arg3: memref<160000xi32, #tpu.memory_space<hbm>>, %arg4: memref<160000x16xf32, #tpu.memory_space<hbm>>, %arg5: memref<5000xi32, #tpu.memory_space<vmem>>, %arg6: memref<5000x16xf32, #tpu.memory_space<vmem>>, %arg7: memref<!tpu.dma_semaphore, #tpu.memory_space<semaphore_mem>>) attributes {dimension_semantics = [#tpu.dimension_semantics<core_parallel>, #tpu.dimension_semantics<subcore_parallel>], iteration_bounds = array<i64: 2, 16>, scalar_prefetch = 0 : i64, scratch_operands = 3 : i64, tpu.core_type = #tpu.core_type<sc_vector_subcore>, window_params = [{transform_indices = #map}, {transform_indices = #map1}, {transform_indices = #map}]} {
    %mul3A = arith.constant 2 : i32
    %mul3A_0 = arith.muli %arg1, %mul3A : i32
    %add3A = arith.addi %mul3A_0, %arg0 : i32
    %mul3A_1 = arith.constant 5000 : i32
    %mul3A_2 = arith.muli %add3A, %mul3A_1 : i32
    "tpu.region"() ({
      %run_scoped3A = tpu.sem_alloc : memref<!tpu.dma_semaphore, #tpu.memory_space<semaphore_mem>>
      %dma_start3A_7 = tpu.memref_slice %arg3[%mul3A_2] : memref<160000xi32, #tpu.memory_space<hbm>> -> memref<5000xi32, #tpu.memory_space<hbm>>
      %dma_start3A_8 = tpu.memref_slice %arg3[%mul3A_2] : memref<160000xi32, #tpu.memory_space<hbm>> -> memref<5000xi32, #tpu.memory_space<hbm>>
      tpu.enqueue_dma source(%dma_start3A_8 : memref<5000xi32, #tpu.memory_space<hbm>>) target(%arg5 : memref<5000xi32, #tpu.memory_space<vmem>>) target_semaphore(%run_scoped3A : memref<!tpu.dma_semaphore, #tpu.memory_space<semaphore_mem>>)
      %dma_wait3A_9 = tpu.memref_slice %arg3[%mul3A_2] : memref<160000xi32, #tpu.memory_space<hbm>> -> memref<5000xi32, #tpu.memory_space<hbm>>
      %dma_wait3A_10 = tpu.memref_slice %arg3[%mul3A_2] : memref<160000xi32, #tpu.memory_space<hbm>> -> memref<5000xi32, #tpu.memory_space<hbm>>
      tpu.wait_dma2 semaphore(%run_scoped3A : memref<!tpu.dma_semaphore, #tpu.memory_space<semaphore_mem>>) src(%dma_wait3A_10 : memref<5000xi32, #tpu.memory_space<hbm>>) dst(%arg5 : memref<5000xi32, #tpu.memory_space<vmem>>)
      tpu.yield
    }) : () -> ()
    %dma_start3A = arith.constant 0 : i32
    %dma_start3A_3 = arith.constant 0 : i32
    %dma_start3A_4 = tpu.memref_slice %arg2[%dma_start3A, %dma_start3A_3] : memref<10000x16xf32, #tpu.memory_space<hbm>> -> memref<10000x16xf32, #tpu.memory_space<hbm>>
    tpu.enqueue_indirect_dma source(%dma_start3A_4 : memref<10000x16xf32, #tpu.memory_space<hbm>>) target(%arg6 : memref<5000x16xf32, #tpu.memory_space<vmem>>) offsets(%arg5 : memref<5000xi32, #tpu.memory_space<vmem>>) semaphore(%arg7 : memref<!tpu.dma_semaphore, #tpu.memory_space<semaphore_mem>>)
    %dma_wait3A = arith.constant 0 : i32
    %dma_wait3A_5 = arith.constant 0 : i32
    %dma_wait3A_6 = tpu.memref_slice %arg2[%dma_wait3A, %dma_wait3A_5] : memref<10000x16xf32, #tpu.memory_space<hbm>> -> memref<10000x16xf32, #tpu.memory_space<hbm>>
    tpu.wait_indirect_dma semaphore(%arg7 : memref<!tpu.dma_semaphore, #tpu.memory_space<semaphore_mem>>) src(%dma_wait3A_6 : memref<10000x16xf32, #tpu.memory_space<hbm>>) dst(%arg6 : memref<5000x16xf32, #tpu.memory_space<vmem>>)
    "tpu.region"() ({
      %run_scoped3A = tpu.sem_alloc : memref<!tpu.dma_semaphore, #tpu.memory_space<semaphore_mem>>
      %dma_start3A_7 = arith.constant 0 : i32
      %dma_start3A_8 = tpu.memref_slice %arg4[%mul3A_2, %dma_start3A_7] : memref<160000x16xf32, #tpu.memory_space<hbm>> -> memref<5000x16xf32, #tpu.memory_space<hbm>>
      %dma_start3A_9 = arith.constant 0 : i32
      %dma_start3A_10 = tpu.memref_slice %arg4[%mul3A_2, %dma_start3A_9] : memref<160000x16xf32, #tpu.memory_space<hbm>> -> memref<5000x16xf32, #tpu.memory_space<hbm>>
      tpu.enqueue_dma source(%arg6 : memref<5000x16xf32, #tpu.memory_space<vmem>>) target(%dma_start3A_10 : memref<5000x16xf32, #tpu.memory_space<hbm>>) target_semaphore(%run_scoped3A : memref<!tpu.dma_semaphore, #tpu.memory_space<semaphore_mem>>)
      %dma_wait3A_11 = arith.constant 0 : i32
      %dma_wait3A_12 = tpu.memref_slice %arg4[%mul3A_2, %dma_wait3A_11] : memref<160000x16xf32, #tpu.memory_space<hbm>> -> memref<5000x16xf32, #tpu.memory_space<hbm>>
      %dma_wait3A_13 = arith.constant 0 : i32
      %dma_wait3A_14 = tpu.memref_slice %arg4[%mul3A_2, %dma_wait3A_13] : memref<160000x16xf32, #tpu.memory_space<hbm>> -> memref<5000x16xf32, #tpu.memory_space<hbm>>
      tpu.wait_dma2 semaphore(%run_scoped3A : memref<!tpu.dma_semaphore, #tpu.memory_space<semaphore_mem>>) src(%arg6 : memref<5000x16xf32, #tpu.memory_space<vmem>>) dst(%dma_wait3A_14 : memref<5000x16xf32, #tpu.memory_space<hbm>>)
      tpu.yield
    }) : () -> ()
    return
  }
}

#map = affine_map<(d0, d1) -> (0, 0)>
#map1 = affine_map<(d0, d1) -> (0)>
#map2 = affine_map<(d0, d1) -> (0, 0, 0)>
module attributes {stable_mosaic.version = 14 : i64} {
  func.func @k(%arg0: i32, %arg1: i32, %arg2: memref<160000x16xf32, #tpu.memory_space<hbm>>, %arg3: memref<160000xi32, #tpu.memory_space<hbm>>, %arg4: memref<10000x16xf32, #tpu.memory_space<hbm>>, %arg5: memref<2x10000x16xf32, #tpu.memory_space<hbm>>, %arg6: memref<5000xi32, #tpu.memory_space<vmem>>, %arg7: memref<5000x16xf32, #tpu.memory_space<vmem>>, %arg8: memref<10000x16xf32, #tpu.memory_space<vmem_shared>>) attributes {dimension_semantics = [#tpu.dimension_semantics<core_parallel>, #tpu.dimension_semantics<subcore_parallel>], iteration_bounds = array<i64: 2, 16>, scalar_prefetch = 0 : i64, scratch_operands = 3 : i64, tpu.core_type = #tpu.core_type<sc_vector_subcore>, window_params = [{transform_indices = #map}, {transform_indices = #map1}, {transform_indices = #map}, {transform_indices = #map2}]} {
    %mul3A = arith.constant 2 : i32
    %mul3A_0 = arith.muli %arg1, %mul3A : i32
    %add3A = arith.addi %mul3A_0, %arg0 : i32
    %eq3A = arith.constant 0 : i32
    %eq3A_1 = arith.cmpi eq, %arg1, %eq3A : i32
    %convert_element_type3A = arith.extui %eq3A_1 : i1 to i32
    %cond3A = arith.constant 0 : i32
    %cond3A_2 = arith.cmpi ne, %convert_element_type3A, %cond3A : i32
    scf.if %cond3A_2 {
      "tpu.region"() ({
        %run_scoped3A = tpu.sem_alloc : memref<!tpu.dma_semaphore, #tpu.memory_space<semaphore_mem>>
        tpu.enqueue_dma source(%arg4 : memref<10000x16xf32, #tpu.memory_space<hbm>>) target(%arg8 : memref<10000x16xf32, #tpu.memory_space<vmem_shared>>) target_semaphore(%run_scoped3A : memref<!tpu.dma_semaphore, #tpu.memory_space<semaphore_mem>>)
        tpu.wait_dma2 semaphore(%run_scoped3A : memref<!tpu.dma_semaphore, #tpu.memory_space<semaphore_mem>>) src(%arg4 : memref<10000x16xf32, #tpu.memory_space<hbm>>) dst(%arg8 : memref<10000x16xf32, #tpu.memory_space<vmem_shared>>)
        tpu.yield
      }) : () -> ()
    } else {
    }
    %barrier3A = arith.constant 0 : index
    tpu.barrier barrier_id(%barrier3A)
    %mul3A_3 = arith.constant 5000 : i32
    %mul3A_4 = arith.muli %add3A, %mul3A_3 : i32
    "tpu.region"() ({
      %run_scoped3A = tpu.sem_alloc : memref<!tpu.dma_semaphore, #tpu.memory_space<semaphore_mem>>
      %dma_start3A = tpu.memref_slice %arg3[%mul3A_4] : memref<160000xi32, #tpu.memory_space<hbm>> -> memref<5000xi32, #tpu.memory_space<hbm>>
      %dma_start3A_11 = tpu.memref_slice %arg3[%mul3A_4] : memref<160000xi32, #tpu.memory_space<hbm>> -> memref<5000xi32, #tpu.memory_space<hbm>>
      tpu.enqueue_dma source(%dma_start3A_11 : memref<5000xi32, #tpu.memory_space<hbm>>) target(%arg6 : memref<5000xi32, #tpu.memory_space<vmem>>) target_semaphore(%run_scoped3A : memref<!tpu.dma_semaphore, #tpu.memory_space<semaphore_mem>>)
      %dma_wait3A = tpu.memref_slice %arg3[%mul3A_4] : memref<160000xi32, #tpu.memory_space<hbm>> -> memref<5000xi32, #tpu.memory_space<hbm>>
      %dma_wait3A_12 = tpu.memref_slice %arg3[%mul3A_4] : memref<160000xi32, #tpu.memory_space<hbm>> -> memref<5000xi32, #tpu.memory_space<hbm>>
      tpu.wait_dma2 semaphore(%run_scoped3A : memref<!tpu.dma_semaphore, #tpu.memory_space<semaphore_mem>>) src(%dma_wait3A_12 : memref<5000xi32, #tpu.memory_space<hbm>>) dst(%arg6 : memref<5000xi32, #tpu.memory_space<vmem>>)
      tpu.yield
    }) : () -> ()
    "tpu.region"() ({
      %run_scoped3A = tpu.sem_alloc : memref<!tpu.dma_semaphore, #tpu.memory_space<semaphore_mem>>
      %dma_start3A = arith.constant 0 : i32
      %dma_start3A_11 = tpu.memref_slice %arg2[%mul3A_4, %dma_start3A] : memref<160000x16xf32, #tpu.memory_space<hbm>> -> memref<5000x16xf32, #tpu.memory_space<hbm>>
      %dma_start3A_12 = arith.constant 0 : i32
      %dma_start3A_13 = tpu.memref_slice %arg2[%mul3A_4, %dma_start3A_12] : memref<160000x16xf32, #tpu.memory_space<hbm>> -> memref<5000x16xf32, #tpu.memory_space<hbm>>
      tpu.enqueue_dma source(%dma_start3A_13 : memref<5000x16xf32, #tpu.memory_space<hbm>>) target(%arg7 : memref<5000x16xf32, #tpu.memory_space<vmem>>) target_semaphore(%run_scoped3A : memref<!tpu.dma_semaphore, #tpu.memory_space<semaphore_mem>>)
      %dma_wait3A = arith.constant 0 : i32
      %dma_wait3A_14 = tpu.memref_slice %arg2[%mul3A_4, %dma_wait3A] : memref<160000x16xf32, #tpu.memory_space<hbm>> -> memref<5000x16xf32, #tpu.memory_space<hbm>>
      %dma_wait3A_15 = arith.constant 0 : i32
      %dma_wait3A_16 = tpu.memref_slice %arg2[%mul3A_4, %dma_wait3A_15] : memref<160000x16xf32, #tpu.memory_space<hbm>> -> memref<5000x16xf32, #tpu.memory_space<hbm>>
      tpu.wait_dma2 semaphore(%run_scoped3A : memref<!tpu.dma_semaphore, #tpu.memory_space<semaphore_mem>>) src(%dma_wait3A_16 : memref<5000x16xf32, #tpu.memory_space<hbm>>) dst(%arg7 : memref<5000x16xf32, #tpu.memory_space<vmem>>)
      tpu.yield
    }) : () -> ()
    "tpu.region"() ({
      %run_scoped3A = tpu.sem_alloc : memref<!tpu.dma_semaphore, #tpu.memory_space<semaphore_mem>>
      %dma_start3A = arith.constant 0 : i32
      %dma_start3A_11 = arith.constant 0 : i32
      %dma_start3A_12 = tpu.memref_slice %arg8[%dma_start3A, %dma_start3A_11] : memref<10000x16xf32, #tpu.memory_space<vmem_shared>> -> memref<10000x16xf32, #tpu.memory_space<vmem_shared>>
      tpu.enqueue_indirect_dma source(%arg7 : memref<5000x16xf32, #tpu.memory_space<vmem>>) target(%dma_start3A_12 : memref<10000x16xf32, #tpu.memory_space<vmem_shared>>) offsets(%arg6 : memref<5000xi32, #tpu.memory_space<vmem>>) semaphore(%run_scoped3A : memref<!tpu.dma_semaphore, #tpu.memory_space<semaphore_mem>>) {add = true}
      %dma_wait3A = arith.constant 0 : i32
      %dma_wait3A_13 = arith.constant 0 : i32
      %dma_wait3A_14 = tpu.memref_slice %arg8[%dma_wait3A, %dma_wait3A_13] : memref<10000x16xf32, #tpu.memory_space<vmem_shared>> -> memref<10000x16xf32, #tpu.memory_space<vmem_shared>>
      tpu.wait_indirect_dma semaphore(%run_scoped3A : memref<!tpu.dma_semaphore, #tpu.memory_space<semaphore_mem>>) src(%arg7 : memref<5000x16xf32, #tpu.memory_space<vmem>>) dst(%dma_wait3A_14 : memref<10000x16xf32, #tpu.memory_space<vmem_shared>>)
      tpu.yield
    }) : () -> ()
    %barrier3A_5 = arith.constant 0 : index
    tpu.barrier barrier_id(%barrier3A_5)
    %eq3A_6 = arith.constant 0 : i32
    %eq3A_7 = arith.cmpi eq, %arg1, %eq3A_6 : i32
    %convert_element_type3A_8 = arith.extui %eq3A_7 : i1 to i32
    %cond3A_9 = arith.constant 0 : i32
    %cond3A_10 = arith.cmpi ne, %convert_element_type3A_8, %cond3A_9 : i32
    scf.if %cond3A_10 {
      "tpu.region"() ({
        %run_scoped3A = tpu.sem_alloc : memref<!tpu.dma_semaphore, #tpu.memory_space<semaphore_mem>>
        %dma_start3A = arith.constant 0 : i32
        %dma_start3A_11 = arith.constant 0 : i32
        %dma_start3A_12 = tpu.memref_slice %arg5[%arg0, %dma_start3A, %dma_start3A_11] : memref<2x10000x16xf32, #tpu.memory_space<hbm>> -> memref<1x10000x16xf32, #tpu.memory_space<hbm>>
        %dma_start3A_13 = tpu.memref_squeeze %dma_start3A_12 : memref<1x10000x16xf32, #tpu.memory_space<hbm>> -> memref<10000x16xf32, #tpu.memory_space<hbm>>
        tpu.enqueue_dma source(%arg8 : memref<10000x16xf32, #tpu.memory_space<vmem_shared>>) target(%dma_start3A_13 : memref<10000x16xf32, #tpu.memory_space<hbm>>) target_semaphore(%run_scoped3A : memref<!tpu.dma_semaphore, #tpu.memory_space<semaphore_mem>>)
        %dma_wait3A = arith.constant 0 : i32
        %dma_wait3A_14 = arith.constant 0 : i32
        %dma_wait3A_15 = tpu.memref_slice %arg5[%arg0, %dma_wait3A, %dma_wait3A_14] : memref<2x10000x16xf32, #tpu.memory_space<hbm>> -> memref<1x10000x16xf32, #tpu.memory_space<hbm>>
        %dma_wait3A_16 = tpu.memref_squeeze %dma_wait3A_15 : memref<1x10000x16xf32, #tpu.memory_space<hbm>> -> memref<10000x16xf32, #tpu.memory_space<hbm>>
        tpu.wait_dma2 semaphore(%run_scoped3A : memref<!tpu.dma_semaphore, #tpu.memory_space<semaphore_mem>>) src(%arg8 : memref<10000x16xf32, #tpu.memory_space<vmem_shared>>) dst(%dma_wait3A_16 : memref<10000x16xf32, #tpu.memory_space<hbm>>)
        tpu.yield
      }) : () -> ()
    } else {
    }
    return
  }
}

#map = affine_map<(d0, d1) -> (0, 0)>
#map1 = affine_map<(d0, d1) -> (0)>
module attributes {stable_mosaic.version = 14 : i64} {
  func.func @k(%arg0: i32, %arg1: i32, %arg2: memref<10000x16xf32, #tpu.memory_space<hbm>>, %arg3: memref<160000xi32, #tpu.memory_space<hbm>>, %arg4: memref<160000x16xf32, #tpu.memory_space<hbm>>, %arg5: memref<5000xi32, #tpu.memory_space<vmem>>, %arg6: memref<5000x16xf32, #tpu.memory_space<vmem>>, %arg7: memref<!tpu.dma_semaphore, #tpu.memory_space<semaphore_mem>>) attributes {dimension_semantics = [#tpu.dimension_semantics<core_parallel>, #tpu.dimension_semantics<subcore_parallel>], iteration_bounds = array<i64: 2, 16>, scalar_prefetch = 0 : i64, scratch_operands = 3 : i64, tpu.core_type = #tpu.core_type<sc_vector_subcore>, window_params = [{transform_indices = #map}, {transform_indices = #map1}, {transform_indices = #map}]} {
    %mul3A = arith.constant 2 : i32
    %mul3A_0 = arith.muli %arg1, %mul3A : i32
    %add3A = arith.addi %mul3A_0, %arg0 : i32
    %mul3A_1 = arith.constant 5000 : i32
    %mul3A_2 = arith.muli %add3A, %mul3A_1 : i32
    "tpu.region"() ({
      %run_scoped3A = tpu.sem_alloc : memref<!tpu.dma_semaphore, #tpu.memory_space<semaphore_mem>>
      %dma_start3A_7 = tpu.memref_slice %arg3[%mul3A_2] : memref<160000xi32, #tpu.memory_space<hbm>> -> memref<5000xi32, #tpu.memory_space<hbm>>
      %dma_start3A_8 = tpu.memref_slice %arg3[%mul3A_2] : memref<160000xi32, #tpu.memory_space<hbm>> -> memref<5000xi32, #tpu.memory_space<hbm>>
      tpu.enqueue_dma source(%dma_start3A_8 : memref<5000xi32, #tpu.memory_space<hbm>>) target(%arg5 : memref<5000xi32, #tpu.memory_space<vmem>>) target_semaphore(%run_scoped3A : memref<!tpu.dma_semaphore, #tpu.memory_space<semaphore_mem>>)
      %dma_wait3A_9 = tpu.memref_slice %arg3[%mul3A_2] : memref<160000xi32, #tpu.memory_space<hbm>> -> memref<5000xi32, #tpu.memory_space<hbm>>
      %dma_wait3A_10 = tpu.memref_slice %arg3[%mul3A_2] : memref<160000xi32, #tpu.memory_space<hbm>> -> memref<5000xi32, #tpu.memory_space<hbm>>
      tpu.wait_dma2 semaphore(%run_scoped3A : memref<!tpu.dma_semaphore, #tpu.memory_space<semaphore_mem>>) src(%dma_wait3A_10 : memref<5000xi32, #tpu.memory_space<hbm>>) dst(%arg5 : memref<5000xi32, #tpu.memory_space<vmem>>)
      tpu.yield
    }) : () -> ()
    %dma_start3A = arith.constant 0 : i32
    %dma_start3A_3 = arith.constant 0 : i32
    %dma_start3A_4 = tpu.memref_slice %arg2[%dma_start3A, %dma_start3A_3] : memref<10000x16xf32, #tpu.memory_space<hbm>> -> memref<10000x16xf32, #tpu.memory_space<hbm>>
    tpu.enqueue_indirect_dma source(%dma_start3A_4 : memref<10000x16xf32, #tpu.memory_space<hbm>>) target(%arg6 : memref<5000x16xf32, #tpu.memory_space<vmem>>) offsets(%arg5 : memref<5000xi32, #tpu.memory_space<vmem>>) semaphore(%arg7 : memref<!tpu.dma_semaphore, #tpu.memory_space<semaphore_mem>>)
    %dma_wait3A = arith.constant 0 : i32
    %dma_wait3A_5 = arith.constant 0 : i32
    %dma_wait3A_6 = tpu.memref_slice %arg2[%dma_wait3A, %dma_wait3A_5] : memref<10000x16xf32, #tpu.memory_space<hbm>> -> memref<10000x16xf32, #tpu.memory_space<hbm>>
    tpu.wait_indirect_dma semaphore(%arg7 : memref<!tpu.dma_semaphore, #tpu.memory_space<semaphore_mem>>) src(%dma_wait3A_6 : memref<10000x16xf32, #tpu.memory_space<hbm>>) dst(%arg6 : memref<5000x16xf32, #tpu.memory_space<vmem>>)
    "tpu.region"() ({
      %run_scoped3A = tpu.sem_alloc : memref<!tpu.dma_semaphore, #tpu.memory_space<semaphore_mem>>
      %dma_start3A_7 = arith.constant 0 : i32
      %dma_start3A_8 = tpu.memref_slice %arg4[%mul3A_2, %dma_start3A_7] : memref<160000x16xf32, #tpu.memory_space<hbm>> -> memref<5000x16xf32, #tpu.memory_space<hbm>>
      %dma_start3A_9 = arith.constant 0 : i32
      %dma_start3A_10 = tpu.memref_slice %arg4[%mul3A_2, %dma_start3A_9] : memref<160000x16xf32, #tpu.memory_space<hbm>> -> memref<5000x16xf32, #tpu.memory_space<hbm>>
      tpu.enqueue_dma source(%arg6 : memref<5000x16xf32, #tpu.memory_space<vmem>>) target(%dma_start3A_10 : memref<5000x16xf32, #tpu.memory_space<hbm>>) target_semaphore(%run_scoped3A : memref<!tpu.dma_semaphore, #tpu.memory_space<semaphore_mem>>)
      %dma_wait3A_11 = arith.constant 0 : i32
      %dma_wait3A_12 = tpu.memref_slice %arg4[%mul3A_2, %dma_wait3A_11] : memref<160000x16xf32, #tpu.memory_space<hbm>> -> memref<5000x16xf32, #tpu.memory_space<hbm>>
      %dma_wait3A_13 = arith.constant 0 : i32
      %dma_wait3A_14 = tpu.memref_slice %arg4[%mul3A_2, %dma_wait3A_13] : memref<160000x16xf32, #tpu.memory_space<hbm>> -> memref<5000x16xf32, #tpu.memory_space<hbm>>
      tpu.wait_dma2 semaphore(%run_scoped3A : memref<!tpu.dma_semaphore, #tpu.memory_space<semaphore_mem>>) src(%arg6 : memref<5000x16xf32, #tpu.memory_space<vmem>>) dst(%dma_wait3A_14 : memref<5000x16xf32, #tpu.memory_space<hbm>>)
      tpu.yield
    }) : () -> ()
    return
  }
}

#map = affine_map<(d0, d1) -> (0, 0)>
#map1 = affine_map<(d0, d1) -> (0)>
#map2 = affine_map<(d0, d1) -> (0, 0, 0)>
module attributes {stable_mosaic.version = 14 : i64} {
  func.func @k(%arg0: i32, %arg1: i32, %arg2: memref<160000x16xf32, #tpu.memory_space<hbm>>, %arg3: memref<160000xi32, #tpu.memory_space<hbm>>, %arg4: memref<10000x16xf32, #tpu.memory_space<hbm>>, %arg5: memref<2x10000x16xf32, #tpu.memory_space<hbm>>, %arg6: memref<5000xi32, #tpu.memory_space<vmem>>, %arg7: memref<5000x16xf32, #tpu.memory_space<vmem>>, %arg8: memref<10000x16xf32, #tpu.memory_space<vmem_shared>>) attributes {dimension_semantics = [#tpu.dimension_semantics<core_parallel>, #tpu.dimension_semantics<subcore_parallel>], iteration_bounds = array<i64: 2, 16>, scalar_prefetch = 0 : i64, scratch_operands = 3 : i64, tpu.core_type = #tpu.core_type<sc_vector_subcore>, window_params = [{transform_indices = #map}, {transform_indices = #map1}, {transform_indices = #map}, {transform_indices = #map2}]} {
    %mul3A = arith.constant 2 : i32
    %mul3A_0 = arith.muli %arg1, %mul3A : i32
    %add3A = arith.addi %mul3A_0, %arg0 : i32
    %eq3A = arith.constant 0 : i32
    %eq3A_1 = arith.cmpi eq, %arg1, %eq3A : i32
    %convert_element_type3A = arith.extui %eq3A_1 : i1 to i32
    %cond3A = arith.constant 0 : i32
    %cond3A_2 = arith.cmpi ne, %convert_element_type3A, %cond3A : i32
    scf.if %cond3A_2 {
      "tpu.region"() ({
        %run_scoped3A = tpu.sem_alloc : memref<!tpu.dma_semaphore, #tpu.memory_space<semaphore_mem>>
        tpu.enqueue_dma source(%arg4 : memref<10000x16xf32, #tpu.memory_space<hbm>>) target(%arg8 : memref<10000x16xf32, #tpu.memory_space<vmem_shared>>) target_semaphore(%run_scoped3A : memref<!tpu.dma_semaphore, #tpu.memory_space<semaphore_mem>>)
        tpu.wait_dma2 semaphore(%run_scoped3A : memref<!tpu.dma_semaphore, #tpu.memory_space<semaphore_mem>>) src(%arg4 : memref<10000x16xf32, #tpu.memory_space<hbm>>) dst(%arg8 : memref<10000x16xf32, #tpu.memory_space<vmem_shared>>)
        tpu.yield
      }) : () -> ()
    } else {
    }
    %barrier3A = arith.constant 0 : index
    tpu.barrier barrier_id(%barrier3A)
    %mul3A_3 = arith.constant 5000 : i32
    %mul3A_4 = arith.muli %add3A, %mul3A_3 : i32
    "tpu.region"() ({
      %run_scoped3A = tpu.sem_alloc : memref<!tpu.dma_semaphore, #tpu.memory_space<semaphore_mem>>
      %dma_start3A = tpu.memref_slice %arg3[%mul3A_4] : memref<160000xi32, #tpu.memory_space<hbm>> -> memref<5000xi32, #tpu.memory_space<hbm>>
      %dma_start3A_11 = tpu.memref_slice %arg3[%mul3A_4] : memref<160000xi32, #tpu.memory_space<hbm>> -> memref<5000xi32, #tpu.memory_space<hbm>>
      tpu.enqueue_dma source(%dma_start3A_11 : memref<5000xi32, #tpu.memory_space<hbm>>) target(%arg6 : memref<5000xi32, #tpu.memory_space<vmem>>) target_semaphore(%run_scoped3A : memref<!tpu.dma_semaphore, #tpu.memory_space<semaphore_mem>>)
      %dma_wait3A = tpu.memref_slice %arg3[%mul3A_4] : memref<160000xi32, #tpu.memory_space<hbm>> -> memref<5000xi32, #tpu.memory_space<hbm>>
      %dma_wait3A_12 = tpu.memref_slice %arg3[%mul3A_4] : memref<160000xi32, #tpu.memory_space<hbm>> -> memref<5000xi32, #tpu.memory_space<hbm>>
      tpu.wait_dma2 semaphore(%run_scoped3A : memref<!tpu.dma_semaphore, #tpu.memory_space<semaphore_mem>>) src(%dma_wait3A_12 : memref<5000xi32, #tpu.memory_space<hbm>>) dst(%arg6 : memref<5000xi32, #tpu.memory_space<vmem>>)
      tpu.yield
    }) : () -> ()
    "tpu.region"() ({
      %run_scoped3A = tpu.sem_alloc : memref<!tpu.dma_semaphore, #tpu.memory_space<semaphore_mem>>
      %dma_start3A = arith.constant 0 : i32
      %dma_start3A_11 = tpu.memref_slice %arg2[%mul3A_4, %dma_start3A] : memref<160000x16xf32, #tpu.memory_space<hbm>> -> memref<5000x16xf32, #tpu.memory_space<hbm>>
      %dma_start3A_12 = arith.constant 0 : i32
      %dma_start3A_13 = tpu.memref_slice %arg2[%mul3A_4, %dma_start3A_12] : memref<160000x16xf32, #tpu.memory_space<hbm>> -> memref<5000x16xf32, #tpu.memory_space<hbm>>
      tpu.enqueue_dma source(%dma_start3A_13 : memref<5000x16xf32, #tpu.memory_space<hbm>>) target(%arg7 : memref<5000x16xf32, #tpu.memory_space<vmem>>) target_semaphore(%run_scoped3A : memref<!tpu.dma_semaphore, #tpu.memory_space<semaphore_mem>>)
      %dma_wait3A = arith.constant 0 : i32
      %dma_wait3A_14 = tpu.memref_slice %arg2[%mul3A_4, %dma_wait3A] : memref<160000x16xf32, #tpu.memory_space<hbm>> -> memref<5000x16xf32, #tpu.memory_space<hbm>>
      %dma_wait3A_15 = arith.constant 0 : i32
      %dma_wait3A_16 = tpu.memref_slice %arg2[%mul3A_4, %dma_wait3A_15] : memref<160000x16xf32, #tpu.memory_space<hbm>> -> memref<5000x16xf32, #tpu.memory_space<hbm>>
      tpu.wait_dma2 semaphore(%run_scoped3A : memref<!tpu.dma_semaphore, #tpu.memory_space<semaphore_mem>>) src(%dma_wait3A_16 : memref<5000x16xf32, #tpu.memory_space<hbm>>) dst(%arg7 : memref<5000x16xf32, #tpu.memory_space<vmem>>)
      tpu.yield
    }) : () -> ()
    "tpu.region"() ({
      %run_scoped3A = tpu.sem_alloc : memref<!tpu.dma_semaphore, #tpu.memory_space<semaphore_mem>>
      %dma_start3A = arith.constant 0 : i32
      %dma_start3A_11 = arith.constant 0 : i32
      %dma_start3A_12 = tpu.memref_slice %arg8[%dma_start3A, %dma_start3A_11] : memref<10000x16xf32, #tpu.memory_space<vmem_shared>> -> memref<10000x16xf32, #tpu.memory_space<vmem_shared>>
      tpu.enqueue_indirect_dma source(%arg7 : memref<5000x16xf32, #tpu.memory_space<vmem>>) target(%dma_start3A_12 : memref<10000x16xf32, #tpu.memory_space<vmem_shared>>) offsets(%arg6 : memref<5000xi32, #tpu.memory_space<vmem>>) semaphore(%run_scoped3A : memref<!tpu.dma_semaphore, #tpu.memory_space<semaphore_mem>>) {add = true}
      %dma_wait3A = arith.constant 0 : i32
      %dma_wait3A_13 = arith.constant 0 : i32
      %dma_wait3A_14 = tpu.memref_slice %arg8[%dma_wait3A, %dma_wait3A_13] : memref<10000x16xf32, #tpu.memory_space<vmem_shared>> -> memref<10000x16xf32, #tpu.memory_space<vmem_shared>>
      tpu.wait_indirect_dma semaphore(%run_scoped3A : memref<!tpu.dma_semaphore, #tpu.memory_space<semaphore_mem>>) src(%arg7 : memref<5000x16xf32, #tpu.memory_space<vmem>>) dst(%dma_wait3A_14 : memref<10000x16xf32, #tpu.memory_space<vmem_shared>>)
      tpu.yield
    }) : () -> ()
    %barrier3A_5 = arith.constant 0 : index
    tpu.barrier barrier_id(%barrier3A_5)
    %eq3A_6 = arith.constant 0 : i32
    %eq3A_7 = arith.cmpi eq, %arg1, %eq3A_6 : i32
    %convert_element_type3A_8 = arith.extui %eq3A_7 : i1 to i32
    %cond3A_9 = arith.constant 0 : i32
    %cond3A_10 = arith.cmpi ne, %convert_element_type3A_8, %cond3A_9 : i32
    scf.if %cond3A_10 {
      "tpu.region"() ({
        %run_scoped3A = tpu.sem_alloc : memref<!tpu.dma_semaphore, #tpu.memory_space<semaphore_mem>>
        %dma_start3A = arith.constant 0 : i32
        %dma_start3A_11 = arith.constant 0 : i32
        %dma_start3A_12 = tpu.memref_slice %arg5[%arg0, %dma_start3A, %dma_start3A_11] : memref<2x10000x16xf32, #tpu.memory_space<hbm>> -> memref<1x10000x16xf32, #tpu.memory_space<hbm>>
        %dma_start3A_13 = tpu.memref_squeeze %dma_start3A_12 : memref<1x10000x16xf32, #tpu.memory_space<hbm>> -> memref<10000x16xf32, #tpu.memory_space<hbm>>
        tpu.enqueue_dma source(%arg8 : memref<10000x16xf32, #tpu.memory_space<vmem_shared>>) target(%dma_start3A_13 : memref<10000x16xf32, #tpu.memory_space<hbm>>) target_semaphore(%run_scoped3A : memref<!tpu.dma_semaphore, #tpu.memory_space<semaphore_mem>>)
        %dma_wait3A = arith.constant 0 : i32
        %dma_wait3A_14 = arith.constant 0 : i32
        %dma_wait3A_15 = tpu.memref_slice %arg5[%arg0, %dma_wait3A, %dma_wait3A_14] : memref<2x10000x16xf32, #tpu.memory_space<hbm>> -> memref<1x10000x16xf32, #tpu.memory_space<hbm>>
        %dma_wait3A_16 = tpu.memref_squeeze %dma_wait3A_15 : memref<1x10000x16xf32, #tpu.memory_space<hbm>> -> memref<10000x16xf32, #tpu.memory_space<hbm>>
        tpu.wait_dma2 semaphore(%run_scoped3A : memref<!tpu.dma_semaphore, #tpu.memory_space<semaphore_mem>>) src(%arg8 : memref<10000x16xf32, #tpu.memory_space<vmem_shared>>) dst(%dma_wait3A_16 : memref<10000x16xf32, #tpu.memory_space<hbm>>)
        tpu.yield
      }) : () -> ()
    } else {
    }
    return
  }
}

#map = affine_map<(d0, d1) -> (0, 0)>
#map1 = affine_map<(d0, d1) -> (0)>
#map2 = affine_map<(d0, d1) -> (0, 0, 0)>
module attributes {stable_mosaic.version = 14 : i64} {
  func.func @k(%arg0: i32, %arg1: i32, %arg2: memref<160000x16xf32, #tpu.memory_space<hbm>>, %arg3: memref<160000xi32, #tpu.memory_space<hbm>>, %arg4: memref<10000x16xf32, #tpu.memory_space<hbm>>, %arg5: memref<2x10000x16xf32, #tpu.memory_space<hbm>>, %arg6: memref<5000xi32, #tpu.memory_space<vmem>>, %arg7: memref<5000x16xf32, #tpu.memory_space<vmem>>, %arg8: memref<10000x16xf32, #tpu.memory_space<vmem_shared>>) attributes {dimension_semantics = [#tpu.dimension_semantics<core_parallel>, #tpu.dimension_semantics<subcore_parallel>], iteration_bounds = array<i64: 2, 16>, scalar_prefetch = 0 : i64, scratch_operands = 3 : i64, tpu.core_type = #tpu.core_type<sc_vector_subcore>, window_params = [{transform_indices = #map}, {transform_indices = #map1}, {transform_indices = #map}, {transform_indices = #map2}]} {
    %mul3A = arith.constant 2 : i32
    %mul3A_0 = arith.muli %arg1, %mul3A : i32
    %add3A = arith.addi %mul3A_0, %arg0 : i32
    %eq3A = arith.constant 0 : i32
    %eq3A_1 = arith.cmpi eq, %arg1, %eq3A : i32
    %convert_element_type3A = arith.extui %eq3A_1 : i1 to i32
    %cond3A = arith.constant 0 : i32
    %cond3A_2 = arith.cmpi ne, %convert_element_type3A, %cond3A : i32
    scf.if %cond3A_2 {
      "tpu.region"() ({
        %run_scoped3A = tpu.sem_alloc : memref<!tpu.dma_semaphore, #tpu.memory_space<semaphore_mem>>
        tpu.enqueue_dma source(%arg4 : memref<10000x16xf32, #tpu.memory_space<hbm>>) target(%arg8 : memref<10000x16xf32, #tpu.memory_space<vmem_shared>>) target_semaphore(%run_scoped3A : memref<!tpu.dma_semaphore, #tpu.memory_space<semaphore_mem>>)
        tpu.wait_dma2 semaphore(%run_scoped3A : memref<!tpu.dma_semaphore, #tpu.memory_space<semaphore_mem>>) src(%arg4 : memref<10000x16xf32, #tpu.memory_space<hbm>>) dst(%arg8 : memref<10000x16xf32, #tpu.memory_space<vmem_shared>>)
        tpu.yield
      }) : () -> ()
    } else {
    }
    %barrier3A = arith.constant 0 : index
    tpu.barrier barrier_id(%barrier3A)
    %mul3A_3 = arith.constant 5000 : i32
    %mul3A_4 = arith.muli %add3A, %mul3A_3 : i32
    "tpu.region"() ({
      %run_scoped3A = tpu.sem_alloc : memref<!tpu.dma_semaphore, #tpu.memory_space<semaphore_mem>>
      %dma_start3A = tpu.memref_slice %arg3[%mul3A_4] : memref<160000xi32, #tpu.memory_space<hbm>> -> memref<5000xi32, #tpu.memory_space<hbm>>
      %dma_start3A_11 = tpu.memref_slice %arg3[%mul3A_4] : memref<160000xi32, #tpu.memory_space<hbm>> -> memref<5000xi32, #tpu.memory_space<hbm>>
      tpu.enqueue_dma source(%dma_start3A_11 : memref<5000xi32, #tpu.memory_space<hbm>>) target(%arg6 : memref<5000xi32, #tpu.memory_space<vmem>>) target_semaphore(%run_scoped3A : memref<!tpu.dma_semaphore, #tpu.memory_space<semaphore_mem>>)
      %dma_wait3A = tpu.memref_slice %arg3[%mul3A_4] : memref<160000xi32, #tpu.memory_space<hbm>> -> memref<5000xi32, #tpu.memory_space<hbm>>
      %dma_wait3A_12 = tpu.memref_slice %arg3[%mul3A_4] : memref<160000xi32, #tpu.memory_space<hbm>> -> memref<5000xi32, #tpu.memory_space<hbm>>
      tpu.wait_dma2 semaphore(%run_scoped3A : memref<!tpu.dma_semaphore, #tpu.memory_space<semaphore_mem>>) src(%dma_wait3A_12 : memref<5000xi32, #tpu.memory_space<hbm>>) dst(%arg6 : memref<5000xi32, #tpu.memory_space<vmem>>)
      tpu.yield
    }) : () -> ()
    "tpu.region"() ({
      %run_scoped3A = tpu.sem_alloc : memref<!tpu.dma_semaphore, #tpu.memory_space<semaphore_mem>>
      %dma_start3A = arith.constant 0 : i32
      %dma_start3A_11 = tpu.memref_slice %arg2[%mul3A_4, %dma_start3A] : memref<160000x16xf32, #tpu.memory_space<hbm>> -> memref<5000x16xf32, #tpu.memory_space<hbm>>
      %dma_start3A_12 = arith.constant 0 : i32
      %dma_start3A_13 = tpu.memref_slice %arg2[%mul3A_4, %dma_start3A_12] : memref<160000x16xf32, #tpu.memory_space<hbm>> -> memref<5000x16xf32, #tpu.memory_space<hbm>>
      tpu.enqueue_dma source(%dma_start3A_13 : memref<5000x16xf32, #tpu.memory_space<hbm>>) target(%arg7 : memref<5000x16xf32, #tpu.memory_space<vmem>>) target_semaphore(%run_scoped3A : memref<!tpu.dma_semaphore, #tpu.memory_space<semaphore_mem>>)
      %dma_wait3A = arith.constant 0 : i32
      %dma_wait3A_14 = tpu.memref_slice %arg2[%mul3A_4, %dma_wait3A] : memref<160000x16xf32, #tpu.memory_space<hbm>> -> memref<5000x16xf32, #tpu.memory_space<hbm>>
      %dma_wait3A_15 = arith.constant 0 : i32
      %dma_wait3A_16 = tpu.memref_slice %arg2[%mul3A_4, %dma_wait3A_15] : memref<160000x16xf32, #tpu.memory_space<hbm>> -> memref<5000x16xf32, #tpu.memory_space<hbm>>
      tpu.wait_dma2 semaphore(%run_scoped3A : memref<!tpu.dma_semaphore, #tpu.memory_space<semaphore_mem>>) src(%dma_wait3A_16 : memref<5000x16xf32, #tpu.memory_space<hbm>>) dst(%arg7 : memref<5000x16xf32, #tpu.memory_space<vmem>>)
      tpu.yield
    }) : () -> ()
    "tpu.region"() ({
      %run_scoped3A = tpu.sem_alloc : memref<!tpu.dma_semaphore, #tpu.memory_space<semaphore_mem>>
      %dma_start3A = arith.constant 0 : i32
      %dma_start3A_11 = arith.constant 0 : i32
      %dma_start3A_12 = tpu.memref_slice %arg8[%dma_start3A, %dma_start3A_11] : memref<10000x16xf32, #tpu.memory_space<vmem_shared>> -> memref<10000x16xf32, #tpu.memory_space<vmem_shared>>
      tpu.enqueue_indirect_dma source(%arg7 : memref<5000x16xf32, #tpu.memory_space<vmem>>) target(%dma_start3A_12 : memref<10000x16xf32, #tpu.memory_space<vmem_shared>>) offsets(%arg6 : memref<5000xi32, #tpu.memory_space<vmem>>) semaphore(%run_scoped3A : memref<!tpu.dma_semaphore, #tpu.memory_space<semaphore_mem>>) {add = true}
      %dma_wait3A = arith.constant 0 : i32
      %dma_wait3A_13 = arith.constant 0 : i32
      %dma_wait3A_14 = tpu.memref_slice %arg8[%dma_wait3A, %dma_wait3A_13] : memref<10000x16xf32, #tpu.memory_space<vmem_shared>> -> memref<10000x16xf32, #tpu.memory_space<vmem_shared>>
      tpu.wait_indirect_dma semaphore(%run_scoped3A : memref<!tpu.dma_semaphore, #tpu.memory_space<semaphore_mem>>) src(%arg7 : memref<5000x16xf32, #tpu.memory_space<vmem>>) dst(%dma_wait3A_14 : memref<10000x16xf32, #tpu.memory_space<vmem_shared>>)
      tpu.yield
    }) : () -> ()
    %barrier3A_5 = arith.constant 0 : index
    tpu.barrier barrier_id(%barrier3A_5)
    %eq3A_6 = arith.constant 0 : i32
    %eq3A_7 = arith.cmpi eq, %arg1, %eq3A_6 : i32
    %convert_element_type3A_8 = arith.extui %eq3A_7 : i1 to i32
    %cond3A_9 = arith.constant 0 : i32
    %cond3A_10 = arith.cmpi ne, %convert_element_type3A_8, %cond3A_9 : i32
    scf.if %cond3A_10 {
      "tpu.region"() ({
        %run_scoped3A = tpu.sem_alloc : memref<!tpu.dma_semaphore, #tpu.memory_space<semaphore_mem>>
        %dma_start3A = arith.constant 0 : i32
        %dma_start3A_11 = arith.constant 0 : i32
        %dma_start3A_12 = tpu.memref_slice %arg5[%arg0, %dma_start3A, %dma_start3A_11] : memref<2x10000x16xf32, #tpu.memory_space<hbm>> -> memref<1x10000x16xf32, #tpu.memory_space<hbm>>
        %dma_start3A_13 = tpu.memref_squeeze %dma_start3A_12 : memref<1x10000x16xf32, #tpu.memory_space<hbm>> -> memref<10000x16xf32, #tpu.memory_space<hbm>>
        tpu.enqueue_dma source(%arg8 : memref<10000x16xf32, #tpu.memory_space<vmem_shared>>) target(%dma_start3A_13 : memref<10000x16xf32, #tpu.memory_space<hbm>>) target_semaphore(%run_scoped3A : memref<!tpu.dma_semaphore, #tpu.memory_space<semaphore_mem>>)
        %dma_wait3A = arith.constant 0 : i32
        %dma_wait3A_14 = arith.constant 0 : i32
        %dma_wait3A_15 = tpu.memref_slice %arg5[%arg0, %dma_wait3A, %dma_wait3A_14] : memref<2x10000x16xf32, #tpu.memory_space<hbm>> -> memref<1x10000x16xf32, #tpu.memory_space<hbm>>
        %dma_wait3A_16 = tpu.memref_squeeze %dma_wait3A_15 : memref<1x10000x16xf32, #tpu.memory_space<hbm>> -> memref<10000x16xf32, #tpu.memory_space<hbm>>
        tpu.wait_dma2 semaphore(%run_scoped3A : memref<!tpu.dma_semaphore, #tpu.memory_space<semaphore_mem>>) src(%arg8 : memref<10000x16xf32, #tpu.memory_space<vmem_shared>>) dst(%dma_wait3A_16 : memref<10000x16xf32, #tpu.memory_space<hbm>>)
        tpu.yield
      }) : () -> ()
    } else {
    }
    return
  }
}

#map = affine_map<(d0, d1) -> (0, 0)>
#map1 = affine_map<(d0, d1) -> (0)>
module attributes {stable_mosaic.version = 14 : i64} {
  func.func @k(%arg0: i32, %arg1: i32, %arg2: memref<10000x16xf32, #tpu.memory_space<hbm>>, %arg3: memref<160000xi32, #tpu.memory_space<hbm>>, %arg4: memref<160000x16xf32, #tpu.memory_space<hbm>>, %arg5: memref<5000xi32, #tpu.memory_space<vmem>>, %arg6: memref<5000x16xf32, #tpu.memory_space<vmem>>, %arg7: memref<!tpu.dma_semaphore, #tpu.memory_space<semaphore_mem>>) attributes {dimension_semantics = [#tpu.dimension_semantics<core_parallel>, #tpu.dimension_semantics<subcore_parallel>], iteration_bounds = array<i64: 2, 16>, scalar_prefetch = 0 : i64, scratch_operands = 3 : i64, tpu.core_type = #tpu.core_type<sc_vector_subcore>, window_params = [{transform_indices = #map}, {transform_indices = #map1}, {transform_indices = #map}]} {
    %mul3A = arith.constant 2 : i32
    %mul3A_0 = arith.muli %arg1, %mul3A : i32
    %add3A = arith.addi %mul3A_0, %arg0 : i32
    %mul3A_1 = arith.constant 5000 : i32
    %mul3A_2 = arith.muli %add3A, %mul3A_1 : i32
    "tpu.region"() ({
      %run_scoped3A = tpu.sem_alloc : memref<!tpu.dma_semaphore, #tpu.memory_space<semaphore_mem>>
      %dma_start3A_7 = tpu.memref_slice %arg3[%mul3A_2] : memref<160000xi32, #tpu.memory_space<hbm>> -> memref<5000xi32, #tpu.memory_space<hbm>>
      %dma_start3A_8 = tpu.memref_slice %arg3[%mul3A_2] : memref<160000xi32, #tpu.memory_space<hbm>> -> memref<5000xi32, #tpu.memory_space<hbm>>
      tpu.enqueue_dma source(%dma_start3A_8 : memref<5000xi32, #tpu.memory_space<hbm>>) target(%arg5 : memref<5000xi32, #tpu.memory_space<vmem>>) target_semaphore(%run_scoped3A : memref<!tpu.dma_semaphore, #tpu.memory_space<semaphore_mem>>)
      %dma_wait3A_9 = tpu.memref_slice %arg3[%mul3A_2] : memref<160000xi32, #tpu.memory_space<hbm>> -> memref<5000xi32, #tpu.memory_space<hbm>>
      %dma_wait3A_10 = tpu.memref_slice %arg3[%mul3A_2] : memref<160000xi32, #tpu.memory_space<hbm>> -> memref<5000xi32, #tpu.memory_space<hbm>>
      tpu.wait_dma2 semaphore(%run_scoped3A : memref<!tpu.dma_semaphore, #tpu.memory_space<semaphore_mem>>) src(%dma_wait3A_10 : memref<5000xi32, #tpu.memory_space<hbm>>) dst(%arg5 : memref<5000xi32, #tpu.memory_space<vmem>>)
      tpu.yield
    }) : () -> ()
    %dma_start3A = arith.constant 0 : i32
    %dma_start3A_3 = arith.constant 0 : i32
    %dma_start3A_4 = tpu.memref_slice %arg2[%dma_start3A, %dma_start3A_3] : memref<10000x16xf32, #tpu.memory_space<hbm>> -> memref<10000x16xf32, #tpu.memory_space<hbm>>
    tpu.enqueue_indirect_dma source(%dma_start3A_4 : memref<10000x16xf32, #tpu.memory_space<hbm>>) target(%arg6 : memref<5000x16xf32, #tpu.memory_space<vmem>>) offsets(%arg5 : memref<5000xi32, #tpu.memory_space<vmem>>) semaphore(%arg7 : memref<!tpu.dma_semaphore, #tpu.memory_space<semaphore_mem>>)
    %dma_wait3A = arith.constant 0 : i32
    %dma_wait3A_5 = arith.constant 0 : i32
    %dma_wait3A_6 = tpu.memref_slice %arg2[%dma_wait3A, %dma_wait3A_5] : memref<10000x16xf32, #tpu.memory_space<hbm>> -> memref<10000x16xf32, #tpu.memory_space<hbm>>
    tpu.wait_indirect_dma semaphore(%arg7 : memref<!tpu.dma_semaphore, #tpu.memory_space<semaphore_mem>>) src(%dma_wait3A_6 : memref<10000x16xf32, #tpu.memory_space<hbm>>) dst(%arg6 : memref<5000x16xf32, #tpu.memory_space<vmem>>)
    "tpu.region"() ({
      %run_scoped3A = tpu.sem_alloc : memref<!tpu.dma_semaphore, #tpu.memory_space<semaphore_mem>>
      %dma_start3A_7 = arith.constant 0 : i32
      %dma_start3A_8 = tpu.memref_slice %arg4[%mul3A_2, %dma_start3A_7] : memref<160000x16xf32, #tpu.memory_space<hbm>> -> memref<5000x16xf32, #tpu.memory_space<hbm>>
      %dma_start3A_9 = arith.constant 0 : i32
      %dma_start3A_10 = tpu.memref_slice %arg4[%mul3A_2, %dma_start3A_9] : memref<160000x16xf32, #tpu.memory_space<hbm>> -> memref<5000x16xf32, #tpu.memory_space<hbm>>
      tpu.enqueue_dma source(%arg6 : memref<5000x16xf32, #tpu.memory_space<vmem>>) target(%dma_start3A_10 : memref<5000x16xf32, #tpu.memory_space<hbm>>) target_semaphore(%run_scoped3A : memref<!tpu.dma_semaphore, #tpu.memory_space<semaphore_mem>>)
      %dma_wait3A_11 = arith.constant 0 : i32
      %dma_wait3A_12 = tpu.memref_slice %arg4[%mul3A_2, %dma_wait3A_11] : memref<160000x16xf32, #tpu.memory_space<hbm>> -> memref<5000x16xf32, #tpu.memory_space<hbm>>
      %dma_wait3A_13 = arith.constant 0 : i32
      %dma_wait3A_14 = tpu.memref_slice %arg4[%mul3A_2, %dma_wait3A_13] : memref<160000x16xf32, #tpu.memory_space<hbm>> -> memref<5000x16xf32, #tpu.memory_space<hbm>>
      tpu.wait_dma2 semaphore(%run_scoped3A : memref<!tpu.dma_semaphore, #tpu.memory_space<semaphore_mem>>) src(%arg6 : memref<5000x16xf32, #tpu.memory_space<vmem>>) dst(%dma_wait3A_14 : memref<5000x16xf32, #tpu.memory_space<hbm>>)
      tpu.yield
    }) : () -> ()
    return
  }
}

#map = affine_map<(d0, d1) -> (0, 0)>
#map1 = affine_map<(d0, d1) -> (0)>
#map2 = affine_map<(d0, d1) -> (0, 0, 0)>
module attributes {stable_mosaic.version = 14 : i64} {
  func.func @k(%arg0: i32, %arg1: i32, %arg2: memref<160000x16xf32, #tpu.memory_space<hbm>>, %arg3: memref<160000xi32, #tpu.memory_space<hbm>>, %arg4: memref<10000x16xf32, #tpu.memory_space<hbm>>, %arg5: memref<2x10000x16xf32, #tpu.memory_space<hbm>>, %arg6: memref<5000xi32, #tpu.memory_space<vmem>>, %arg7: memref<5000x16xf32, #tpu.memory_space<vmem>>, %arg8: memref<10000x16xf32, #tpu.memory_space<vmem_shared>>) attributes {dimension_semantics = [#tpu.dimension_semantics<core_parallel>, #tpu.dimension_semantics<subcore_parallel>], iteration_bounds = array<i64: 2, 16>, scalar_prefetch = 0 : i64, scratch_operands = 3 : i64, tpu.core_type = #tpu.core_type<sc_vector_subcore>, window_params = [{transform_indices = #map}, {transform_indices = #map1}, {transform_indices = #map}, {transform_indices = #map2}]} {
    %mul3A = arith.constant 2 : i32
    %mul3A_0 = arith.muli %arg1, %mul3A : i32
    %add3A = arith.addi %mul3A_0, %arg0 : i32
    %eq3A = arith.constant 0 : i32
    %eq3A_1 = arith.cmpi eq, %arg1, %eq3A : i32
    %convert_element_type3A = arith.extui %eq3A_1 : i1 to i32
    %cond3A = arith.constant 0 : i32
    %cond3A_2 = arith.cmpi ne, %convert_element_type3A, %cond3A : i32
    scf.if %cond3A_2 {
      "tpu.region"() ({
        %run_scoped3A = tpu.sem_alloc : memref<!tpu.dma_semaphore, #tpu.memory_space<semaphore_mem>>
        tpu.enqueue_dma source(%arg4 : memref<10000x16xf32, #tpu.memory_space<hbm>>) target(%arg8 : memref<10000x16xf32, #tpu.memory_space<vmem_shared>>) target_semaphore(%run_scoped3A : memref<!tpu.dma_semaphore, #tpu.memory_space<semaphore_mem>>)
        tpu.wait_dma2 semaphore(%run_scoped3A : memref<!tpu.dma_semaphore, #tpu.memory_space<semaphore_mem>>) src(%arg4 : memref<10000x16xf32, #tpu.memory_space<hbm>>) dst(%arg8 : memref<10000x16xf32, #tpu.memory_space<vmem_shared>>)
        tpu.yield
      }) : () -> ()
    } else {
    }
    %barrier3A = arith.constant 0 : index
    tpu.barrier barrier_id(%barrier3A)
    %mul3A_3 = arith.constant 5000 : i32
    %mul3A_4 = arith.muli %add3A, %mul3A_3 : i32
    "tpu.region"() ({
      %run_scoped3A = tpu.sem_alloc : memref<!tpu.dma_semaphore, #tpu.memory_space<semaphore_mem>>
      %dma_start3A = tpu.memref_slice %arg3[%mul3A_4] : memref<160000xi32, #tpu.memory_space<hbm>> -> memref<5000xi32, #tpu.memory_space<hbm>>
      %dma_start3A_11 = tpu.memref_slice %arg3[%mul3A_4] : memref<160000xi32, #tpu.memory_space<hbm>> -> memref<5000xi32, #tpu.memory_space<hbm>>
      tpu.enqueue_dma source(%dma_start3A_11 : memref<5000xi32, #tpu.memory_space<hbm>>) target(%arg6 : memref<5000xi32, #tpu.memory_space<vmem>>) target_semaphore(%run_scoped3A : memref<!tpu.dma_semaphore, #tpu.memory_space<semaphore_mem>>)
      %dma_wait3A = tpu.memref_slice %arg3[%mul3A_4] : memref<160000xi32, #tpu.memory_space<hbm>> -> memref<5000xi32, #tpu.memory_space<hbm>>
      %dma_wait3A_12 = tpu.memref_slice %arg3[%mul3A_4] : memref<160000xi32, #tpu.memory_space<hbm>> -> memref<5000xi32, #tpu.memory_space<hbm>>
      tpu.wait_dma2 semaphore(%run_scoped3A : memref<!tpu.dma_semaphore, #tpu.memory_space<semaphore_mem>>) src(%dma_wait3A_12 : memref<5000xi32, #tpu.memory_space<hbm>>) dst(%arg6 : memref<5000xi32, #tpu.memory_space<vmem>>)
      tpu.yield
    }) : () -> ()
    "tpu.region"() ({
      %run_scoped3A = tpu.sem_alloc : memref<!tpu.dma_semaphore, #tpu.memory_space<semaphore_mem>>
      %dma_start3A = arith.constant 0 : i32
      %dma_start3A_11 = tpu.memref_slice %arg2[%mul3A_4, %dma_start3A] : memref<160000x16xf32, #tpu.memory_space<hbm>> -> memref<5000x16xf32, #tpu.memory_space<hbm>>
      %dma_start3A_12 = arith.constant 0 : i32
      %dma_start3A_13 = tpu.memref_slice %arg2[%mul3A_4, %dma_start3A_12] : memref<160000x16xf32, #tpu.memory_space<hbm>> -> memref<5000x16xf32, #tpu.memory_space<hbm>>
      tpu.enqueue_dma source(%dma_start3A_13 : memref<5000x16xf32, #tpu.memory_space<hbm>>) target(%arg7 : memref<5000x16xf32, #tpu.memory_space<vmem>>) target_semaphore(%run_scoped3A : memref<!tpu.dma_semaphore, #tpu.memory_space<semaphore_mem>>)
      %dma_wait3A = arith.constant 0 : i32
      %dma_wait3A_14 = tpu.memref_slice %arg2[%mul3A_4, %dma_wait3A] : memref<160000x16xf32, #tpu.memory_space<hbm>> -> memref<5000x16xf32, #tpu.memory_space<hbm>>
      %dma_wait3A_15 = arith.constant 0 : i32
      %dma_wait3A_16 = tpu.memref_slice %arg2[%mul3A_4, %dma_wait3A_15] : memref<160000x16xf32, #tpu.memory_space<hbm>> -> memref<5000x16xf32, #tpu.memory_space<hbm>>
      tpu.wait_dma2 semaphore(%run_scoped3A : memref<!tpu.dma_semaphore, #tpu.memory_space<semaphore_mem>>) src(%dma_wait3A_16 : memref<5000x16xf32, #tpu.memory_space<hbm>>) dst(%arg7 : memref<5000x16xf32, #tpu.memory_space<vmem>>)
      tpu.yield
    }) : () -> ()
    "tpu.region"() ({
      %run_scoped3A = tpu.sem_alloc : memref<!tpu.dma_semaphore, #tpu.memory_space<semaphore_mem>>
      %dma_start3A = arith.constant 0 : i32
      %dma_start3A_11 = arith.constant 0 : i32
      %dma_start3A_12 = tpu.memref_slice %arg8[%dma_start3A, %dma_start3A_11] : memref<10000x16xf32, #tpu.memory_space<vmem_shared>> -> memref<10000x16xf32, #tpu.memory_space<vmem_shared>>
      tpu.enqueue_indirect_dma source(%arg7 : memref<5000x16xf32, #tpu.memory_space<vmem>>) target(%dma_start3A_12 : memref<10000x16xf32, #tpu.memory_space<vmem_shared>>) offsets(%arg6 : memref<5000xi32, #tpu.memory_space<vmem>>) semaphore(%run_scoped3A : memref<!tpu.dma_semaphore, #tpu.memory_space<semaphore_mem>>) {add = true}
      %dma_wait3A = arith.constant 0 : i32
      %dma_wait3A_13 = arith.constant 0 : i32
      %dma_wait3A_14 = tpu.memref_slice %arg8[%dma_wait3A, %dma_wait3A_13] : memref<10000x16xf32, #tpu.memory_space<vmem_shared>> -> memref<10000x16xf32, #tpu.memory_space<vmem_shared>>
      tpu.wait_indirect_dma semaphore(%run_scoped3A : memref<!tpu.dma_semaphore, #tpu.memory_space<semaphore_mem>>) src(%arg7 : memref<5000x16xf32, #tpu.memory_space<vmem>>) dst(%dma_wait3A_14 : memref<10000x16xf32, #tpu.memory_space<vmem_shared>>)
      tpu.yield
    }) : () -> ()
    %barrier3A_5 = arith.constant 0 : index
    tpu.barrier barrier_id(%barrier3A_5)
    %eq3A_6 = arith.constant 0 : i32
    %eq3A_7 = arith.cmpi eq, %arg1, %eq3A_6 : i32
    %convert_element_type3A_8 = arith.extui %eq3A_7 : i1 to i32
    %cond3A_9 = arith.constant 0 : i32
    %cond3A_10 = arith.cmpi ne, %convert_element_type3A_8, %cond3A_9 : i32
    scf.if %cond3A_10 {
      "tpu.region"() ({
        %run_scoped3A = tpu.sem_alloc : memref<!tpu.dma_semaphore, #tpu.memory_space<semaphore_mem>>
        %dma_start3A = arith.constant 0 : i32
        %dma_start3A_11 = arith.constant 0 : i32
        %dma_start3A_12 = tpu.memref_slice %arg5[%arg0, %dma_start3A, %dma_start3A_11] : memref<2x10000x16xf32, #tpu.memory_space<hbm>> -> memref<1x10000x16xf32, #tpu.memory_space<hbm>>
        %dma_start3A_13 = tpu.memref_squeeze %dma_start3A_12 : memref<1x10000x16xf32, #tpu.memory_space<hbm>> -> memref<10000x16xf32, #tpu.memory_space<hbm>>
        tpu.enqueue_dma source(%arg8 : memref<10000x16xf32, #tpu.memory_space<vmem_shared>>) target(%dma_start3A_13 : memref<10000x16xf32, #tpu.memory_space<hbm>>) target_semaphore(%run_scoped3A : memref<!tpu.dma_semaphore, #tpu.memory_space<semaphore_mem>>)
        %dma_wait3A = arith.constant 0 : i32
        %dma_wait3A_14 = arith.constant 0 : i32
        %dma_wait3A_15 = tpu.memref_slice %arg5[%arg0, %dma_wait3A, %dma_wait3A_14] : memref<2x10000x16xf32, #tpu.memory_space<hbm>> -> memref<1x10000x16xf32, #tpu.memory_space<hbm>>
        %dma_wait3A_16 = tpu.memref_squeeze %dma_wait3A_15 : memref<1x10000x16xf32, #tpu.memory_space<hbm>> -> memref<10000x16xf32, #tpu.memory_space<hbm>>
        tpu.wait_dma2 semaphore(%run_scoped3A : memref<!tpu.dma_semaphore, #tpu.memory_space<semaphore_mem>>) src(%arg8 : memref<10000x16xf32, #tpu.memory_space<vmem_shared>>) dst(%dma_wait3A_16 : memref<10000x16xf32, #tpu.memory_space<hbm>>)
        tpu.yield
      }) : () -> ()
    } else {
    }
    return
  }
}

module attributes {stable_mosaic.version = 14 : i64} {
  func.func @_proj_body(%arg0: memref<10000x128xf32, #tpu.memory_space<vmem>>, %arg1: memref<128x16xf32, #tpu.memory_space<vmem>>, %arg2: memref<1x16xf32, #tpu.memory_space<vmem>>, %arg3: memref<10000x16xf32, #tpu.memory_space<vmem>>) attributes {dimension_semantics = [], scalar_prefetch = 0 : i64, scratch_operands = 0 : i64, tpu.core_type = #tpu.core_type<tc>} {
    %get3A = arith.constant 0 : index
    %get3A_0 = arith.constant 0 : index
    %get3A_1 = vector.load %arg0[%get3A, %get3A_0] : memref<10000x128xf32, #tpu.memory_space<vmem>>, vector<10000x128xf32>
    %get3A_2 = arith.constant 0 : index
    %get3A_3 = arith.constant 0 : index
    %get3A_4 = vector.load %arg1[%get3A_2, %get3A_3] : memref<128x16xf32, #tpu.memory_space<vmem>>, vector<128x16xf32>
    %dot_general3A = arith.constant dense<0.000000e+00> : vector<10000x16xf32>
    %dot_general3A_5 = tpu.matmul %get3A_1, %get3A_4, %dot_general3A {dimension_numbers = #tpu.dot_dimension_numbers<[1], [0], [0], [1], [0, 0, 1, 1], [], []>, transpose_lhs_hint = false} : vector<10000x128xf32>, vector<128x16xf32>, vector<10000x16xf32> -> vector<10000x16xf32>
    %get3A_6 = arith.constant 0 : index
    %get3A_7 = arith.constant 0 : index
    %get3A_8 = vector.load %arg2[%get3A_6, %get3A_7] : memref<1x16xf32, #tpu.memory_space<vmem>>, vector<1x16xf32>
    %add3A = vector.broadcast %get3A_8 : vector<1x16xf32> to vector<10000x16xf32>
    %add3A_9 = arith.addf %dot_general3A_5, %add3A : vector<10000x16xf32>
    %max3A = arith.constant 0.000000e+00 : f32
    %max3A_10 = vector.broadcast %max3A : f32 to vector<10000x16xf32>
    %max3A_11 = arith.maximumf %add3A_9, %max3A_10 : vector<10000x16xf32>
    %swap3A = arith.constant 0 : index
    %swap3A_12 = arith.constant 0 : index
    %swap3A_13 = vector.load %arg3[%swap3A, %swap3A_12] : memref<10000x16xf32, #tpu.memory_space<vmem>>, vector<10000x16xf32>
    tpu.vector_store %arg3[%swap3A, %swap3A_12], %max3A_11 {strides = array<i32>} : memref<10000x16xf32, #tpu.memory_space<vmem>>, vector<10000x16xf32>,
    return
  }
}

module attributes {stable_mosaic.version = 14 : i64} {
  func.func @_msg_body(%arg0: i32, %arg1: memref<2000x128xf32, #tpu.memory_space<vmem>>, %arg2: memref<2000x128xf32, #tpu.memory_space<vmem>>, %arg3: memref<128x256xf32, #tpu.memory_space<vmem>>, %arg4: memref<1x256xf32, #tpu.memory_space<vmem>>, %arg5: memref<256x2048xf32, #tpu.memory_space<vmem>>, %arg6: memref<128x2048xf32, #tpu.memory_space<vmem>>, %arg7: memref<2048x128xbf16, #tpu.memory_space<vmem>>, %arg8: memref<128x128xf32, #tpu.memory_space<vmem>>, %arg9: memref<2000x128xf32, #tpu.memory_space<vmem>>) attributes {dimension_semantics = [#tpu.dimension_semantics<arbitrary>], iteration_bounds = array<i64: 10>, scalar_prefetch = 0 : i64, scratch_operands = 0 : i64, tpu.core_type = #tpu.core_type<tc>, window_params = [{transform_indices = @transform_0, window_bounds = array<i64: 2000, 128>}, {transform_indices = @transform_1, window_bounds = array<i64: 2000, 128>}, {pipeline_mode = #tpu.pipeline_mode<synchronous>, transform_indices = @transform_2, window_bounds = array<i64: 128, 256>}, {pipeline_mode = #tpu.pipeline_mode<synchronous>, transform_indices = @transform_3, window_bounds = array<i64: 1, 256>}, {pipeline_mode = #tpu.pipeline_mode<synchronous>, transform_indices = @transform_4, window_bounds = array<i64: 256, 2048>}, {pipeline_mode = #tpu.pipeline_mode<synchronous>, transform_indices = @transform_5, window_bounds = array<i64: 128, 2048>}, {pipeline_mode = #tpu.pipeline_mode<synchronous>, transform_indices = @transform_6, window_bounds = array<i64: 2048, 128>}, {pipeline_mode = #tpu.pipeline_mode<synchronous>, transform_indices = @transform_7, window_bounds = array<i64: 128, 128>}, {transform_indices = @transform_8, window_bounds = array<i64: 2000, 128>}]} {
    %get3A = arith.constant 0 : index
    %get3A_0 = arith.constant 0 : index
    %get3A_1 = vector.load %arg2[%get3A, %get3A_0] : memref<2000x128xf32, #tpu.memory_space<vmem>>, vector<2000x128xf32>
    %get3A_2 = arith.constant 0 : index
    %get3A_3 = arith.constant 0 : index
    %get3A_4 = vector.load %arg1[%get3A_2, %get3A_3] : memref<2000x128xf32, #tpu.memory_space<vmem>>, vector<2000x128xf32>
    %get3A_5 = arith.constant 0 : index
    %get3A_6 = arith.constant 0 : index
    %get3A_7 = vector.load %arg3[%get3A_5, %get3A_6] : memref<128x256xf32, #tpu.memory_space<vmem>>, vector<128x256xf32>
    %dot_general3A = arith.constant dense<0.000000e+00> : vector<2000x256xf32>
    %dot_general3A_8 = tpu.matmul %get3A_4, %get3A_7, %dot_general3A {dimension_numbers = #tpu.dot_dimension_numbers<[1], [0], [0], [1], [0, 0, 1, 1], [], []>, transpose_lhs_hint = false} : vector<2000x128xf32>, vector<128x256xf32>, vector<2000x256xf32> -> vector<2000x256xf32>
    %get3A_9 = arith.constant 0 : index
    %get3A_10 = arith.constant 0 : index
    %get3A_11 = vector.load %arg4[%get3A_9, %get3A_10] : memref<1x256xf32, #tpu.memory_space<vmem>>, vector<1x256xf32>
    %add3A = vector.broadcast %get3A_11 : vector<1x256xf32> to vector<2000x256xf32>
    %add3A_12 = arith.addf %dot_general3A_8, %add3A : vector<2000x256xf32>
    %max3A = arith.constant 0.000000e+00 : f32
    %max3A_13 = vector.broadcast %max3A : f32 to vector<2000x256xf32>
    %max3A_14 = arith.maximumf %add3A_12, %max3A_13 : vector<2000x256xf32>
    %get3A_15 = arith.constant 0 : index
    %get3A_16 = arith.constant 0 : index
    %get3A_17 = vector.load %arg5[%get3A_15, %get3A_16] : memref<256x2048xf32, #tpu.memory_space<vmem>>, vector<256x2048xf32>
    %dot_general3A_18 = arith.constant dense<0.000000e+00> : vector<2000x2048xf32>
    %dot_general3A_19 = tpu.matmul %max3A_14, %get3A_17, %dot_general3A_18 {dimension_numbers = #tpu.dot_dimension_numbers<[1], [0], [0], [1], [0, 0, 1, 1], [], []>, transpose_lhs_hint = false} : vector<2000x256xf32>, vector<256x2048xf32>, vector<2000x2048xf32> -> vector<2000x2048xf32>
    %convert_element_type3A = arith.truncf %dot_general3A_19 : vector<2000x2048xf32> to vector<2000x2048xbf16>
    %get3A_20 = arith.constant 0 : index
    %get3A_21 = arith.constant 0 : index
    %get3A_22 = vector.load %arg6[%get3A_20, %get3A_21] : memref<128x2048xf32, #tpu.memory_space<vmem>>, vector<128x2048xf32>
    %dot_general3A_23 = arith.constant dense<0.000000e+00> : vector<2000x2048xf32>
    %dot_general3A_24 = tpu.matmul %get3A_1, %get3A_22, %dot_general3A_23 {dimension_numbers = #tpu.dot_dimension_numbers<[1], [0], [0], [1], [0, 0, 1, 1], [], []>, transpose_lhs_hint = false} : vector<2000x128xf32>, vector<128x2048xf32>, vector<2000x2048xf32> -> vector<2000x2048xf32>
    %convert_element_type3A_25 = arith.truncf %dot_general3A_24 : vector<2000x2048xf32> to vector<2000x2048xbf16>
    %mul3A = arith.mulf %convert_element_type3A, %convert_element_type3A_25 : vector<2000x2048xbf16>
    %get3A_26 = arith.constant 0 : index
    %get3A_27 = arith.constant 0 : index
    %get3A_28 = vector.load %arg7[%get3A_26, %get3A_27] : memref<2048x128xbf16, #tpu.memory_space<vmem>>, vector<2048x128xbf16>
    %dot_general3A_29 = arith.constant dense<0.000000e+00> : vector<2000x128xf32>
    %dot_general3A_30 = tpu.matmul %mul3A, %get3A_28, %dot_general3A_29 {dimension_numbers = #tpu.dot_dimension_numbers<[1], [0], [0], [1], [0, 0, 1, 1], [], []>, transpose_lhs_hint = false} : vector<2000x2048xbf16>, vector<2048x128xbf16>, vector<2000x128xf32> -> vector<2000x128xf32>
    %get3A_31 = arith.constant 0 : index
    %get3A_32 = arith.constant 0 : index
    %get3A_33 = vector.load %arg8[%get3A_31, %get3A_32] : memref<128x128xf32, #tpu.memory_space<vmem>>, vector<128x128xf32>
    %dot_general3A_34 = arith.constant dense<0.000000e+00> : vector<2000x128xf32>
    %dot_general3A_35 = tpu.matmul %get3A_1, %get3A_33, %dot_general3A_34 {dimension_numbers = #tpu.dot_dimension_numbers<[1], [0], [0], [1], [0, 0, 1, 1], [], []>, transpose_lhs_hint = false} : vector<2000x128xf32>, vector<128x128xf32>, vector<2000x128xf32> -> vector<2000x128xf32>
    %add3A_36 = arith.addf %dot_general3A_30, %dot_general3A_35 : vector<2000x128xf32>
    %swap3A = arith.constant 0 : index
    %swap3A_37 = arith.constant 0 : index
    %swap3A_38 = vector.load %arg9[%swap3A, %swap3A_37] : memref<2000x128xf32, #tpu.memory_space<vmem>>, vector<2000x128xf32>
    tpu.vector_store %arg9[%swap3A, %swap3A_37], %add3A_36 {strides = array<i32>} : memref<2000x128xf32, #tpu.memory_space<vmem>>, vector<2000x128xf32>,
    return
  }
  func.func @transform_0(%arg0: i32) -> (i32, i32) {
    %c0_i32 = arith.constant 0 : i32
    %c0_i32_0 = arith.constant 0 : i32
    return %arg0, %c0_i32 : i32, i32
  }
  func.func @transform_1(%arg0: i32) -> (i32, i32) {
    %c0_i32 = arith.constant 0 : i32
    %c0_i32_0 = arith.constant 0 : i32
    return %arg0, %c0_i32 : i32, i32
  }
  func.func @transform_2(%arg0: i32) -> (i32, i32) {
    %c0_i32 = arith.constant 0 : i32
    %c0_i32_0 = arith.constant 0 : i32
    %c0_i32_1 = arith.constant 0 : i32
    return %c0_i32, %c0_i32_0 : i32, i32
  }
  func.func @transform_3(%arg0: i32) -> (i32, i32) {
    %c0_i32 = arith.constant 0 : i32
    %c0_i32_0 = arith.constant 0 : i32
    %c0_i32_1 = arith.constant 0 : i32
    return %c0_i32, %c0_i32_0 : i32, i32
  }
  func.func @transform_4(%arg0: i32) -> (i32, i32) {
    %c0_i32 = arith.constant 0 : i32
    %c0_i32_0 = arith.constant 0 : i32
    %c0_i32_1 = arith.constant 0 : i32
    return %c0_i32, %c0_i32_0 : i32, i32
  }
  func.func @transform_5(%arg0: i32) -> (i32, i32) {
    %c0_i32 = arith.constant 0 : i32
    %c0_i32_0 = arith.constant 0 : i32
    %c0_i32_1 = arith.constant 0 : i32
    return %c0_i32, %c0_i32_0 : i32, i32
  }
  func.func @transform_6(%arg0: i32) -> (i32, i32) {
    %c0_i32 = arith.constant 0 : i32
    %c0_i32_0 = arith.constant 0 : i32
    %c0_i32_1 = arith.constant 0 : i32
    return %c0_i32, %c0_i32_0 : i32, i32
  }
  func.func @transform_7(%arg0: i32) -> (i32, i32) {
    %c0_i32 = arith.constant 0 : i32
    %c0_i32_0 = arith.constant 0 : i32
    %c0_i32_1 = arith.constant 0 : i32
    return %c0_i32, %c0_i32_0 : i32, i32
  }
  func.func @transform_8(%arg0: i32) -> (i32, i32) {
    %c0_i32 = arith.constant 0 : i32
    %c0_i32_0 = arith.constant 0 : i32
    return %arg0, %c0_i32 : i32, i32
  }
}

module attributes {stable_mosaic.version = 14 : i64} {
  func.func @_gru_body(%arg0: memref<2x1250x128xf32, #tpu.memory_space<vmem>>, %arg1: memref<2x1250x128xf32, #tpu.memory_space<vmem>>, %arg2: memref<1250x128xf32, #tpu.memory_space<vmem>>, %arg3: memref<1250x128xf32, #tpu.memory_space<vmem>>, %arg4: memref<128x128xf32, #tpu.memory_space<vmem>>, %arg5: memref<1x128xf32, #tpu.memory_space<vmem>>, %arg6: memref<128x128xf32, #tpu.memory_space<vmem>>, %arg7: memref<128x128xf32, #tpu.memory_space<vmem>>, %arg8: memref<128x128xf32, #tpu.memory_space<vmem>>, %arg9: memref<128x128xf32, #tpu.memory_space<vmem>>, %arg10: memref<128x128xf32, #tpu.memory_space<vmem>>, %arg11: memref<128x128xf32, #tpu.memory_space<vmem>>, %arg12: memref<1x128xf32, #tpu.memory_space<vmem>>, %arg13: memref<1x128xf32, #tpu.memory_space<vmem>>, %arg14: memref<1x128xf32, #tpu.memory_space<vmem>>, %arg15: memref<1x128xf32, #tpu.memory_space<vmem>>, %arg16: memref<1x128xf32, #tpu.memory_space<vmem>>, %arg17: memref<1x128xf32, #tpu.memory_space<vmem>>, %arg18: memref<1250x128xf32, #tpu.memory_space<vmem>>) attributes {dimension_semantics = [], scalar_prefetch = 0 : i64, scratch_operands = 0 : i64, tpu.core_type = #tpu.core_type<tc>} {
    %get3A = arith.constant 0 : index
    %get3A_0 = arith.constant 0 : index
    %get3A_1 = arith.constant 0 : index
    %get3A_2 = vector.load %arg1[%get3A, %get3A_0, %get3A_1] : memref<2x1250x128xf32, #tpu.memory_space<vmem>>, vector<1x1250x128xf32>
    %get3A_3 = vector.shape_cast %get3A_2 : vector<1x1250x128xf32> to vector<1250x128xf32>
    %get3A_4 = arith.constant 1 : index
    %get3A_5 = arith.constant 0 : index
    %get3A_6 = arith.constant 0 : index
    %get3A_7 = vector.load %arg1[%get3A_4, %get3A_5, %get3A_6] : memref<2x1250x128xf32, #tpu.memory_space<vmem>>, vector<1x1250x128xf32>
    %get3A_8 = vector.shape_cast %get3A_7 : vector<1x1250x128xf32> to vector<1250x128xf32>
    %add3A = arith.addf %get3A_3, %get3A_8 : vector<1250x128xf32>
    %max3A = arith.constant 1.000000e+00 : f32
    %max3A_9 = vector.broadcast %max3A : f32 to vector<1250x128xf32>
    %max3A_10 = arith.maximumf %add3A, %max3A_9 : vector<1250x128xf32>
    %get3A_11 = arith.constant 0 : index
    %get3A_12 = arith.constant 0 : index
    %get3A_13 = arith.constant 0 : index
    %get3A_14 = vector.load %arg0[%get3A_11, %get3A_12, %get3A_13] : memref<2x1250x128xf32, #tpu.memory_space<vmem>>, vector<1x1250x128xf32>
    %get3A_15 = vector.shape_cast %get3A_14 : vector<1x1250x128xf32> to vector<1250x128xf32>
    %get3A_16 = arith.constant 1 : index
    %get3A_17 = arith.constant 0 : index
    %get3A_18 = arith.constant 0 : index
    %get3A_19 = vector.load %arg0[%get3A_16, %get3A_17, %get3A_18] : memref<2x1250x128xf32, #tpu.memory_space<vmem>>, vector<1x1250x128xf32>
    %get3A_20 = vector.shape_cast %get3A_19 : vector<1x1250x128xf32> to vector<1250x128xf32>
    %add3A_21 = arith.addf %get3A_15, %get3A_20 : vector<1250x128xf32>
    %div3A = arith.divf %add3A_21, %max3A_10 : vector<1250x128xf32>
    %get3A_22 = arith.constant 0 : index
    %get3A_23 = arith.constant 0 : index
    %get3A_24 = vector.load %arg2[%get3A_22, %get3A_23] : memref<1250x128xf32, #tpu.memory_space<vmem>>, vector<1250x128xf32>
    %get3A_25 = arith.constant 0 : index
    %get3A_26 = arith.constant 0 : index
    %get3A_27 = vector.load %arg3[%get3A_25, %get3A_26] : memref<1250x128xf32, #tpu.memory_space<vmem>>, vector<1250x128xf32>
    %get3A_28 = arith.constant 0 : index
    %get3A_29 = arith.constant 0 : index
    %get3A_30 = vector.load %arg4[%get3A_28, %get3A_29] : memref<128x128xf32, #tpu.memory_space<vmem>>, vector<128x128xf32>
    %dot_general3A = arith.constant dense<0.000000e+00> : vector<1250x128xf32>
    %dot_general3A_31 = tpu.matmul %get3A_24, %get3A_30, %dot_general3A {dimension_numbers = #tpu.dot_dimension_numbers<[1], [0], [0], [1], [0, 0, 1, 1], [], []>, transpose_lhs_hint = false} : vector<1250x128xf32>, vector<128x128xf32>, vector<1250x128xf32> -> vector<1250x128xf32>
    %add3A_32 = arith.addf %div3A, %dot_general3A_31 : vector<1250x128xf32>
    %get3A_33 = arith.constant 0 : index
    %get3A_34 = arith.constant 0 : index
    %get3A_35 = vector.load %arg5[%get3A_33, %get3A_34] : memref<1x128xf32, #tpu.memory_space<vmem>>, vector<1x128xf32>
    %add3A_36 = vector.broadcast %get3A_35 : vector<1x128xf32> to vector<1250x128xf32>
    %add3A_37 = arith.addf %add3A_32, %add3A_36 : vector<1250x128xf32>
    %max3A_38 = arith.constant 0.000000e+00 : f32
    %max3A_39 = vector.broadcast %max3A_38 : f32 to vector<1250x128xf32>
    %max3A_40 = arith.maximumf %add3A_37, %max3A_39 : vector<1250x128xf32>
    %get3A_41 = arith.constant 0 : index
    %get3A_42 = arith.constant 0 : index
    %get3A_43 = vector.load %arg6[%get3A_41, %get3A_42] : memref<128x128xf32, #tpu.memory_space<vmem>>, vector<128x128xf32>
    %dot_general3A_44 = arith.constant dense<0.000000e+00> : vector<1250x128xf32>
    %dot_general3A_45 = tpu.matmul %max3A_40, %get3A_43, %dot_general3A_44 {dimension_numbers = #tpu.dot_dimension_numbers<[1], [0], [0], [1], [0, 0, 1, 1], [], []>, transpose_lhs_hint = false} : vector<1250x128xf32>, vector<128x128xf32>, vector<1250x128xf32> -> vector<1250x128xf32>
    %get3A_46 = arith.constant 0 : index
    %get3A_47 = arith.constant 0 : index
    %get3A_48 = vector.load %arg12[%get3A_46, %get3A_47] : memref<1x128xf32, #tpu.memory_space<vmem>>, vector<1x128xf32>
    %add3A_49 = vector.broadcast %get3A_48 : vector<1x128xf32> to vector<1250x128xf32>
    %add3A_50 = arith.addf %dot_general3A_45, %add3A_49 : vector<1250x128xf32>
    %get3A_51 = arith.constant 0 : index
    %get3A_52 = arith.constant 0 : index
    %get3A_53 = vector.load %arg9[%get3A_51, %get3A_52] : memref<128x128xf32, #tpu.memory_space<vmem>>, vector<128x128xf32>
    %dot_general3A_54 = arith.constant dense<0.000000e+00> : vector<1250x128xf32>
    %dot_general3A_55 = tpu.matmul %get3A_27, %get3A_53, %dot_general3A_54 {dimension_numbers = #tpu.dot_dimension_numbers<[1], [0], [0], [1], [0, 0, 1, 1], [], []>, transpose_lhs_hint = false} : vector<1250x128xf32>, vector<128x128xf32>, vector<1250x128xf32> -> vector<1250x128xf32>
    %add3A_56 = arith.addf %add3A_50, %dot_general3A_55 : vector<1250x128xf32>
    %get3A_57 = arith.constant 0 : index
    %get3A_58 = arith.constant 0 : index
    %get3A_59 = vector.load %arg15[%get3A_57, %get3A_58] : memref<1x128xf32, #tpu.memory_space<vmem>>, vector<1x128xf32>
    %add3A_60 = vector.broadcast %get3A_59 : vector<1x128xf32> to vector<1250x128xf32>
    %add3A_61 = arith.addf %add3A_56, %add3A_60 : vector<1250x128xf32>
    %logistic3A = arith.negf %add3A_61 : vector<1250x128xf32>
    %logistic3A_62 = math.exp %logistic3A : vector<1250x128xf32>
    %logistic3A_63 = arith.constant 1.000000e+00 : f32
    %logistic3A_64 = vector.broadcast %logistic3A_63 : f32 to vector<1250x128xf32>
    %logistic3A_65 = arith.addf %logistic3A_64, %logistic3A_62 : vector<1250x128xf32>
    %logistic3A_66 = arith.divf %logistic3A_64, %logistic3A_65 : vector<1250x128xf32>
    %get3A_67 = arith.constant 0 : index
    %get3A_68 = arith.constant 0 : index
    %get3A_69 = vector.load %arg7[%get3A_67, %get3A_68] : memref<128x128xf32, #tpu.memory_space<vmem>>, vector<128x128xf32>
    %dot_general3A_70 = arith.constant dense<0.000000e+00> : vector<1250x128xf32>
    %dot_general3A_71 = tpu.matmul %max3A_40, %get3A_69, %dot_general3A_70 {dimension_numbers = #tpu.dot_dimension_numbers<[1], [0], [0], [1], [0, 0, 1, 1], [], []>, transpose_lhs_hint = false} : vector<1250x128xf32>, vector<128x128xf32>, vector<1250x128xf32> -> vector<1250x128xf32>
    %get3A_72 = arith.constant 0 : index
    %get3A_73 = arith.constant 0 : index
    %get3A_74 = vector.load %arg13[%get3A_72, %get3A_73] : memref<1x128xf32, #tpu.memory_space<vmem>>, vector<1x128xf32>
    %add3A_75 = vector.broadcast %get3A_74 : vector<1x128xf32> to vector<1250x128xf32>
    %add3A_76 = arith.addf %dot_general3A_71, %add3A_75 : vector<1250x128xf32>
    %get3A_77 = arith.constant 0 : index
    %get3A_78 = arith.constant 0 : index
    %get3A_79 = vector.load %arg10[%get3A_77, %get3A_78] : memref<128x128xf32, #tpu.memory_space<vmem>>, vector<128x128xf32>
    %dot_general3A_80 = arith.constant dense<0.000000e+00> : vector<1250x128xf32>
    %dot_general3A_81 = tpu.matmul %get3A_27, %get3A_79, %dot_general3A_80 {dimension_numbers = #tpu.dot_dimension_numbers<[1], [0], [0], [1], [0, 0, 1, 1], [], []>, transpose_lhs_hint = false} : vector<1250x128xf32>, vector<128x128xf32>, vector<1250x128xf32> -> vector<1250x128xf32>
    %add3A_82 = arith.addf %add3A_76, %dot_general3A_81 : vector<1250x128xf32>
    %get3A_83 = arith.constant 0 : index
    %get3A_84 = arith.constant 0 : index
    %get3A_85 = vector.load %arg16[%get3A_83, %get3A_84] : memref<1x128xf32, #tpu.memory_space<vmem>>, vector<1x128xf32>
    %add3A_86 = vector.broadcast %get3A_85 : vector<1x128xf32> to vector<1250x128xf32>
    %add3A_87 = arith.addf %add3A_82, %add3A_86 : vector<1250x128xf32>
    %logistic3A_88 = arith.negf %add3A_87 : vector<1250x128xf32>
    %logistic3A_89 = math.exp %logistic3A_88 : vector<1250x128xf32>
    %logistic3A_90 = arith.constant 1.000000e+00 : f32
    %logistic3A_91 = vector.broadcast %logistic3A_90 : f32 to vector<1250x128xf32>
    %logistic3A_92 = arith.addf %logistic3A_91, %logistic3A_89 : vector<1250x128xf32>
    %logistic3A_93 = arith.divf %logistic3A_91, %logistic3A_92 : vector<1250x128xf32>
    %get3A_94 = arith.constant 0 : index
    %get3A_95 = arith.constant 0 : index
    %get3A_96 = vector.load %arg8[%get3A_94, %get3A_95] : memref<128x128xf32, #tpu.memory_space<vmem>>, vector<128x128xf32>
    %dot_general3A_97 = arith.constant dense<0.000000e+00> : vector<1250x128xf32>
    %dot_general3A_98 = tpu.matmul %max3A_40, %get3A_96, %dot_general3A_97 {dimension_numbers = #tpu.dot_dimension_numbers<[1], [0], [0], [1], [0, 0, 1, 1], [], []>, transpose_lhs_hint = false} : vector<1250x128xf32>, vector<128x128xf32>, vector<1250x128xf32> -> vector<1250x128xf32>
    %get3A_99 = arith.constant 0 : index
    %get3A_100 = arith.constant 0 : index
    %get3A_101 = vector.load %arg14[%get3A_99, %get3A_100] : memref<1x128xf32, #tpu.memory_space<vmem>>, vector<1x128xf32>
    %add3A_102 = vector.broadcast %get3A_101 : vector<1x128xf32> to vector<1250x128xf32>
    %add3A_103 = arith.addf %dot_general3A_98, %add3A_102 : vector<1250x128xf32>
    %get3A_104 = arith.constant 0 : index
    %get3A_105 = arith.constant 0 : index
    %get3A_106 = vector.load %arg11[%get3A_104, %get3A_105] : memref<128x128xf32, #tpu.memory_space<vmem>>, vector<128x128xf32>
    %dot_general3A_107 = arith.constant dense<0.000000e+00> : vector<1250x128xf32>
    %dot_general3A_108 = tpu.matmul %get3A_27, %get3A_106, %dot_general3A_107 {dimension_numbers = #tpu.dot_dimension_numbers<[1], [0], [0], [1], [0, 0, 1, 1], [], []>, transpose_lhs_hint = false} : vector<1250x128xf32>, vector<128x128xf32>, vector<1250x128xf32> -> vector<1250x128xf32>
    %get3A_109 = arith.constant 0 : index
    %get3A_110 = arith.constant 0 : index
    %get3A_111 = vector.load %arg17[%get3A_109, %get3A_110] : memref<1x128xf32, #tpu.memory_space<vmem>>, vector<1x128xf32>
    %add3A_112 = vector.broadcast %get3A_111 : vector<1x128xf32> to vector<1250x128xf32>
    %add3A_113 = arith.addf %dot_general3A_108, %add3A_112 : vector<1250x128xf32>
    %mul3A = arith.mulf %logistic3A_66, %add3A_113 : vector<1250x128xf32>
    %add3A_114 = arith.addf %add3A_103, %mul3A : vector<1250x128xf32>
    %tanh3A = math.tanh %add3A_114 : vector<1250x128xf32>
    %sub3A = arith.constant 1.000000e+00 : f32
    %sub3A_115 = vector.broadcast %sub3A : f32 to vector<1250x128xf32>
    %sub3A_116 = arith.subf %sub3A_115, %logistic3A_93 : vector<1250x128xf32>
    %mul3A_117 = arith.mulf %sub3A_116, %tanh3A : vector<1250x128xf32>
    %mul3A_118 = arith.mulf %logistic3A_93, %get3A_27 : vector<1250x128xf32>
    %add3A_119 = arith.addf %mul3A_117, %mul3A_118 : vector<1250x128xf32>
    %swap3A = arith.constant 0 : index
    %swap3A_120 = arith.constant 0 : index
    %swap3A_121 = vector.load %arg18[%swap3A, %swap3A_120] : memref<1250x128xf32, #tpu.memory_space<vmem>>, vector<1250x128xf32>
    tpu.vector_store %arg18[%swap3A, %swap3A_120], %add3A_119 {strides = array<i32>} : memref<1250x128xf32, #tpu.memory_space<vmem>>, vector<1250x128xf32>,
    return
  }
}

module attributes {stable_mosaic.version = 14 : i64} {
  func.func @_s2s_body(%arg0: memref<10000x16xf32, #tpu.memory_space<vmem>>, %arg1: memref<10000x1xi32, #tpu.memory_space<vmem>>, %arg2: memref<4x16x16xf32, #tpu.memory_space<vmem>>, %arg3: memref<4x16x16xf32, #tpu.memory_space<vmem>>, %arg4: memref<4x16x16xf32, #tpu.memory_space<vmem>>, %arg5: memref<4x1x16xf32, #tpu.memory_space<vmem>>, %arg6: memref<16x64xf32, #tpu.memory_space<vmem>>, %arg7: memref<16x64xf32, #tpu.memory_space<vmem>>, %arg8: memref<1x64xf32, #tpu.memory_space<vmem>>, %arg9: memref<64x64xf32, #tpu.memory_space<vmem>>) attributes {dimension_semantics = [], scalar_prefetch = 0 : i64, scratch_operands = 0 : i64, tpu.core_type = #tpu.core_type<tc>} {
    %get3A = arith.constant 0 : index
    %get3A_0 = arith.constant 0 : index
    %get3A_1 = vector.load %arg0[%get3A, %get3A_0] : memref<10000x16xf32, #tpu.memory_space<vmem>>, vector<10000x16xf32>
    %get3A_2 = arith.constant 0 : index
    %get3A_3 = arith.constant 0 : index
    %get3A_4 = vector.load %arg1[%get3A_2, %get3A_3] : memref<10000x1xi32, #tpu.memory_space<vmem>>, vector<10000x1xi32>
    %iota3A = tpu.iota {dimensions = array<i32: 1>} : vector<10000x64xi32>
    %eq3A = vector.broadcast %get3A_4 : vector<10000x1xi32> to vector<10000x64xi32>
    %eq3A_5 = arith.cmpi eq, %eq3A, %iota3A : vector<10000x64xi32>
    %convert_element_type3A = arith.extui %eq3A_5 : vector<10000x64xi1> to vector<10000x64xi32>
    %convert_element_type3A_6 = arith.sitofp %convert_element_type3A : vector<10000x64xi32> to vector<10000x64xf32>
    %get3A_7 = arith.constant 0 : index
    %get3A_8 = arith.constant 0 : index
    %get3A_9 = arith.constant 0 : index
    %get3A_10 = vector.load %arg2[%get3A_7, %get3A_8, %get3A_9] : memref<4x16x16xf32, #tpu.memory_space<vmem>>, vector<4x16x16xf32>
    %get3A_11 = arith.constant 0 : index
    %get3A_12 = arith.constant 0 : index
    %get3A_13 = arith.constant 0 : index
    %get3A_14 = vector.load %arg3[%get3A_11, %get3A_12, %get3A_13] : memref<4x16x16xf32, #tpu.memory_space<vmem>>, vector<4x16x16xf32>
    %get3A_15 = arith.constant 0 : index
    %get3A_16 = arith.constant 0 : index
    %get3A_17 = arith.constant 0 : index
    %get3A_18 = vector.load %arg4[%get3A_15, %get3A_16, %get3A_17] : memref<4x16x16xf32, #tpu.memory_space<vmem>>, vector<4x16x16xf32>
    %get3A_19 = arith.constant 0 : index
    %get3A_20 = arith.constant 0 : index
    %get3A_21 = arith.constant 0 : index
    %get3A_22 = vector.load %arg5[%get3A_19, %get3A_20, %get3A_21] : memref<4x1x16xf32, #tpu.memory_space<vmem>>, vector<4x1x16xf32>
    %broadcast_in_dim3A = arith.constant 0.000000e+00 : f32
    %broadcast_in_dim3A_23 = vector.broadcast %broadcast_in_dim3A : f32 to vector<64x16xf32>
    %broadcast_in_dim3A_24 = arith.constant 0.000000e+00 : f32
    %broadcast_in_dim3A_25 = vector.broadcast %broadcast_in_dim3A_24 : f32 to vector<64x16xf32>
    %broadcast_in_dim3A_26 = arith.constant 0.000000e+00 : f32
    %broadcast_in_dim3A_27 = vector.broadcast %broadcast_in_dim3A_26 : f32 to vector<64x16xf32>
    %broadcast_in_dim3A_28 = arith.constant 0.000000e+00 : f32
    %broadcast_in_dim3A_29 = vector.broadcast %broadcast_in_dim3A_28 : f32 to vector<64x16xf32>
    %slice3A = vector.extract_strided_slice %get3A_10 {offsets = [0, 0, 0], sizes = [1, 16, 16], strides = [1, 1, 1]} : vector<4x16x16xf32> to vector<1x16x16xf32>
    %squeeze3A = vector.shape_cast %slice3A : vector<1x16x16xf32> to vector<16x16xf32>
    %dot_general3A = arith.constant dense<0.000000e+00> : vector<64x16xf32>
    %dot_general3A_30 = tpu.matmul %broadcast_in_dim3A_27, %squeeze3A, %dot_general3A {dimension_numbers = #tpu.dot_dimension_numbers<[1], [0], [0], [1], [0, 0, 1, 1], [], []>, transpose_lhs_hint = false} : vector<64x16xf32>, vector<16x16xf32>, vector<64x16xf32> -> vector<64x16xf32>
    %slice3A_31 = vector.extract_strided_slice %get3A_14 {offsets = [0, 0, 0], sizes = [1, 16, 16], strides = [1, 1, 1]} : vector<4x16x16xf32> to vector<1x16x16xf32>
    %squeeze3A_32 = vector.shape_cast %slice3A_31 : vector<1x16x16xf32> to vector<16x16xf32>
    %dot_general3A_33 = arith.constant dense<0.000000e+00> : vector<64x16xf32>
    %dot_general3A_34 = tpu.matmul %broadcast_in_dim3A_29, %squeeze3A_32, %dot_general3A_33 {dimension_numbers = #tpu.dot_dimension_numbers<[1], [0], [0], [1], [0, 0, 1, 1], [], []>, transpose_lhs_hint = false} : vector<64x16xf32>, vector<16x16xf32>, vector<64x16xf32> -> vector<64x16xf32>
    %add3A = arith.addf %dot_general3A_30, %dot_general3A_34 : vector<64x16xf32>
    %slice3A_35 = vector.extract_strided_slice %get3A_18 {offsets = [0, 0, 0], sizes = [1, 16, 16], strides = [1, 1, 1]} : vector<4x16x16xf32> to vector<1x16x16xf32>
    %squeeze3A_36 = vector.shape_cast %slice3A_35 : vector<1x16x16xf32> to vector<16x16xf32>
    %dot_general3A_37 = arith.constant dense<0.000000e+00> : vector<64x16xf32>
    %dot_general3A_38 = tpu.matmul %broadcast_in_dim3A_23, %squeeze3A_36, %dot_general3A_37 {dimension_numbers = #tpu.dot_dimension_numbers<[1], [0], [0], [1], [0, 0, 1, 1], [], []>, transpose_lhs_hint = false} : vector<64x16xf32>, vector<16x16xf32>, vector<64x16xf32> -> vector<64x16xf32>
    %add3A_39 = arith.addf %add3A, %dot_general3A_38 : vector<64x16xf32>
    %slice3A_40 = vector.extract_strided_slice %get3A_22 {offsets = [0, 0, 0], sizes = [1, 1, 16], strides = [1, 1, 1]} : vector<4x1x16xf32> to vector<1x1x16xf32>
    %squeeze3A_41 = vector.shape_cast %slice3A_40 : vector<1x1x16xf32> to vector<1x16xf32>
    %add3A_42 = vector.broadcast %squeeze3A_41 : vector<1x16xf32> to vector<64x16xf32>
    %add3A_43 = arith.addf %add3A_39, %add3A_42 : vector<64x16xf32>
    %logistic3A = arith.negf %add3A_43 : vector<64x16xf32>
    %logistic3A_44 = math.exp %logistic3A : vector<64x16xf32>
    %logistic3A_45 = arith.constant 1.000000e+00 : f32
    %logistic3A_46 = vector.broadcast %logistic3A_45 : f32 to vector<64x16xf32>
    %logistic3A_47 = arith.addf %logistic3A_46, %logistic3A_44 : vector<64x16xf32>
    %logistic3A_48 = arith.divf %logistic3A_46, %logistic3A_47 : vector<64x16xf32>
    %slice3A_49 = vector.extract_strided_slice %get3A_10 {offsets = [1, 0, 0], sizes = [1, 16, 16], strides = [1, 1, 1]} : vector<4x16x16xf32> to vector<1x16x16xf32>
    %squeeze3A_50 = vector.shape_cast %slice3A_49 : vector<1x16x16xf32> to vector<16x16xf32>
    %dot_general3A_51 = arith.constant dense<0.000000e+00> : vector<64x16xf32>
    %dot_general3A_52 = tpu.matmul %broadcast_in_dim3A_27, %squeeze3A_50, %dot_general3A_51 {dimension_numbers = #tpu.dot_dimension_numbers<[1], [0], [0], [1], [0, 0, 1, 1], [], []>, transpose_lhs_hint = false} : vector<64x16xf32>, vector<16x16xf32>, vector<64x16xf32> -> vector<64x16xf32>
    %slice3A_53 = vector.extract_strided_slice %get3A_14 {offsets = [1, 0, 0], sizes = [1, 16, 16], strides = [1, 1, 1]} : vector<4x16x16xf32> to vector<1x16x16xf32>
    %squeeze3A_54 = vector.shape_cast %slice3A_53 : vector<1x16x16xf32> to vector<16x16xf32>
    %dot_general3A_55 = arith.constant dense<0.000000e+00> : vector<64x16xf32>
    %dot_general3A_56 = tpu.matmul %broadcast_in_dim3A_29, %squeeze3A_54, %dot_general3A_55 {dimension_numbers = #tpu.dot_dimension_numbers<[1], [0], [0], [1], [0, 0, 1, 1], [], []>, transpose_lhs_hint = false} : vector<64x16xf32>, vector<16x16xf32>, vector<64x16xf32> -> vector<64x16xf32>
    %add3A_57 = arith.addf %dot_general3A_52, %dot_general3A_56 : vector<64x16xf32>
    %slice3A_58 = vector.extract_strided_slice %get3A_18 {offsets = [1, 0, 0], sizes = [1, 16, 16], strides = [1, 1, 1]} : vector<4x16x16xf32> to vector<1x16x16xf32>
    %squeeze3A_59 = vector.shape_cast %slice3A_58 : vector<1x16x16xf32> to vector<16x16xf32>
    %dot_general3A_60 = arith.constant dense<0.000000e+00> : vector<64x16xf32>
    %dot_general3A_61 = tpu.matmul %broadcast_in_dim3A_23, %squeeze3A_59, %dot_general3A_60 {dimension_numbers = #tpu.dot_dimension_numbers<[1], [0], [0], [1], [0, 0, 1, 1], [], []>, transpose_lhs_hint = false} : vector<64x16xf32>, vector<16x16xf32>, vector<64x16xf32> -> vector<64x16xf32>
    %add3A_62 = arith.addf %add3A_57, %dot_general3A_61 : vector<64x16xf32>
    %slice3A_63 = vector.extract_strided_slice %get3A_22 {offsets = [1, 0, 0], sizes = [1, 1, 16], strides = [1, 1, 1]} : vector<4x1x16xf32> to vector<1x1x16xf32>
    %squeeze3A_64 = vector.shape_cast %slice3A_63 : vector<1x1x16xf32> to vector<1x16xf32>
    %add3A_65 = vector.broadcast %squeeze3A_64 : vector<1x16xf32> to vector<64x16xf32>
    %add3A_66 = arith.addf %add3A_62, %add3A_65 : vector<64x16xf32>
    %logistic3A_67 = arith.negf %add3A_66 : vector<64x16xf32>
    %logistic3A_68 = math.exp %logistic3A_67 : vector<64x16xf32>
    %logistic3A_69 = arith.constant 1.000000e+00 : f32
    %logistic3A_70 = vector.broadcast %logistic3A_69 : f32 to vector<64x16xf32>
    %logistic3A_71 = arith.addf %logistic3A_70, %logistic3A_68 : vector<64x16xf32>
    %logistic3A_72 = arith.divf %logistic3A_70, %logistic3A_71 : vector<64x16xf32>
    %slice3A_73 = vector.extract_strided_slice %get3A_10 {offsets = [2, 0, 0], sizes = [1, 16, 16], strides = [1, 1, 1]} : vector<4x16x16xf32> to vector<1x16x16xf32>
    %squeeze3A_74 = vector.shape_cast %slice3A_73 : vector<1x16x16xf32> to vector<16x16xf32>
    %dot_general3A_75 = arith.constant dense<0.000000e+00> : vector<64x16xf32>
    %dot_general3A_76 = tpu.matmul %broadcast_in_dim3A_27, %squeeze3A_74, %dot_general3A_75 {dimension_numbers = #tpu.dot_dimension_numbers<[1], [0], [0], [1], [0, 0, 1, 1], [], []>, transpose_lhs_hint = false} : vector<64x16xf32>, vector<16x16xf32>, vector<64x16xf32> -> vector<64x16xf32>
    %slice3A_77 = vector.extract_strided_slice %get3A_14 {offsets = [2, 0, 0], sizes = [1, 16, 16], strides = [1, 1, 1]} : vector<4x16x16xf32> to vector<1x16x16xf32>
    %squeeze3A_78 = vector.shape_cast %slice3A_77 : vector<1x16x16xf32> to vector<16x16xf32>
    %dot_general3A_79 = arith.constant dense<0.000000e+00> : vector<64x16xf32>
    %dot_general3A_80 = tpu.matmul %broadcast_in_dim3A_29, %squeeze3A_78, %dot_general3A_79 {dimension_numbers = #tpu.dot_dimension_numbers<[1], [0], [0], [1], [0, 0, 1, 1], [], []>, transpose_lhs_hint = false} : vector<64x16xf32>, vector<16x16xf32>, vector<64x16xf32> -> vector<64x16xf32>
    %add3A_81 = arith.addf %dot_general3A_76, %dot_general3A_80 : vector<64x16xf32>
    %slice3A_82 = vector.extract_strided_slice %get3A_18 {offsets = [2, 0, 0], sizes = [1, 16, 16], strides = [1, 1, 1]} : vector<4x16x16xf32> to vector<1x16x16xf32>
    %squeeze3A_83 = vector.shape_cast %slice3A_82 : vector<1x16x16xf32> to vector<16x16xf32>
    %dot_general3A_84 = arith.constant dense<0.000000e+00> : vector<64x16xf32>
    %dot_general3A_85 = tpu.matmul %broadcast_in_dim3A_23, %squeeze3A_83, %dot_general3A_84 {dimension_numbers = #tpu.dot_dimension_numbers<[1], [0], [0], [1], [0, 0, 1, 1], [], []>, transpose_lhs_hint = false} : vector<64x16xf32>, vector<16x16xf32>, vector<64x16xf32> -> vector<64x16xf32>
    %add3A_86 = arith.addf %add3A_81, %dot_general3A_85 : vector<64x16xf32>
    %slice3A_87 = vector.extract_strided_slice %get3A_22 {offsets = [2, 0, 0], sizes = [1, 1, 16], strides = [1, 1, 1]} : vector<4x1x16xf32> to vector<1x1x16xf32>
    %squeeze3A_88 = vector.shape_cast %slice3A_87 : vector<1x1x16xf32> to vector<1x16xf32>
    %add3A_89 = vector.broadcast %squeeze3A_88 : vector<1x16xf32> to vector<64x16xf32>
    %add3A_90 = arith.addf %add3A_86, %add3A_89 : vector<64x16xf32>
    %tanh3A = math.tanh %add3A_90 : vector<64x16xf32>
    %slice3A_91 = vector.extract_strided_slice %get3A_10 {offsets = [3, 0, 0], sizes = [1, 16, 16], strides = [1, 1, 1]} : vector<4x16x16xf32> to vector<1x16x16xf32>
    %squeeze3A_92 = vector.shape_cast %slice3A_91 : vector<1x16x16xf32> to vector<16x16xf32>
    %dot_general3A_93 = arith.constant dense<0.000000e+00> : vector<64x16xf32>
    %dot_general3A_94 = tpu.matmul %broadcast_in_dim3A_27, %squeeze3A_92, %dot_general3A_93 {dimension_numbers = #tpu.dot_dimension_numbers<[1], [0], [0], [1], [0, 0, 1, 1], [], []>, transpose_lhs_hint = false} : vector<64x16xf32>, vector<16x16xf32>, vector<64x16xf32> -> vector<64x16xf32>
    %slice3A_95 = vector.extract_strided_slice %get3A_14 {offsets = [3, 0, 0], sizes = [1, 16, 16], strides = [1, 1, 1]} : vector<4x16x16xf32> to vector<1x16x16xf32>
    %squeeze3A_96 = vector.shape_cast %slice3A_95 : vector<1x16x16xf32> to vector<16x16xf32>
    %dot_general3A_97 = arith.constant dense<0.000000e+00> : vector<64x16xf32>
    %dot_general3A_98 = tpu.matmul %broadcast_in_dim3A_29, %squeeze3A_96, %dot_general3A_97 {dimension_numbers = #tpu.dot_dimension_numbers<[1], [0], [0], [1], [0, 0, 1, 1], [], []>, transpose_lhs_hint = false} : vector<64x16xf32>, vector<16x16xf32>, vector<64x16xf32> -> vector<64x16xf32>
    %add3A_99 = arith.addf %dot_general3A_94, %dot_general3A_98 : vector<64x16xf32>
    %slice3A_100 = vector.extract_strided_slice %get3A_18 {offsets = [3, 0, 0], sizes = [1, 16, 16], strides = [1, 1, 1]} : vector<4x16x16xf32> to vector<1x16x16xf32>
    %squeeze3A_101 = vector.shape_cast %slice3A_100 : vector<1x16x16xf32> to vector<16x16xf32>
    %dot_general3A_102 = arith.constant dense<0.000000e+00> : vector<64x16xf32>
    %dot_general3A_103 = tpu.matmul %broadcast_in_dim3A_23, %squeeze3A_101, %dot_general3A_102 {dimension_numbers = #tpu.dot_dimension_numbers<[1], [0], [0], [1], [0, 0, 1, 1], [], []>, transpose_lhs_hint = false} : vector<64x16xf32>, vector<16x16xf32>, vector<64x16xf32> -> vector<64x16xf32>
    %add3A_104 = arith.addf %add3A_99, %dot_general3A_103 : vector<64x16xf32>
    %slice3A_105 = vector.extract_strided_slice %get3A_22 {offsets = [3, 0, 0], sizes = [1, 1, 16], strides = [1, 1, 1]} : vector<4x1x16xf32> to vector<1x1x16xf32>
    %squeeze3A_106 = vector.shape_cast %slice3A_105 : vector<1x1x16xf32> to vector<1x16xf32>
    %add3A_107 = vector.broadcast %squeeze3A_106 : vector<1x16xf32> to vector<64x16xf32>
    %add3A_108 = arith.addf %add3A_104, %add3A_107 : vector<64x16xf32>
    %logistic3A_109 = arith.negf %add3A_108 : vector<64x16xf32>
    %logistic3A_110 = math.exp %logistic3A_109 : vector<64x16xf32>
    %logistic3A_111 = arith.constant 1.000000e+00 : f32
    %logistic3A_112 = vector.broadcast %logistic3A_111 : f32 to vector<64x16xf32>
    %logistic3A_113 = arith.addf %logistic3A_112, %logistic3A_110 : vector<64x16xf32>
    %logistic3A_114 = arith.divf %logistic3A_112, %logistic3A_113 : vector<64x16xf32>
    %mul3A = arith.mulf %logistic3A_72, %broadcast_in_dim3A_25 : vector<64x16xf32>
    %mul3A_115 = arith.mulf %logistic3A_48, %tanh3A : vector<64x16xf32>
    %add3A_116 = arith.addf %mul3A, %mul3A_115 : vector<64x16xf32>
    %tanh3A_117 = math.tanh %add3A_116 : vector<64x16xf32>
    %mul3A_118 = arith.mulf %logistic3A_114, %tanh3A_117 : vector<64x16xf32>
    %dot_general3A_119 = arith.constant dense<0.000000e+00> : vector<10000x16xf32>
    %dot_general3A_120 = tpu.matmul %convert_element_type3A_6, %mul3A_118, %dot_general3A_119 {dimension_numbers = #tpu.dot_dimension_numbers<[1], [0], [0], [1], [0, 0, 1, 1], [], []>, transpose_lhs_hint = false} : vector<10000x64xf32>, vector<64x16xf32>, vector<10000x16xf32> -> vector<10000x16xf32>
    %mul3A_121 = arith.mulf %get3A_1, %dot_general3A_120 : vector<10000x16xf32>
    %reduce_sum3A = arith.constant dense<0.000000e+00> : vector<10000xf32>
    %reduce_sum3A_122 = vector.multi_reduction <add>, %mul3A_121, %reduce_sum3A [1] : vector<10000x16xf32> to vector<10000xf32>
    %broadcast_in_dim3A_123 = vector.shape_cast %reduce_sum3A_122 : vector<10000xf32> to vector<10000x1xf32>
    %gt3A = arith.constant 0.000000e+00 : f32
    %gt3A_124 = vector.broadcast %gt3A : f32 to vector<10000x64xf32>
    %gt3A_125 = arith.cmpf ogt, %convert_element_type3A_6, %gt3A_124 : vector<10000x64xf32>
    %jit3A = arith.constant 0xFF800000 : f32
    %broadcast_in_dim3A_126 = vector.shape_cast %broadcast_in_dim3A_123 : vector<10000x1xf32> to vector<10000x1xf32>
    %broadcast_in_dim3A_127 = vector.broadcast %broadcast_in_dim3A_126 : vector<10000x1xf32> to vector<10000x64xf32>
    %broadcast_in_dim3A_128 = vector.broadcast %jit3A : f32 to vector<10000x64xf32>
    %select_n3A = arith.select %gt3A_125, %broadcast_in_dim3A_127, %broadcast_in_dim3A_128 : vector<10000x64xi1>, vector<10000x64xf32>
    %reduce_max3A = arith.constant dense<0xFF800000> : vector<64xf32>
    %reduce_max3A_129 = vector.multi_reduction <maximumf>, %select_n3A, %reduce_max3A [0] : vector<10000x64xf32> to vector<64xf32>
    %broadcast_in_dim3A_130 = vector.shape_cast %reduce_max3A_129 : vector<64xf32> to vector<1x64xf32>
    %abs3A = math.absf %broadcast_in_dim3A_130 : vector<1x64xf32>
    %lt3A = arith.constant 0x7F800000 : f32
    %lt3A_131 = vector.broadcast %lt3A : f32 to vector<1x64xf32>
    %lt3A_132 = arith.cmpf olt, %abs3A, %lt3A_131 : vector<1x64xf32>
    %jit3A_133 = arith.constant 0.000000e+00 : f32
    %broadcast_in_dim3A_134 = vector.broadcast %jit3A_133 : f32 to vector<1x64xf32>
    %select_n3A_135 = arith.select %lt3A_132, %broadcast_in_dim3A_130, %broadcast_in_dim3A_134 : vector<1x64xi1>, vector<1x64xf32>
    %mul3A_136 = vector.broadcast %select_n3A_135 : vector<1x64xf32> to vector<10000x64xf32>
    %mul3A_137 = arith.mulf %convert_element_type3A_6, %mul3A_136 : vector<10000x64xf32>
    %reduce_sum3A_138 = arith.constant dense<0.000000e+00> : vector<10000xf32>
    %reduce_sum3A_139 = vector.multi_reduction <add>, %mul3A_137, %reduce_sum3A_138 [1] : vector<10000x64xf32> to vector<10000xf32>
    %broadcast_in_dim3A_140 = vector.shape_cast %reduce_sum3A_139 : vector<10000xf32> to vector<10000x1xf32>
    %sub3A = arith.subf %broadcast_in_dim3A_123, %broadcast_in_dim3A_140 : vector<10000x1xf32>
    %exp3A = math.exp %sub3A : vector<10000x1xf32>
    %mul3A_141 = vector.broadcast %exp3A : vector<10000x1xf32> to vector<10000x64xf32>
    %mul3A_142 = arith.mulf %convert_element_type3A_6, %mul3A_141 : vector<10000x64xf32>
    %reduce_sum3A_143 = arith.constant dense<0.000000e+00> : vector<64xf32>
    %reduce_sum3A_144 = vector.multi_reduction <add>, %mul3A_142, %reduce_sum3A_143 [0] : vector<10000x64xf32> to vector<64xf32>
    %broadcast_in_dim3A_145 = vector.shape_cast %reduce_sum3A_144 : vector<64xf32> to vector<1x64xf32>
    %mul3A_146 = vector.broadcast %broadcast_in_dim3A_145 : vector<1x64xf32> to vector<10000x64xf32>
    %mul3A_147 = arith.mulf %convert_element_type3A_6, %mul3A_146 : vector<10000x64xf32>
    %reduce_sum3A_148 = arith.constant dense<0.000000e+00> : vector<10000xf32>
    %reduce_sum3A_149 = vector.multi_reduction <add>, %mul3A_147, %reduce_sum3A_148 [1] : vector<10000x64xf32> to vector<10000xf32>
    %broadcast_in_dim3A_150 = vector.shape_cast %reduce_sum3A_149 : vector<10000xf32> to vector<10000x1xf32>
    %add3A_151 = arith.constant 1.000000e-16 : f32
    %add3A_152 = vector.broadcast %add3A_151 : f32 to vector<10000x1xf32>
    %add3A_153 = arith.addf %broadcast_in_dim3A_150, %add3A_152 : vector<10000x1xf32>
    %div3A = arith.divf %exp3A, %add3A_153 : vector<10000x1xf32>
    %mul3A_154 = vector.broadcast %div3A : vector<10000x1xf32> to vector<10000x16xf32>
    %mul3A_155 = arith.mulf %mul3A_154, %get3A_1 : vector<10000x16xf32>
    %dot_general3A_156 = arith.constant dense<0.000000e+00> : vector<64x16xf32>
    %dot_general3A_157 = tpu.matmul %convert_element_type3A_6, %mul3A_155, %dot_general3A_156 {dimension_numbers = #tpu.dot_dimension_numbers<[0], [0], [1], [1], [0, 1, 1, 1], [], []>, transpose_lhs_hint = false} : vector<10000x64xf32>, vector<10000x16xf32>, vector<64x16xf32> -> vector<64x16xf32>
    %slice3A_158 = vector.extract_strided_slice %get3A_10 {offsets = [0, 0, 0], sizes = [1, 16, 16], strides = [1, 1, 1]} : vector<4x16x16xf32> to vector<1x16x16xf32>
    %squeeze3A_159 = vector.shape_cast %slice3A_158 : vector<1x16x16xf32> to vector<16x16xf32>
    %dot_general3A_160 = arith.constant dense<0.000000e+00> : vector<64x16xf32>
    %dot_general3A_161 = tpu.matmul %mul3A_118, %squeeze3A_159, %dot_general3A_160 {dimension_numbers = #tpu.dot_dimension_numbers<[1], [0], [0], [1], [0, 0, 1, 1], [], []>, transpose_lhs_hint = false} : vector<64x16xf32>, vector<16x16xf32>, vector<64x16xf32> -> vector<64x16xf32>
    %slice3A_162 = vector.extract_strided_slice %get3A_14 {offsets = [0, 0, 0], sizes = [1, 16, 16], strides = [1, 1, 1]} : vector<4x16x16xf32> to vector<1x16x16xf32>
    %squeeze3A_163 = vector.shape_cast %slice3A_162 : vector<1x16x16xf32> to vector<16x16xf32>
    %dot_general3A_164 = arith.constant dense<0.000000e+00> : vector<64x16xf32>
    %dot_general3A_165 = tpu.matmul %dot_general3A_157, %squeeze3A_163, %dot_general3A_164 {dimension_numbers = #tpu.dot_dimension_numbers<[1], [0], [0], [1], [0, 0, 1, 1], [], []>, transpose_lhs_hint = false} : vector<64x16xf32>, vector<16x16xf32>, vector<64x16xf32> -> vector<64x16xf32>
    %add3A_166 = arith.addf %dot_general3A_161, %dot_general3A_165 : vector<64x16xf32>
    %slice3A_167 = vector.extract_strided_slice %get3A_18 {offsets = [0, 0, 0], sizes = [1, 16, 16], strides = [1, 1, 1]} : vector<4x16x16xf32> to vector<1x16x16xf32>
    %squeeze3A_168 = vector.shape_cast %slice3A_167 : vector<1x16x16xf32> to vector<16x16xf32>
    %dot_general3A_169 = arith.constant dense<0.000000e+00> : vector<64x16xf32>
    %dot_general3A_170 = tpu.matmul %mul3A_118, %squeeze3A_168, %dot_general3A_169 {dimension_numbers = #tpu.dot_dimension_numbers<[1], [0], [0], [1], [0, 0, 1, 1], [], []>, transpose_lhs_hint = false} : vector<64x16xf32>, vector<16x16xf32>, vector<64x16xf32> -> vector<64x16xf32>
    %add3A_171 = arith.addf %add3A_166, %dot_general3A_170 : vector<64x16xf32>
    %slice3A_172 = vector.extract_strided_slice %get3A_22 {offsets = [0, 0, 0], sizes = [1, 1, 16], strides = [1, 1, 1]} : vector<4x1x16xf32> to vector<1x1x16xf32>
    %squeeze3A_173 = vector.shape_cast %slice3A_172 : vector<1x1x16xf32> to vector<1x16xf32>
    %add3A_174 = vector.broadcast %squeeze3A_173 : vector<1x16xf32> to vector<64x16xf32>
    %add3A_175 = arith.addf %add3A_171, %add3A_174 : vector<64x16xf32>
    %logistic3A_176 = arith.negf %add3A_175 : vector<64x16xf32>
    %logistic3A_177 = math.exp %logistic3A_176 : vector<64x16xf32>
    %logistic3A_178 = arith.constant 1.000000e+00 : f32
    %logistic3A_179 = vector.broadcast %logistic3A_178 : f32 to vector<64x16xf32>
    %logistic3A_180 = arith.addf %logistic3A_179, %logistic3A_177 : vector<64x16xf32>
    %logistic3A_181 = arith.divf %logistic3A_179, %logistic3A_180 : vector<64x16xf32>
    %slice3A_182 = vector.extract_strided_slice %get3A_10 {offsets = [1, 0, 0], sizes = [1, 16, 16], strides = [1, 1, 1]} : vector<4x16x16xf32> to vector<1x16x16xf32>
    %squeeze3A_183 = vector.shape_cast %slice3A_182 : vector<1x16x16xf32> to vector<16x16xf32>
    %dot_general3A_184 = arith.constant dense<0.000000e+00> : vector<64x16xf32>
    %dot_general3A_185 = tpu.matmul %mul3A_118, %squeeze3A_183, %dot_general3A_184 {dimension_numbers = #tpu.dot_dimension_numbers<[1], [0], [0], [1], [0, 0, 1, 1], [], []>, transpose_lhs_hint = false} : vector<64x16xf32>, vector<16x16xf32>, vector<64x16xf32> -> vector<64x16xf32>
    %slice3A_186 = vector.extract_strided_slice %get3A_14 {offsets = [1, 0, 0], sizes = [1, 16, 16], strides = [1, 1, 1]} : vector<4x16x16xf32> to vector<1x16x16xf32>
    %squeeze3A_187 = vector.shape_cast %slice3A_186 : vector<1x16x16xf32> to vector<16x16xf32>
    %dot_general3A_188 = arith.constant dense<0.000000e+00> : vector<64x16xf32>
    %dot_general3A_189 = tpu.matmul %dot_general3A_157, %squeeze3A_187, %dot_general3A_188 {dimension_numbers = #tpu.dot_dimension_numbers<[1], [0], [0], [1], [0, 0, 1, 1], [], []>, transpose_lhs_hint = false} : vector<64x16xf32>, vector<16x16xf32>, vector<64x16xf32> -> vector<64x16xf32>
    %add3A_190 = arith.addf %dot_general3A_185, %dot_general3A_189 : vector<64x16xf32>
    %slice3A_191 = vector.extract_strided_slice %get3A_18 {offsets = [1, 0, 0], sizes = [1, 16, 16], strides = [1, 1, 1]} : vector<4x16x16xf32> to vector<1x16x16xf32>
    %squeeze3A_192 = vector.shape_cast %slice3A_191 : vector<1x16x16xf32> to vector<16x16xf32>
    %dot_general3A_193 = arith.constant dense<0.000000e+00> : vector<64x16xf32>
    %dot_general3A_194 = tpu.matmul %mul3A_118, %squeeze3A_192, %dot_general3A_193 {dimension_numbers = #tpu.dot_dimension_numbers<[1], [0], [0], [1], [0, 0, 1, 1], [], []>, transpose_lhs_hint = false} : vector<64x16xf32>, vector<16x16xf32>, vector<64x16xf32> -> vector<64x16xf32>
    %add3A_195 = arith.addf %add3A_190, %dot_general3A_194 : vector<64x16xf32>
    %slice3A_196 = vector.extract_strided_slice %get3A_22 {offsets = [1, 0, 0], sizes = [1, 1, 16], strides = [1, 1, 1]} : vector<4x1x16xf32> to vector<1x1x16xf32>
    %squeeze3A_197 = vector.shape_cast %slice3A_196 : vector<1x1x16xf32> to vector<1x16xf32>
    %add3A_198 = vector.broadcast %squeeze3A_197 : vector<1x16xf32> to vector<64x16xf32>
    %add3A_199 = arith.addf %add3A_195, %add3A_198 : vector<64x16xf32>
    %logistic3A_200 = arith.negf %add3A_199 : vector<64x16xf32>
    %logistic3A_201 = math.exp %logistic3A_200 : vector<64x16xf32>
    %logistic3A_202 = arith.constant 1.000000e+00 : f32
    %logistic3A_203 = vector.broadcast %logistic3A_202 : f32 to vector<64x16xf32>
    %logistic3A_204 = arith.addf %logistic3A_203, %logistic3A_201 : vector<64x16xf32>
    %logistic3A_205 = arith.divf %logistic3A_203, %logistic3A_204 : vector<64x16xf32>
    %slice3A_206 = vector.extract_strided_slice %get3A_10 {offsets = [2, 0, 0], sizes = [1, 16, 16], strides = [1, 1, 1]} : vector<4x16x16xf32> to vector<1x16x16xf32>
    %squeeze3A_207 = vector.shape_cast %slice3A_206 : vector<1x16x16xf32> to vector<16x16xf32>
    %dot_general3A_208 = arith.constant dense<0.000000e+00> : vector<64x16xf32>
    %dot_general3A_209 = tpu.matmul %mul3A_118, %squeeze3A_207, %dot_general3A_208 {dimension_numbers = #tpu.dot_dimension_numbers<[1], [0], [0], [1], [0, 0, 1, 1], [], []>, transpose_lhs_hint = false} : vector<64x16xf32>, vector<16x16xf32>, vector<64x16xf32> -> vector<64x16xf32>
    %slice3A_210 = vector.extract_strided_slice %get3A_14 {offsets = [2, 0, 0], sizes = [1, 16, 16], strides = [1, 1, 1]} : vector<4x16x16xf32> to vector<1x16x16xf32>
    %squeeze3A_211 = vector.shape_cast %slice3A_210 : vector<1x16x16xf32> to vector<16x16xf32>
    %dot_general3A_212 = arith.constant dense<0.000000e+00> : vector<64x16xf32>
    %dot_general3A_213 = tpu.matmul %dot_general3A_157, %squeeze3A_211, %dot_general3A_212 {dimension_numbers = #tpu.dot_dimension_numbers<[1], [0], [0], [1], [0, 0, 1, 1], [], []>, transpose_lhs_hint = false} : vector<64x16xf32>, vector<16x16xf32>, vector<64x16xf32> -> vector<64x16xf32>
    %add3A_214 = arith.addf %dot_general3A_209, %dot_general3A_213 : vector<64x16xf32>
    %slice3A_215 = vector.extract_strided_slice %get3A_18 {offsets = [2, 0, 0], sizes = [1, 16, 16], strides = [1, 1, 1]} : vector<4x16x16xf32> to vector<1x16x16xf32>
    %squeeze3A_216 = vector.shape_cast %slice3A_215 : vector<1x16x16xf32> to vector<16x16xf32>
    %dot_general3A_217 = arith.constant dense<0.000000e+00> : vector<64x16xf32>
    %dot_general3A_218 = tpu.matmul %mul3A_118, %squeeze3A_216, %dot_general3A_217 {dimension_numbers = #tpu.dot_dimension_numbers<[1], [0], [0], [1], [0, 0, 1, 1], [], []>, transpose_lhs_hint = false} : vector<64x16xf32>, vector<16x16xf32>, vector<64x16xf32> -> vector<64x16xf32>
    %add3A_219 = arith.addf %add3A_214, %dot_general3A_218 : vector<64x16xf32>
    %slice3A_220 = vector.extract_strided_slice %get3A_22 {offsets = [2, 0, 0], sizes = [1, 1, 16], strides = [1, 1, 1]} : vector<4x1x16xf32> to vector<1x1x16xf32>
    %squeeze3A_221 = vector.shape_cast %slice3A_220 : vector<1x1x16xf32> to vector<1x16xf32>
    %add3A_222 = vector.broadcast %squeeze3A_221 : vector<1x16xf32> to vector<64x16xf32>
    %add3A_223 = arith.addf %add3A_219, %add3A_222 : vector<64x16xf32>
    %tanh3A_224 = math.tanh %add3A_223 : vector<64x16xf32>
    %slice3A_225 = vector.extract_strided_slice %get3A_10 {offsets = [3, 0, 0], sizes = [1, 16, 16], strides = [1, 1, 1]} : vector<4x16x16xf32> to vector<1x16x16xf32>
    %squeeze3A_226 = vector.shape_cast %slice3A_225 : vector<1x16x16xf32> to vector<16x16xf32>
    %dot_general3A_227 = arith.constant dense<0.000000e+00> : vector<64x16xf32>
    %dot_general3A_228 = tpu.matmul %mul3A_118, %squeeze3A_226, %dot_general3A_227 {dimension_numbers = #tpu.dot_dimension_numbers<[1], [0], [0], [1], [0, 0, 1, 1], [], []>, transpose_lhs_hint = false} : vector<64x16xf32>, vector<16x16xf32>, vector<64x16xf32> -> vector<64x16xf32>
    %slice3A_229 = vector.extract_strided_slice %get3A_14 {offsets = [3, 0, 0], sizes = [1, 16, 16], strides = [1, 1, 1]} : vector<4x16x16xf32> to vector<1x16x16xf32>
    %squeeze3A_230 = vector.shape_cast %slice3A_229 : vector<1x16x16xf32> to vector<16x16xf32>
    %dot_general3A_231 = arith.constant dense<0.000000e+00> : vector<64x16xf32>
    %dot_general3A_232 = tpu.matmul %dot_general3A_157, %squeeze3A_230, %dot_general3A_231 {dimension_numbers = #tpu.dot_dimension_numbers<[1], [0], [0], [1], [0, 0, 1, 1], [], []>, transpose_lhs_hint = false} : vector<64x16xf32>, vector<16x16xf32>, vector<64x16xf32> -> vector<64x16xf32>
    %add3A_233 = arith.addf %dot_general3A_228, %dot_general3A_232 : vector<64x16xf32>
    %slice3A_234 = vector.extract_strided_slice %get3A_18 {offsets = [3, 0, 0], sizes = [1, 16, 16], strides = [1, 1, 1]} : vector<4x16x16xf32> to vector<1x16x16xf32>
    %squeeze3A_235 = vector.shape_cast %slice3A_234 : vector<1x16x16xf32> to vector<16x16xf32>
    %dot_general3A_236 = arith.constant dense<0.000000e+00> : vector<64x16xf32>
    %dot_general3A_237 = tpu.matmul %mul3A_118, %squeeze3A_235, %dot_general3A_236 {dimension_numbers = #tpu.dot_dimension_numbers<[1], [0], [0], [1], [0, 0, 1, 1], [], []>, transpose_lhs_hint = false} : vector<64x16xf32>, vector<16x16xf32>, vector<64x16xf32> -> vector<64x16xf32>
    %add3A_238 = arith.addf %add3A_233, %dot_general3A_237 : vector<64x16xf32>
    %slice3A_239 = vector.extract_strided_slice %get3A_22 {offsets = [3, 0, 0], sizes = [1, 1, 16], strides = [1, 1, 1]} : vector<4x1x16xf32> to vector<1x1x16xf32>
    %squeeze3A_240 = vector.shape_cast %slice3A_239 : vector<1x1x16xf32> to vector<1x16xf32>
    %add3A_241 = vector.broadcast %squeeze3A_240 : vector<1x16xf32> to vector<64x16xf32>
    %add3A_242 = arith.addf %add3A_238, %add3A_241 : vector<64x16xf32>
    %logistic3A_243 = arith.negf %add3A_242 : vector<64x16xf32>
    %logistic3A_244 = math.exp %logistic3A_243 : vector<64x16xf32>
    %logistic3A_245 = arith.constant 1.000000e+00 : f32
    %logistic3A_246 = vector.broadcast %logistic3A_245 : f32 to vector<64x16xf32>
    %logistic3A_247 = arith.addf %logistic3A_246, %logistic3A_244 : vector<64x16xf32>
    %logistic3A_248 = arith.divf %logistic3A_246, %logistic3A_247 : vector<64x16xf32>
    %mul3A_249 = arith.mulf %logistic3A_205, %add3A_116 : vector<64x16xf32>
    %mul3A_250 = arith.mulf %logistic3A_181, %tanh3A_224 : vector<64x16xf32>
    %add3A_251 = arith.addf %mul3A_249, %mul3A_250 : vector<64x16xf32>
    %tanh3A_252 = math.tanh %add3A_251 : vector<64x16xf32>
    %mul3A_253 = arith.mulf %logistic3A_248, %tanh3A_252 : vector<64x16xf32>
    %dot_general3A_254 = arith.constant dense<0.000000e+00> : vector<10000x16xf32>
    %dot_general3A_255 = tpu.matmul %convert_element_type3A_6, %mul3A_253, %dot_general3A_254 {dimension_numbers = #tpu.dot_dimension_numbers<[1], [0], [0], [1], [0, 0, 1, 1], [], []>, transpose_lhs_hint = false} : vector<10000x64xf32>, vector<64x16xf32>, vector<10000x16xf32> -> vector<10000x16xf32>
    %mul3A_256 = arith.mulf %get3A_1, %dot_general3A_255 : vector<10000x16xf32>
    %reduce_sum3A_257 = arith.constant dense<0.000000e+00> : vector<10000xf32>
    %reduce_sum3A_258 = vector.multi_reduction <add>, %mul3A_256, %reduce_sum3A_257 [1] : vector<10000x16xf32> to vector<10000xf32>
    %broadcast_in_dim3A_259 = vector.shape_cast %reduce_sum3A_258 : vector<10000xf32> to vector<10000x1xf32>
    %gt3A_260 = arith.constant 0.000000e+00 : f32
    %gt3A_261 = vector.broadcast %gt3A_260 : f32 to vector<10000x64xf32>
    %gt3A_262 = arith.cmpf ogt, %convert_element_type3A_6, %gt3A_261 : vector<10000x64xf32>
    %jit3A_263 = arith.constant 0xFF800000 : f32
    %broadcast_in_dim3A_264 = vector.shape_cast %broadcast_in_dim3A_259 : vector<10000x1xf32> to vector<10000x1xf32>
    %broadcast_in_dim3A_265 = vector.broadcast %broadcast_in_dim3A_264 : vector<10000x1xf32> to vector<10000x64xf32>
    %broadcast_in_dim3A_266 = vector.broadcast %jit3A_263 : f32 to vector<10000x64xf32>
    %select_n3A_267 = arith.select %gt3A_262, %broadcast_in_dim3A_265, %broadcast_in_dim3A_266 : vector<10000x64xi1>, vector<10000x64xf32>
    %reduce_max3A_268 = arith.constant dense<0xFF800000> : vector<64xf32>
    %reduce_max3A_269 = vector.multi_reduction <maximumf>, %select_n3A_267, %reduce_max3A_268 [0] : vector<10000x64xf32> to vector<64xf32>
    %broadcast_in_dim3A_270 = vector.shape_cast %reduce_max3A_269 : vector<64xf32> to vector<1x64xf32>
    %abs3A_271 = math.absf %broadcast_in_dim3A_270 : vector<1x64xf32>
    %lt3A_272 = arith.constant 0x7F800000 : f32
    %lt3A_273 = vector.broadcast %lt3A_272 : f32 to vector<1x64xf32>
    %lt3A_274 = arith.cmpf olt, %abs3A_271, %lt3A_273 : vector<1x64xf32>
    %jit3A_275 = arith.constant 0.000000e+00 : f32
    %broadcast_in_dim3A_276 = vector.broadcast %jit3A_275 : f32 to vector<1x64xf32>
    %select_n3A_277 = arith.select %lt3A_274, %broadcast_in_dim3A_270, %broadcast_in_dim3A_276 : vector<1x64xi1>, vector<1x64xf32>
    %mul3A_278 = vector.broadcast %select_n3A_277 : vector<1x64xf32> to vector<10000x64xf32>
    %mul3A_279 = arith.mulf %convert_element_type3A_6, %mul3A_278 : vector<10000x64xf32>
    %reduce_sum3A_280 = arith.constant dense<0.000000e+00> : vector<10000xf32>
    %reduce_sum3A_281 = vector.multi_reduction <add>, %mul3A_279, %reduce_sum3A_280 [1] : vector<10000x64xf32> to vector<10000xf32>
    %broadcast_in_dim3A_282 = vector.shape_cast %reduce_sum3A_281 : vector<10000xf32> to vector<10000x1xf32>
    %sub3A_283 = arith.subf %broadcast_in_dim3A_259, %broadcast_in_dim3A_282 : vector<10000x1xf32>
    %exp3A_284 = math.exp %sub3A_283 : vector<10000x1xf32>
    %mul3A_285 = vector.broadcast %exp3A_284 : vector<10000x1xf32> to vector<10000x64xf32>
    %mul3A_286 = arith.mulf %convert_element_type3A_6, %mul3A_285 : vector<10000x64xf32>
    %reduce_sum3A_287 = arith.constant dense<0.000000e+00> : vector<64xf32>
    %reduce_sum3A_288 = vector.multi_reduction <add>, %mul3A_286, %reduce_sum3A_287 [0] : vector<10000x64xf32> to vector<64xf32>
    %broadcast_in_dim3A_289 = vector.shape_cast %reduce_sum3A_288 : vector<64xf32> to vector<1x64xf32>
    %mul3A_290 = vector.broadcast %broadcast_in_dim3A_289 : vector<1x64xf32> to vector<10000x64xf32>
    %mul3A_291 = arith.mulf %convert_element_type3A_6, %mul3A_290 : vector<10000x64xf32>
    %reduce_sum3A_292 = arith.constant dense<0.000000e+00> : vector<10000xf32>
    %reduce_sum3A_293 = vector.multi_reduction <add>, %mul3A_291, %reduce_sum3A_292 [1] : vector<10000x64xf32> to vector<10000xf32>
    %broadcast_in_dim3A_294 = vector.shape_cast %reduce_sum3A_293 : vector<10000xf32> to vector<10000x1xf32>
    %add3A_295 = arith.constant 1.000000e-16 : f32
    %add3A_296 = vector.broadcast %add3A_295 : f32 to vector<10000x1xf32>
    %add3A_297 = arith.addf %broadcast_in_dim3A_294, %add3A_296 : vector<10000x1xf32>
    %div3A_298 = arith.divf %exp3A_284, %add3A_297 : vector<10000x1xf32>
    %mul3A_299 = vector.broadcast %div3A_298 : vector<10000x1xf32> to vector<10000x16xf32>
    %mul3A_300 = arith.mulf %mul3A_299, %get3A_1 : vector<10000x16xf32>
    %dot_general3A_301 = arith.constant dense<0.000000e+00> : vector<64x16xf32>
    %dot_general3A_302 = tpu.matmul %convert_element_type3A_6, %mul3A_300, %dot_general3A_301 {dimension_numbers = #tpu.dot_dimension_numbers<[0], [0], [1], [1], [0, 1, 1, 1], [], []>, transpose_lhs_hint = false} : vector<10000x64xf32>, vector<10000x16xf32>, vector<64x16xf32> -> vector<64x16xf32>
    %slice3A_303 = vector.extract_strided_slice %get3A_10 {offsets = [0, 0, 0], sizes = [1, 16, 16], strides = [1, 1, 1]} : vector<4x16x16xf32> to vector<1x16x16xf32>
    %squeeze3A_304 = vector.shape_cast %slice3A_303 : vector<1x16x16xf32> to vector<16x16xf32>
    %dot_general3A_305 = arith.constant dense<0.000000e+00> : vector<64x16xf32>
    %dot_general3A_306 = tpu.matmul %mul3A_253, %squeeze3A_304, %dot_general3A_305 {dimension_numbers = #tpu.dot_dimension_numbers<[1], [0], [0], [1], [0, 0, 1, 1], [], []>, transpose_lhs_hint = false} : vector<64x16xf32>, vector<16x16xf32>, vector<64x16xf32> -> vector<64x16xf32>
    %slice3A_307 = vector.extract_strided_slice %get3A_14 {offsets = [0, 0, 0], sizes = [1, 16, 16], strides = [1, 1, 1]} : vector<4x16x16xf32> to vector<1x16x16xf32>
    %squeeze3A_308 = vector.shape_cast %slice3A_307 : vector<1x16x16xf32> to vector<16x16xf32>
    %dot_general3A_309 = arith.constant dense<0.000000e+00> : vector<64x16xf32>
    %dot_general3A_310 = tpu.matmul %dot_general3A_302, %squeeze3A_308, %dot_general3A_309 {dimension_numbers = #tpu.dot_dimension_numbers<[1], [0], [0], [1], [0, 0, 1, 1], [], []>, transpose_lhs_hint = false} : vector<64x16xf32>, vector<16x16xf32>, vector<64x16xf32> -> vector<64x16xf32>
    %add3A_311 = arith.addf %dot_general3A_306, %dot_general3A_310 : vector<64x16xf32>
    %slice3A_312 = vector.extract_strided_slice %get3A_18 {offsets = [0, 0, 0], sizes = [1, 16, 16], strides = [1, 1, 1]} : vector<4x16x16xf32> to vector<1x16x16xf32>
    %squeeze3A_313 = vector.shape_cast %slice3A_312 : vector<1x16x16xf32> to vector<16x16xf32>
    %dot_general3A_314 = arith.constant dense<0.000000e+00> : vector<64x16xf32>
    %dot_general3A_315 = tpu.matmul %mul3A_253, %squeeze3A_313, %dot_general3A_314 {dimension_numbers = #tpu.dot_dimension_numbers<[1], [0], [0], [1], [0, 0, 1, 1], [], []>, transpose_lhs_hint = false} : vector<64x16xf32>, vector<16x16xf32>, vector<64x16xf32> -> vector<64x16xf32>
    %add3A_316 = arith.addf %add3A_311, %dot_general3A_315 : vector<64x16xf32>
    %slice3A_317 = vector.extract_strided_slice %get3A_22 {offsets = [0, 0, 0], sizes = [1, 1, 16], strides = [1, 1, 1]} : vector<4x1x16xf32> to vector<1x1x16xf32>
    %squeeze3A_318 = vector.shape_cast %slice3A_317 : vector<1x1x16xf32> to vector<1x16xf32>
    %add3A_319 = vector.broadcast %squeeze3A_318 : vector<1x16xf32> to vector<64x16xf32>
    %add3A_320 = arith.addf %add3A_316, %add3A_319 : vector<64x16xf32>
    %logistic3A_321 = arith.negf %add3A_320 : vector<64x16xf32>
    %logistic3A_322 = math.exp %logistic3A_321 : vector<64x16xf32>
    %logistic3A_323 = arith.constant 1.000000e+00 : f32
    %logistic3A_324 = vector.broadcast %logistic3A_323 : f32 to vector<64x16xf32>
    %logistic3A_325 = arith.addf %logistic3A_324, %logistic3A_322 : vector<64x16xf32>
    %logistic3A_326 = arith.divf %logistic3A_324, %logistic3A_325 : vector<64x16xf32>
    %slice3A_327 = vector.extract_strided_slice %get3A_10 {offsets = [1, 0, 0], sizes = [1, 16, 16], strides = [1, 1, 1]} : vector<4x16x16xf32> to vector<1x16x16xf32>
    %squeeze3A_328 = vector.shape_cast %slice3A_327 : vector<1x16x16xf32> to vector<16x16xf32>
    %dot_general3A_329 = arith.constant dense<0.000000e+00> : vector<64x16xf32>
    %dot_general3A_330 = tpu.matmul %mul3A_253, %squeeze3A_328, %dot_general3A_329 {dimension_numbers = #tpu.dot_dimension_numbers<[1], [0], [0], [1], [0, 0, 1, 1], [], []>, transpose_lhs_hint = false} : vector<64x16xf32>, vector<16x16xf32>, vector<64x16xf32> -> vector<64x16xf32>
    %slice3A_331 = vector.extract_strided_slice %get3A_14 {offsets = [1, 0, 0], sizes = [1, 16, 16], strides = [1, 1, 1]} : vector<4x16x16xf32> to vector<1x16x16xf32>
    %squeeze3A_332 = vector.shape_cast %slice3A_331 : vector<1x16x16xf32> to vector<16x16xf32>
    %dot_general3A_333 = arith.constant dense<0.000000e+00> : vector<64x16xf32>
    %dot_general3A_334 = tpu.matmul %dot_general3A_302, %squeeze3A_332, %dot_general3A_333 {dimension_numbers = #tpu.dot_dimension_numbers<[1], [0], [0], [1], [0, 0, 1, 1], [], []>, transpose_lhs_hint = false} : vector<64x16xf32>, vector<16x16xf32>, vector<64x16xf32> -> vector<64x16xf32>
    %add3A_335 = arith.addf %dot_general3A_330, %dot_general3A_334 : vector<64x16xf32>
    %slice3A_336 = vector.extract_strided_slice %get3A_18 {offsets = [1, 0, 0], sizes = [1, 16, 16], strides = [1, 1, 1]} : vector<4x16x16xf32> to vector<1x16x16xf32>
    %squeeze3A_337 = vector.shape_cast %slice3A_336 : vector<1x16x16xf32> to vector<16x16xf32>
    %dot_general3A_338 = arith.constant dense<0.000000e+00> : vector<64x16xf32>
    %dot_general3A_339 = tpu.matmul %mul3A_253, %squeeze3A_337, %dot_general3A_338 {dimension_numbers = #tpu.dot_dimension_numbers<[1], [0], [0], [1], [0, 0, 1, 1], [], []>, transpose_lhs_hint = false} : vector<64x16xf32>, vector<16x16xf32>, vector<64x16xf32> -> vector<64x16xf32>
    %add3A_340 = arith.addf %add3A_335, %dot_general3A_339 : vector<64x16xf32>
    %slice3A_341 = vector.extract_strided_slice %get3A_22 {offsets = [1, 0, 0], sizes = [1, 1, 16], strides = [1, 1, 1]} : vector<4x1x16xf32> to vector<1x1x16xf32>
    %squeeze3A_342 = vector.shape_cast %slice3A_341 : vector<1x1x16xf32> to vector<1x16xf32>
    %add3A_343 = vector.broadcast %squeeze3A_342 : vector<1x16xf32> to vector<64x16xf32>
    %add3A_344 = arith.addf %add3A_340, %add3A_343 : vector<64x16xf32>
    %logistic3A_345 = arith.negf %add3A_344 : vector<64x16xf32>
    %logistic3A_346 = math.exp %logistic3A_345 : vector<64x16xf32>
    %logistic3A_347 = arith.constant 1.000000e+00 : f32
    %logistic3A_348 = vector.broadcast %logistic3A_347 : f32 to vector<64x16xf32>
    %logistic3A_349 = arith.addf %logistic3A_348, %logistic3A_346 : vector<64x16xf32>
    %logistic3A_350 = arith.divf %logistic3A_348, %logistic3A_349 : vector<64x16xf32>
    %slice3A_351 = vector.extract_strided_slice %get3A_10 {offsets = [2, 0, 0], sizes = [1, 16, 16], strides = [1, 1, 1]} : vector<4x16x16xf32> to vector<1x16x16xf32>
    %squeeze3A_352 = vector.shape_cast %slice3A_351 : vector<1x16x16xf32> to vector<16x16xf32>
    %dot_general3A_353 = arith.constant dense<0.000000e+00> : vector<64x16xf32>
    %dot_general3A_354 = tpu.matmul %mul3A_253, %squeeze3A_352, %dot_general3A_353 {dimension_numbers = #tpu.dot_dimension_numbers<[1], [0], [0], [1], [0, 0, 1, 1], [], []>, transpose_lhs_hint = false} : vector<64x16xf32>, vector<16x16xf32>, vector<64x16xf32> -> vector<64x16xf32>
    %slice3A_355 = vector.extract_strided_slice %get3A_14 {offsets = [2, 0, 0], sizes = [1, 16, 16], strides = [1, 1, 1]} : vector<4x16x16xf32> to vector<1x16x16xf32>
    %squeeze3A_356 = vector.shape_cast %slice3A_355 : vector<1x16x16xf32> to vector<16x16xf32>
    %dot_general3A_357 = arith.constant dense<0.000000e+00> : vector<64x16xf32>
    %dot_general3A_358 = tpu.matmul %dot_general3A_302, %squeeze3A_356, %dot_general3A_357 {dimension_numbers = #tpu.dot_dimension_numbers<[1], [0], [0], [1], [0, 0, 1, 1], [], []>, transpose_lhs_hint = false} : vector<64x16xf32>, vector<16x16xf32>, vector<64x16xf32> -> vector<64x16xf32>
    %add3A_359 = arith.addf %dot_general3A_354, %dot_general3A_358 : vector<64x16xf32>
    %slice3A_360 = vector.extract_strided_slice %get3A_18 {offsets = [2, 0, 0], sizes = [1, 16, 16], strides = [1, 1, 1]} : vector<4x16x16xf32> to vector<1x16x16xf32>
    %squeeze3A_361 = vector.shape_cast %slice3A_360 : vector<1x16x16xf32> to vector<16x16xf32>
    %dot_general3A_362 = arith.constant dense<0.000000e+00> : vector<64x16xf32>
    %dot_general3A_363 = tpu.matmul %mul3A_253, %squeeze3A_361, %dot_general3A_362 {dimension_numbers = #tpu.dot_dimension_numbers<[1], [0], [0], [1], [0, 0, 1, 1], [], []>, transpose_lhs_hint = false} : vector<64x16xf32>, vector<16x16xf32>, vector<64x16xf32> -> vector<64x16xf32>
    %add3A_364 = arith.addf %add3A_359, %dot_general3A_363 : vector<64x16xf32>
    %slice3A_365 = vector.extract_strided_slice %get3A_22 {offsets = [2, 0, 0], sizes = [1, 1, 16], strides = [1, 1, 1]} : vector<4x1x16xf32> to vector<1x1x16xf32>
    %squeeze3A_366 = vector.shape_cast %slice3A_365 : vector<1x1x16xf32> to vector<1x16xf32>
    %add3A_367 = vector.broadcast %squeeze3A_366 : vector<1x16xf32> to vector<64x16xf32>
    %add3A_368 = arith.addf %add3A_364, %add3A_367 : vector<64x16xf32>
    %tanh3A_369 = math.tanh %add3A_368 : vector<64x16xf32>
    %slice3A_370 = vector.extract_strided_slice %get3A_10 {offsets = [3, 0, 0], sizes = [1, 16, 16], strides = [1, 1, 1]} : vector<4x16x16xf32> to vector<1x16x16xf32>
    %squeeze3A_371 = vector.shape_cast %slice3A_370 : vector<1x16x16xf32> to vector<16x16xf32>
    %dot_general3A_372 = arith.constant dense<0.000000e+00> : vector<64x16xf32>
    %dot_general3A_373 = tpu.matmul %mul3A_253, %squeeze3A_371, %dot_general3A_372 {dimension_numbers = #tpu.dot_dimension_numbers<[1], [0], [0], [1], [0, 0, 1, 1], [], []>, transpose_lhs_hint = false} : vector<64x16xf32>, vector<16x16xf32>, vector<64x16xf32> -> vector<64x16xf32>
    %slice3A_374 = vector.extract_strided_slice %get3A_14 {offsets = [3, 0, 0], sizes = [1, 16, 16], strides = [1, 1, 1]} : vector<4x16x16xf32> to vector<1x16x16xf32>
    %squeeze3A_375 = vector.shape_cast %slice3A_374 : vector<1x16x16xf32> to vector<16x16xf32>
    %dot_general3A_376 = arith.constant dense<0.000000e+00> : vector<64x16xf32>
    %dot_general3A_377 = tpu.matmul %dot_general3A_302, %squeeze3A_375, %dot_general3A_376 {dimension_numbers = #tpu.dot_dimension_numbers<[1], [0], [0], [1], [0, 0, 1, 1], [], []>, transpose_lhs_hint = false} : vector<64x16xf32>, vector<16x16xf32>, vector<64x16xf32> -> vector<64x16xf32>
    %add3A_378 = arith.addf %dot_general3A_373, %dot_general3A_377 : vector<64x16xf32>
    %slice3A_379 = vector.extract_strided_slice %get3A_18 {offsets = [3, 0, 0], sizes = [1, 16, 16], strides = [1, 1, 1]} : vector<4x16x16xf32> to vector<1x16x16xf32>
    %squeeze3A_380 = vector.shape_cast %slice3A_379 : vector<1x16x16xf32> to vector<16x16xf32>
    %dot_general3A_381 = arith.constant dense<0.000000e+00> : vector<64x16xf32>
    %dot_general3A_382 = tpu.matmul %mul3A_253, %squeeze3A_380, %dot_general3A_381 {dimension_numbers = #tpu.dot_dimension_numbers<[1], [0], [0], [1], [0, 0, 1, 1], [], []>, transpose_lhs_hint = false} : vector<64x16xf32>, vector<16x16xf32>, vector<64x16xf32> -> vector<64x16xf32>
    %add3A_383 = arith.addf %add3A_378, %dot_general3A_382 : vector<64x16xf32>
    %slice3A_384 = vector.extract_strided_slice %get3A_22 {offsets = [3, 0, 0], sizes = [1, 1, 16], strides = [1, 1, 1]} : vector<4x1x16xf32> to vector<1x1x16xf32>
    %squeeze3A_385 = vector.shape_cast %slice3A_384 : vector<1x1x16xf32> to vector<1x16xf32>
    %add3A_386 = vector.broadcast %squeeze3A_385 : vector<1x16xf32> to vector<64x16xf32>
    %add3A_387 = arith.addf %add3A_383, %add3A_386 : vector<64x16xf32>
    %logistic3A_388 = arith.negf %add3A_387 : vector<64x16xf32>
    %logistic3A_389 = math.exp %logistic3A_388 : vector<64x16xf32>
    %logistic3A_390 = arith.constant 1.000000e+00 : f32
    %logistic3A_391 = vector.broadcast %logistic3A_390 : f32 to vector<64x16xf32>
    %logistic3A_392 = arith.addf %logistic3A_391, %logistic3A_389 : vector<64x16xf32>
    %logistic3A_393 = arith.divf %logistic3A_391, %logistic3A_392 : vector<64x16xf32>
    %mul3A_394 = arith.mulf %logistic3A_350, %add3A_251 : vector<64x16xf32>
    %mul3A_395 = arith.mulf %logistic3A_326, %tanh3A_369 : vector<64x16xf32>
    %add3A_396 = arith.addf %mul3A_394, %mul3A_395 : vector<64x16xf32>
    %tanh3A_397 = math.tanh %add3A_396 : vector<64x16xf32>
    %mul3A_398 = arith.mulf %logistic3A_393, %tanh3A_397 : vector<64x16xf32>
    %dot_general3A_399 = arith.constant dense<0.000000e+00> : vector<10000x16xf32>
    %dot_general3A_400 = tpu.matmul %convert_element_type3A_6, %mul3A_398, %dot_general3A_399 {dimension_numbers = #tpu.dot_dimension_numbers<[1], [0], [0], [1], [0, 0, 1, 1], [], []>, transpose_lhs_hint = false} : vector<10000x64xf32>, vector<64x16xf32>, vector<10000x16xf32> -> vector<10000x16xf32>
    %mul3A_401 = arith.mulf %get3A_1, %dot_general3A_400 : vector<10000x16xf32>
    %reduce_sum3A_402 = arith.constant dense<0.000000e+00> : vector<10000xf32>
    %reduce_sum3A_403 = vector.multi_reduction <add>, %mul3A_401, %reduce_sum3A_402 [1] : vector<10000x16xf32> to vector<10000xf32>
    %broadcast_in_dim3A_404 = vector.shape_cast %reduce_sum3A_403 : vector<10000xf32> to vector<10000x1xf32>
    %gt3A_405 = arith.constant 0.000000e+00 : f32
    %gt3A_406 = vector.broadcast %gt3A_405 : f32 to vector<10000x64xf32>
    %gt3A_407 = arith.cmpf ogt, %convert_element_type3A_6, %gt3A_406 : vector<10000x64xf32>
    %jit3A_408 = arith.constant 0xFF800000 : f32
    %broadcast_in_dim3A_409 = vector.shape_cast %broadcast_in_dim3A_404 : vector<10000x1xf32> to vector<10000x1xf32>
    %broadcast_in_dim3A_410 = vector.broadcast %broadcast_in_dim3A_409 : vector<10000x1xf32> to vector<10000x64xf32>
    %broadcast_in_dim3A_411 = vector.broadcast %jit3A_408 : f32 to vector<10000x64xf32>
    %select_n3A_412 = arith.select %gt3A_407, %broadcast_in_dim3A_410, %broadcast_in_dim3A_411 : vector<10000x64xi1>, vector<10000x64xf32>
    %reduce_max3A_413 = arith.constant dense<0xFF800000> : vector<64xf32>
    %reduce_max3A_414 = vector.multi_reduction <maximumf>, %select_n3A_412, %reduce_max3A_413 [0] : vector<10000x64xf32> to vector<64xf32>
    %broadcast_in_dim3A_415 = vector.shape_cast %reduce_max3A_414 : vector<64xf32> to vector<1x64xf32>
    %abs3A_416 = math.absf %broadcast_in_dim3A_415 : vector<1x64xf32>
    %lt3A_417 = arith.constant 0x7F800000 : f32
    %lt3A_418 = vector.broadcast %lt3A_417 : f32 to vector<1x64xf32>
    %lt3A_419 = arith.cmpf olt, %abs3A_416, %lt3A_418 : vector<1x64xf32>
    %jit3A_420 = arith.constant 0.000000e+00 : f32
    %broadcast_in_dim3A_421 = vector.broadcast %jit3A_420 : f32 to vector<1x64xf32>
    %select_n3A_422 = arith.select %lt3A_419, %broadcast_in_dim3A_415, %broadcast_in_dim3A_421 : vector<1x64xi1>, vector<1x64xf32>
    %mul3A_423 = vector.broadcast %select_n3A_422 : vector<1x64xf32> to vector<10000x64xf32>
    %mul3A_424 = arith.mulf %convert_element_type3A_6, %mul3A_423 : vector<10000x64xf32>
    %reduce_sum3A_425 = arith.constant dense<0.000000e+00> : vector<10000xf32>
    %reduce_sum3A_426 = vector.multi_reduction <add>, %mul3A_424, %reduce_sum3A_425 [1] : vector<10000x64xf32> to vector<10000xf32>
    %broadcast_in_dim3A_427 = vector.shape_cast %reduce_sum3A_426 : vector<10000xf32> to vector<10000x1xf32>
    %sub3A_428 = arith.subf %broadcast_in_dim3A_404, %broadcast_in_dim3A_427 : vector<10000x1xf32>
    %exp3A_429 = math.exp %sub3A_428 : vector<10000x1xf32>
    %mul3A_430 = vector.broadcast %exp3A_429 : vector<10000x1xf32> to vector<10000x64xf32>
    %mul3A_431 = arith.mulf %convert_element_type3A_6, %mul3A_430 : vector<10000x64xf32>
    %reduce_sum3A_432 = arith.constant dense<0.000000e+00> : vector<64xf32>
    %reduce_sum3A_433 = vector.multi_reduction <add>, %mul3A_431, %reduce_sum3A_432 [0] : vector<10000x64xf32> to vector<64xf32>
    %broadcast_in_dim3A_434 = vector.shape_cast %reduce_sum3A_433 : vector<64xf32> to vector<1x64xf32>
    %mul3A_435 = vector.broadcast %broadcast_in_dim3A_434 : vector<1x64xf32> to vector<10000x64xf32>
    %mul3A_436 = arith.mulf %convert_element_type3A_6, %mul3A_435 : vector<10000x64xf32>
    %reduce_sum3A_437 = arith.constant dense<0.000000e+00> : vector<10000xf32>
    %reduce_sum3A_438 = vector.multi_reduction <add>, %mul3A_436, %reduce_sum3A_437 [1] : vector<10000x64xf32> to vector<10000xf32>
    %broadcast_in_dim3A_439 = vector.shape_cast %reduce_sum3A_438 : vector<10000xf32> to vector<10000x1xf32>
    %add3A_440 = arith.constant 1.000000e-16 : f32
    %add3A_441 = vector.broadcast %add3A_440 : f32 to vector<10000x1xf32>
    %add3A_442 = arith.addf %broadcast_in_dim3A_439, %add3A_441 : vector<10000x1xf32>
    %div3A_443 = arith.divf %exp3A_429, %add3A_442 : vector<10000x1xf32>
    %mul3A_444 = vector.broadcast %div3A_443 : vector<10000x1xf32> to vector<10000x16xf32>
    %mul3A_445 = arith.mulf %mul3A_444, %get3A_1 : vector<10000x16xf32>
    %dot_general3A_446 = arith.constant dense<0.000000e+00> : vector<64x16xf32>
    %dot_general3A_447 = tpu.matmul %convert_element_type3A_6, %mul3A_445, %dot_general3A_446 {dimension_numbers = #tpu.dot_dimension_numbers<[0], [0], [1], [1], [0, 1, 1, 1], [], []>, transpose_lhs_hint = false} : vector<10000x64xf32>, vector<10000x16xf32>, vector<64x16xf32> -> vector<64x16xf32>
    %get3A_448 = arith.constant 0 : index
    %get3A_449 = arith.constant 0 : index
    %get3A_450 = vector.load %arg6[%get3A_448, %get3A_449] : memref<16x64xf32, #tpu.memory_space<vmem>>, vector<16x64xf32>
    %dot_general3A_451 = arith.constant dense<0.000000e+00> : vector<64x64xf32>
    %dot_general3A_452 = tpu.matmul %mul3A_398, %get3A_450, %dot_general3A_451 {dimension_numbers = #tpu.dot_dimension_numbers<[1], [0], [0], [1], [0, 0, 1, 1], [], []>, transpose_lhs_hint = false} : vector<64x16xf32>, vector<16x64xf32>, vector<64x64xf32> -> vector<64x64xf32>
    %get3A_453 = arith.constant 0 : index
    %get3A_454 = arith.constant 0 : index
    %get3A_455 = vector.load %arg7[%get3A_453, %get3A_454] : memref<16x64xf32, #tpu.memory_space<vmem>>, vector<16x64xf32>
    %dot_general3A_456 = arith.constant dense<0.000000e+00> : vector<64x64xf32>
    %dot_general3A_457 = tpu.matmul %dot_general3A_447, %get3A_455, %dot_general3A_456 {dimension_numbers = #tpu.dot_dimension_numbers<[1], [0], [0], [1], [0, 0, 1, 1], [], []>, transpose_lhs_hint = false} : vector<64x16xf32>, vector<16x64xf32>, vector<64x64xf32> -> vector<64x64xf32>
    %add3A_458 = arith.addf %dot_general3A_452, %dot_general3A_457 : vector<64x64xf32>
    %get3A_459 = arith.constant 0 : index
    %get3A_460 = arith.constant 0 : index
    %get3A_461 = vector.load %arg8[%get3A_459, %get3A_460] : memref<1x64xf32, #tpu.memory_space<vmem>>, vector<1x64xf32>
    %add3A_462 = vector.broadcast %get3A_461 : vector<1x64xf32> to vector<64x64xf32>
    %add3A_463 = arith.addf %add3A_458, %add3A_462 : vector<64x64xf32>
    %max3A = arith.constant 0.000000e+00 : f32
    %max3A_464 = vector.broadcast %max3A : f32 to vector<64x64xf32>
    %max3A_465 = arith.maximumf %add3A_463, %max3A_464 : vector<64x64xf32>
    %swap3A = arith.constant 0 : index
    %swap3A_466 = arith.constant 0 : index
    %swap3A_467 = vector.load %arg9[%swap3A, %swap3A_466] : memref<64x64xf32, #tpu.memory_space<vmem>>, vector<64x64xf32>
    tpu.vector_store %arg9[%swap3A, %swap3A_466], %max3A_465 {strides = array<i32>} : memref<64x64xf32, #tpu.memory_space<vmem>>, vector<64x64xf32>,
    return
  }
}

</mosaic_0001>

<sc_bundles>
// kernel: kernel.17.cloned.1.call-start
scs
__scs_entry_jumppad:
0x0: {  	(pc) =	sbr.rel $0x88, $3  }
0x1: {  	(tag) =	ssettag $0x0;
	lr =	simm.s32 $0x1  }
0x2: {  	[smem:$0x3F8B] =	sst lr;
	_ =	strace $0xD0000000  }
0x3: {  	_ = 	snop  }
0x4: {  	_ = 	snop  }
0x5: {  	_ = 	snop  }
0x6: {  	_ = 	snop  }
0x7: {  	_ = 	snop  }
__scs_overlays_trampoline_lowered:
0x8: {  	[smem:$0x3F9A] =	sst s0  }
0x9: {  	[smem:$0x3F9B] =	sst s1  }
0xa: {  	[smem:$0x3F9C] =	sst s2  }
0xb: {  	[smem:$0x3F9D] =	sst s3  }
0xc: {  	[smem:$0x3F9E] =	sst s4  }
0xd: {  	[smem:$0x3F9F] =	sst s5  }
0xe: {  	[smem:$0x3FA0] =	sst s6  }
0xf: {  	[smem:$0x3FA1] =	sst s7  }
0x10: {  	[smem:$0x3FA2] =	sst s8  }
0x11: {  	[smem:$0x3FA3] =	sst s9;
	s0 =	simm.s32 @!p0 $0x0  }
0x12: {  	s1 =	sld [smem:$0x3F89];
	s0 =	simm.s32 @p0 $0x1  }
0x13: {  	[smem:$0x3FA4] =	sst s0;
	s0 =	simm.s32 @!p1 $0x0  }
0x14: {  	s2 =	sld [smem:$0x3F88];
	s0 =	simm.s32 @p1 $0x1  }
0x15: {  	[smem:$0x3FA5] =	sst s0;
	s0 =	simm.s32 @!p2 $0x0  }
0x16: {  	s3 =	sld [smem:$0x3FDB];
	s0 =	simm.s32 @p2 $0x1  }
0x17: {  	s4 =	simm.s32 $0x1BF5;
	[smem:$0x3FA7] =	sst s0  }
0x18: {  	s0 =	sld [smem:$0x3F8A];
	_ =	swait.ge [sflag:s4], $0x0  }
0x19: {  	s7 =	sld [smem:$0x3F8B]  }
0x1a: {  	s8 =	sadd.s32 $0xFFFFE003, lr  }
0x1b: {  	s9 =	sadd.s32 $0xFFFFFEF7, lr;
	s5 =	simm.s32 $0xFFFFFFFF;
	p2 =	slt.u32 s8, $0xFFFFF086  }
0x1c: {  	p1 =	slt.u32 s9, $0xF7A;
	s5 =	simm.s32 @!p2 $0x0  }
0x1d: {  	s5 =	simm.s32 @p1 $0x1;
	p0 =	seq.s32 s7, s2  }
0x1e: {  	s7 =	smul.u32 @!p0 $0xF7A, s2;
	p2 =	seq.s32 @!p0 s5, $0x0  }
0x1f: {  	s9 =	smul.u32 $0xF7A, s1;
	s8 =	simm.s32 @!p0 $0x1BF5;
	p2 =	por !p2, p0  }
0x20: {  	[sflag:s8] =	ssyncset.s32 @!p0 $0xFFFFF086;
	s6 =	sadd.s32 @!p0 s3, s7;
	s7 =	simm.s32 @!p0 $0x108  }
0x21: {  	s3 =	sadd.s32 s3, s9;
	s6 =	sadd.s32 @!p0 $0x88, s6;
	s7 =	simm.s32 @p2 $0x1082  }
0x22: {  	[simem:s7], [sflag:s8] =	dma.local @!p0 [hbm:s6], $0xF7A  }
0x23: {  	s9 =	sor.u32 $0xD0000000, s2;
	s6 =	simm.s32 $0x108;
	_ =	swait.ge @!p0 [sflag:s8], $0x0  }
0x24: {  	s3 =	sadd.s32 $0x88, s3;
	s6 =	simm.s32 @!p1 $0x1082;
	[sflag:s4] =	ssyncset.s32 $0xFFFFF086  }
0x25: {  	[simem:s6], [sflag:s4] =	dma.local [hbm:s3], $0xF7A  }
0x26: {  	[smem:$0x3F8B] =	sst s1;
	(tag) =	ssettag s2;
	_ =	strace s9  }
0x27: {  	s1 =	sld [smem:$0x3F9B]  }
0x28: {  	s2 =	sld [smem:$0x3F9C]  }
0x29: {  	s4 =	sld [smem:$0x3F9E]  }
0x2a: {  	p0 =	seq.s32 s5, $0x0;
	s5 =	sld [smem:$0x3F9F]  }
0x2b: {  	s6 =	sld [smem:$0x3FA0]  }
0x2c: {  	s7 =	sld [smem:$0x3FA1]  }
0x2d: {  	s3 =	simm.s32 $0x108;
	s8 =	sld [smem:$0x3FA2]  }
0x2e: {  	s3 =	simm.s32 @!p0 $0x1082;
	s9 =	sld [smem:$0x3FA3]  }
0x2f: {  	lr =	sadd.s32 s0, s3;
	s0 =	sld [smem:$0x3F9A]  }
0x30: {  	s3 =	sld [smem:$0x3F9D]  }
0x31: {  	[smem:$0x3FA6] =	sst s10  }
0x32: {  	s10 =	sld [smem:$0x3FA4];
	_ =	sdelay $0x3  }
0x33: {  	p0 =	seq.s32 s10, $0x1;
	s10 =	sld [smem:$0x3FA6];
	_ =	sdelay $0x3  }
0x34: {  	[smem:$0x3FA6] =	sst s10  }
0x35: {  	s10 =	sld [smem:$0x3FA5];
	_ =	sdelay $0x3  }
0x36: {  	p1 =	seq.s32 s10, $0x1;
	s10 =	sld [smem:$0x3FA6];
	_ =	sdelay $0x3  }
0x37: {  	[smem:$0x3FA6] =	sst s10  }
0x38: {  	s10 =	sld [smem:$0x3FA7]  }
0x39: {  	_ = 	snop;
	(pc) =	sbr.ind lr, $3  }
0x3a: {  	_ = 	snop  }
0x3b: {  	_ = 	snop  }
0x3c: {  	p2 =	seq.s32 s10, $0x1;
	s10 =	sld [smem:$0x3FA6]  }
0x3d: {  	_ =	shalt  }
0x3e: {  	_ =	shalt  }
0x3f: {  	_ =	shalt  }
0x40: {  	_ =	shalt  }
0x41: {  	_ =	shalt  }
0x42: {  	_ =	shalt  }
0x43: {  	_ =	shalt  }
0x44: {  	_ =	shalt  }
0x45: {  	_ =	shalt  }
0x46: {  	_ =	shalt  }
0x47: {  	_ =	shalt  }
0x48: {  	_ =	shalt  }
0x49: {  	_ =	shalt  }
0x4a: {  	_ =	shalt  }
0x4b: {  	_ =	shalt  }
0x4c: {  	_ =	shalt  }
0x4d: {  	_ =	shalt  }
0x4e: {  	_ =	shalt  }
0x4f: {  	_ =	shalt  }
0x50: {  	_ =	shalt  }
0x51: {  	_ =	shalt  }
0x52: {  	_ =	shalt  }
0x53: {  	_ =	shalt  }
0x54: {  	_ =	shalt  }
0x55: {  	_ =	shalt  }
0x56: {  	_ =	shalt  }
0x57: {  	_ =	shalt  }
0x58: {  	_ =	shalt  }
0x59: {  	_ =	shalt  }
0x5a: {  	_ =	shalt  }
0x5b: {  	_ =	shalt  }
0x5c: {  	_ =	shalt  }
0x5d: {  	_ =	shalt  }
0x5e: {  	_ =	shalt  }
0x5f: {  	_ =	shalt  }
0x60: {  	_ =	shalt  }
0x61: {  	_ =	shalt  }
0x62: {  	_ =	shalt  }
0x63: {  	_ =	shalt  }
0x64: {  	_ =	shalt  }
0x65: {  	_ =	shalt  }
0x66: {  	_ =	shalt  }
0x67: {  	_ =	shalt  }
0x68: {  	_ =	shalt  }
0x69: {  	_ =	shalt  }
0x6a: {  	_ =	shalt  }
0x6b: {  	_ =	shalt  }
0x6c: {  	_ =	shalt  }
0x6d: {  	_ =	shalt  }
0x6e: {  	_ =	shalt  }
0x6f: {  	_ =	shalt  }
0x70: {  	_ =	shalt  }
0x71: {  	_ =	shalt  }
0x72: {  	_ =	shalt  }
0x73: {  	_ =	shalt  }
0x74: {  	_ =	shalt  }
0x75: {  	_ =	shalt  }
0x76: {  	_ =	shalt  }
0x77: {  	_ =	shalt  }
0x78: {  	_ =	shalt  }
0x79: {  	_ =	shalt  }
0x7a: {  	_ =	shalt  }
0x7b: {  	_ =	shalt  }
0x7c: {  	_ =	shalt  }
0x7d: {  	_ =	shalt  }
0x7e: {  	_ =	shalt  }
0x7f: {  	_ =	shalt  }
0x80: {  	_ =	shalt  }
0x81: {  	_ =	shalt  }
0x82: {  	_ =	shalt  }
0x83: {  	_ =	shalt  }
0x84: {  	_ =	shalt  }
0x85: {  	_ =	shalt  }
0x86: {  	_ =	shalt  }
0x87: {  	_ =	shalt  }
.Lfunc_end0:
.L_simem_size_0:
called_computation_lowered:
.L_overlay_start_0:
0x88: {  	s2 =	sld [smem:$0x3FD9]  }
0x89: {  	s3 =	sld [smem:$0x3FFE];
	_ =	sdelay $0x1  }
0x8a: {  	s1 =	srdreg.scid  }
0x8b: {  	s0 =	sand.u32 $0x1, s1  }
0x8c: {  	s17 =	sshll.u32 s0, $0xA;
	s2 =	sadd.s32 s3, s2  }
0x8d: {  	s2 =	sadd.s32 s2, s17  }
0x8e: {  	[smem:$0x3FB2] =	sst s2  }
0x8f: {  	_ = 	snop  }
0x90: {  	(tm) =	ssettm $0x1  }
0x91: {  	s18 =	sld [smem:$0x3FFB];
	_ =	sdelay $0x3  }
0x92: {  	_ =	strace s18  }
0x93: {  	s2 =	sld [smem:$0x3FFC];
	_ =	sdelay $0x3  }
0x94: {  	_ =	strace s2  }
0x95: {  	s2 =	sld [smem:$0x3FFD];
	_ =	sdelay $0x3  }
0x96: {  	_ =	strace s2  }
0x97: {  	_ =	strace $0x8FFFFFFF  }
0x98: {  	s19 =	sld [smem:$0x3FDB];
	_ =	sdelay $0x1  }
0x99: {  	s20 =	simm.s32 $_scs_section_size  }
0x9a: {  	s4 =	simm.s32 $_size__tile_overlayer_lowered;
	s5 =	simm.s32 $_tile_overlayer_lowered  }
0x9b: {  	s6 =	simm.s32 $0x1BFF;
	s21 =	sshll.u32 s5, $0x1;
	s3 =	sadd.s32 s20, s19  }
0x9c: {  	s22 =	simm.s32 $0x0;
	s4 =	sshll.u32 s4, $0x1;
	s5 =	sadd.s32 s21, s3  }
0x9d: {  	[timem:s22], [sflag:s6] =	dma.local [hbm:s5], s4  }
0x9e: {  	_ =	swait.ge [sflag:s6], s4  }
0x9f: {  	s4 =	ssub.s32 $0x0, s4;
	[sflag:s6] =	ssyncset.done $0x0  }
0xa0: {  	[sflag:s6] =	ssyncadd.s32 s4;
	_ =	sdelay $0x1  }
0xa1: {  	s23 =	simm.s32 $0x1B8B  }
0xa2: {  	_ =	swait.ge [sflag:s23], $0x1  }
0xa3: {  	[sflag:s23] =	ssyncset.done $0x0  }
0xa4: {  	[sflag:s23] =	ssyncadd.s32 $0xFFFFFFFF  }
0xa5: {  	s4 =	sld [smem:$0x0]  }
0xa6: {  	s5 =	sand.u32 $0xFFFFFFFE, s1  }
0xa7: {  	p0 =	sne.s32 s1, s5  }
0xa8: {  	s5 =	sshll.u32 @p0 s5, $0xE  }
0xa9: {  	s5 =	sadd.s32 @p0 $0x11B8D, s5;
	s6 =	sshll.u32 @p0 s4, $0x11  }
0xaa: {  	s5 =	sor.u32 @p0 s6, s5  }
0xab: {  	[sflag:s5] =	ssyncadd.remote.s32 @p0 $0x1;
	_ =	sdelay $0x1  }
0xac: {  	s5 =	simm.s32 @p0 $0x1B8D  }
0xad: {  	_ =	swait.eq @p0 [sflag:s5], $0x1  }
0xae: {  	[sflag:s5] =	ssyncadd.s32 @p0 $0xFFFFFFFF  }
0xaf: {  	s6 =	sshll.u32 @!p0 s1, $0xE  }
0xb0: {  	s6 =	sor.u32 @!p0 $0x4000, s6;
	s5 =	simm.s32 @!p0 $0x1B8D  }
0xb1: {  	s4 =	sshll.u32 @!p0 s4, $0x11;
	s6 =	sadd.s32 @!p0 $0x11B8D, s6;
	_ =	swait.eq @!p0 [sflag:s5], $0x1  }
0xb2: {  	s4 =	sor.u32 @!p0 s4, s6;
	[sflag:s5] =	ssyncadd.s32 @!p0 $0xFFFFFFFF  }
0xb3: {  	s25 =	simm.s32 $0x1B8E;
	s24 =	sld [smem:$0x3FFE];
	[sflag:s4] =	ssyncadd.remote.s32 @!p0 $0x1  }
0xb4: {  	s26 =	simm.s32 $execute0_lowered;
	[smem:$0x3FD2] =	sst s25  }
0xb5: {  	s5 =	sshll.u32 s26, $0x1;
	_ =	strace $0x80000049;
	[dreg:$0x1] =	wrdreg $0xFFFFFFFF  }
0xb6: {  	s28 =	simm.s32 $_size_execute0_lowered;
	s3 =	sadd.s32 s3, s5;
	[dreg:$0x0] =	wrdreg $0x0  }
0xb7: {  	s5 =	sshll.u32 s28, $0x1;
	[dreg:$0x2] =	wrdreg s3  }
0xb8: {  	[dreg:$0x3] =	wrdreg s5  }
0xb9: {  	[dreg:$0x4] =	wrdreg $0xC0  }
0xba: {  	_ =	task [dreg:s22], $0x5FFFF  }
0xbb: {  	[dreg:$0x1] =	wrdreg $0xFFFFFFFF  }
0xbc: {  	[dreg:$0x0] =	wrdreg $0x60  }
0xbd: {  	[dreg:$0x2] =	wrdreg s24  }
0xbe: {  	[dreg:$0x3] =	wrdreg $0x14C080  }
0xbf: {  	[dreg:$0x4] =	wrdreg $0x9  }
0xc0: {  	_ =	task.clear_ibuf [dreg:s22], $0x5FFFF;
	_ =	strace $0x90000049  }
0xc1: {  	s29 =	simm.s32 $0x9;
	_ =	strace $0x8000004B  }
0xc2: {  	_ =	swait.ge [sflag:s29], $0x1  }
0xc3: {  	[sflag:s29] =	ssyncadd.s32 $0xFFFFFFFF  }
0xc4: {  	_ =	strace $0x9000004B  }
0xc5: {  	_ =	sfence  }
0xc6: {  	s30 =	sld [smem:$0x0];
	_ =	sdelay $0x2  }
0xc7: {  	s31 =	sshll.u32 s1, $0xD;
	s1 =	sshrl.u32 s1, $0x2  }
0xc8: {  	s4 =	sand.u32 $0x4000, s31;
	s1 =	sadd.s32 s1, s30  }
0xc9: {  	s0 =	sor.u32 s4, s0;
	s1 =	sshll.u32 s1, $0x11  }
0xca: {  	s0 =	sor.u32 s1, s0  }
0xcb: {  	s0 =	sadd.s32 $0x8F2B, s0  }
0xcc: {  	[sflag:s0] =	ssyncadd.remote.s32 $0x1  }
0xcd: {  	_ =	sfence.sel $0xFFFF  }
0xce: {  	[dreg:$0x0] =	wrdreg $0xFFFFFFFF;
	(pc) =	sbr.abs _section_cstart, $3  }
0xcf: {  	[dreg:$0x1] =	wrdreg $0xFFFFFFFF  }
0xd0: {  	_ =	task.clear_ibuf [dreg:s22], $0x2FFFF;
	_ =	strace $0x9FFFFFFF  }
0xd1: {  	(tm) =	ssettm $0x7FFFFFFF  }
tec
execute0_lowered:
.L_overlay_start_1:
0x0: {  	(tag) =	ssettag $0x1  }
0x1: {  	s0 =	srdreg.scid  }
0x2: {  	s5 =	sand.u32 $0x1, s0  }
0x3: {  	s8 =	ssub.s32 $0x2, s5  }
0x4: {  	s3 =	rddreg [dreg:$0x0];
	s4 =	stileid.u32;
	s30 =	sshrl.u32 s8, $0x1  }
0x5: {  	s1 =	rddreg [dreg:$0x1];
	s6 =	sshll.u32 s4, $0x1;
	s8 =	ssub.s32 s8, s30  }
0x6: {  	s2 =	simm.s32 $0x0;
	s6 =	sor.u32 s5, s6;
	s31 =	smax.u32 s8, $0x1  }
0x7: {  	p1 =	por $0x0, $0x0;
	s7 =	smul.u32 $0x2710, s6;
	s12 =	sadd.s32 $0xFFFFFFFF, s31  }
0x8: {  	s0 =	rddreg [dreg:$0x2];
	s6 =	smul.u32 $0x271, s6;
	p2 =	sne.s32 s12, $0x0  }
.Ltmp0:
0x9: {  	[smem:$0x7FF] =	sst s2;
	s9 =	sadd.s32 $0x64000, s3;
	(pc) =	sbr.rel @!p2 .LBB2_3-.Ltmp0, $4  }
0xa: {  	p0 =	sne.s32 s4, $0x0;
	_ =	strace $0x8000004A;
	s5 =	smul.u32 $0x4E20, s5  }
0xb: {  	s4 =	sshrl.u32 @!p0 s1, $0x3;
	s10 =	sadd.s32 s7, s3;
	s6 =	sadd.s32 s6, s3  }
0xc: {  	s3 =	sadd.s32 s5, s3;
	s5 =	simm.s32 $0x1;
	s8 =	simm.s32 $0x1388  }
0xd: {  	s7 =	sadd.s32 $0x10E00, s6;
	s6 =	sadd.s32 $0x69000, s10;
	s3 =	sadd.s32 $0xB7200, s3  }
0xe: {  	s11 =	simm.s32 @!p0 $0x1C01;
	s10 =	simm.s32 @!p0 $0x1  }
0xf: {  	[spmem:s4], [sflag:s11] =	dma.local @!p0 [hbm:s9], $0x4E20  }
0x10: {  	_ =	swait.ge @!p0 [sflag:s10], $0x4E20  }
0x11: {  	[sflag:s10] =	ssyncset.done @!p0 $0x0  }
0x12: {  	[sflag:s10] =	ssyncadd.s32 @!p0 $0xFFFFB1E0  }
0x13: {  	[bflag:$0x0] =	sbarrier.arrive $0xFFFF  }
0x14: {  	[tilespmem:s2], [sflag:$0x1] =	stream.linear.gather [hbm4b:s7+s2], $0x1388, $0x38;
	[tilespmem:$0x17318] =	vst v63  }
0x15: {  	_ =	swait.ge [sflag:s5], $0x1388  }
0x16: {  	[sflag:s5] =	ssyncset.done $0x0  }
0x17: {  	[sflag:s5] =	ssyncadd.s32 $0xFFFFEC78  }
0x18: {  	[tilespmem:s8], [sflag:$0x1] =	stream.linear.gather [hbm4b:s6+s2], $0x13880, $0x38;
	[tilespmem:$0x17318] =	vst v63  }
0x19: {  	_ =	swait.ge [sflag:s5], $0x13880  }
0x1a: {  	[sflag:s5] =	ssyncset.done $0x0  }
0x1b: {  	[sflag:s5] =	ssyncadd.s32 $0xFFFEC780  }
0x1c: {  	[spmem:s1] =	stream.indirect.scatter.add.f32 [tilespmem:s8], [sflag:$0x1], $0x10, s2, s8, $0xb8;
	[tilespmem:$0x17318] =	vst v63  }
0x1d: {  	s12 =	sadd.s32 $0xFFFFFFFF, s12;
	_ =	swait.ge [sflag:s5], $0x13880  }
0x1e: {  	p2 =	sne.s32 s12, $0x0;
	[sflag:s5] =	ssyncset.done $0x0  }
.Ltmp1:
0x1f: {  	[sflag:s5] =	ssyncadd.s32 $0xFFFEC780;
	(pc) =	sbr.rel @!p2 .LBB2_3-.Ltmp1, $4  }
0x20: {  	[bflag:$0x0] =	sbarrier.arrive $0xFFFF  }
0x21: {  	[hbm:s3], [sflag:s11] =	dma.local @!p0 [spmem:s4], $0x4E20  }
0x22: {  	_ =	swait.ge @!p0 [sflag:s10], $0x4E20  }
0x23: {  	p1 =	por $0x1, $0x1;
	[sflag:s10] =	ssyncset.done @!p0 $0x0  }
.LBB2_2:
0x24: {  	[sflag:s10] =	ssyncadd.s32 @!p0 $0xFFFFB1E0  }
0x25: {  	[spmem:s4], [sflag:s11] =	dma.local @!p0 [hbm:s9], $0x4E20  }
0x26: {  	s12 =	sadd.s32 $0xFFFFFFFF, s12;
	_ =	swait.ge @!p0 [sflag:s10], $0x4E20  }
0x27: {  	p2 =	sne.s32 s12, $0x0;
	[sflag:s10] =	ssyncset.done @!p0 $0x0  }
0x28: {  	[sflag:s10] =	ssyncadd.s32 @!p0 $0xFFFFB1E0  }
0x29: {  	[bflag:$0x0] =	sbarrier.arrive $0xFFFF  }
0x2a: {  	[tilespmem:s2], [sflag:$0x1] =	stream.linear.gather [hbm4b:s7+s2], $0x1388, $0x38;
	[tilespmem:$0x17318] =	vst v63  }
0x2b: {  	_ =	swait.ge [sflag:s5], $0x1388  }
0x2c: {  	[sflag:s5] =	ssyncset.done $0x0  }
0x2d: {  	[sflag:s5] =	ssyncadd.s32 $0xFFFFEC78  }
0x2e: {  	[tilespmem:s8], [sflag:$0x1] =	stream.linear.gather [hbm4b:s6+s2], $0x13880, $0x38;
	[tilespmem:$0x17318] =	vst v63  }
0x2f: {  	_ =	swait.ge [sflag:s5], $0x13880  }
0x30: {  	[sflag:s5] =	ssyncset.done $0x0  }
0x31: {  	[sflag:s5] =	ssyncadd.s32 $0xFFFEC780  }
0x32: {  	[spmem:s1] =	stream.indirect.scatter.add.f32 [tilespmem:s8], [sflag:$0x1], $0x10, s2, s8, $0xb8;
	[tilespmem:$0x17318] =	vst v63  }
0x33: {  	_ =	swait.ge [sflag:s5], $0x13880  }
0x34: {  	[sflag:s5] =	ssyncset.done $0x0  }
.Ltmp2:
0x35: {  	[sflag:s5] =	ssyncadd.s32 $0xFFFEC780;
	(pc) =	sbr.rel @p2 .LBB2_2-.Ltmp2, $4  }
0x36: {  	[bflag:$0x0] =	sbarrier.arrive $0xFFFF  }
0x37: {  	[hbm:s3], [sflag:s11] =	dma.local @!p0 [spmem:s4], $0x4E20  }
0x38: {  	_ =	swait.ge @!p0 [sflag:s10], $0x4E20  }
0x39: {  	[sflag:s10] =	ssyncset.done @!p0 $0x0  }
.LBB2_3:
0x3a: {  	p1 =	por p0, !p1  }
0x3b: {  	s11 =	simm.s32 @!p0 $0x1C01;
	s12 =	simm.s32 @!p0 $0x1;
	[sflag:s10] =	ssyncadd.s32 @!p1 $0xFFFFB1E0  }
0x3c: {  	[spmem:s4], [sflag:s11] =	dma.local @!p0 [hbm:s9], $0x4E20  }
0x3d: {  	_ =	swait.ge @!p0 [sflag:s12], $0x4E20  }
0x3e: {  	[sflag:s12] =	ssyncset.done @!p0 $0x0  }
0x3f: {  	[sflag:s12] =	ssyncadd.s32 @!p0 $0xFFFFB1E0  }
0x40: {  	[bflag:$0x0] =	sbarrier.arrive $0xFFFF  }
0x41: {  	[tilespmem:s2], [sflag:$0x1] =	stream.linear.gather [hbm4b:s7+s2], $0x1388, $0x38;
	[tilespmem:$0x17318] =	vst v63  }
0x42: {  	_ =	swait.ge [sflag:s5], $0x1388  }
0x43: {  	[sflag:s5] =	ssyncset.done $0x0  }
0x44: {  	[sflag:s5] =	ssyncadd.s32 $0xFFFFEC78  }
0x45: {  	[tilespmem:s8], [sflag:$0x1] =	stream.linear.gather [hbm4b:s6+s2], $0x13880, $0x38;
	[tilespmem:$0x17318] =	vst v63  }
0x46: {  	_ =	swait.ge [sflag:s5], $0x13880  }
0x47: {  	[sflag:s5] =	ssyncset.done $0x0  }
0x48: {  	[sflag:s5] =	ssyncadd.s32 $0xFFFEC780  }
0x49: {  	[spmem:s1] =	stream.indirect.scatter.add.f32 [tilespmem:s8], [sflag:$0x1], $0x10, s2, s8, $0xb8;
	[tilespmem:$0x17318] =	vst v63  }
0x4a: {  	_ =	swait.ge [sflag:s5], $0x13880  }
0x4b: {  	[sflag:s5] =	ssyncset.done $0x0  }
0x4c: {  	[sflag:s5] =	ssyncadd.s32 $0xFFFEC780  }
0x4d: {  	[bflag:$0x0] =	sbarrier.arrive $0xFFFF  }
0x4e: {  	[hbm:s3], [sflag:s11] =	dma.local @!p0 [spmem:s4], $0x4E20  }
0x4f: {  	_ =	swait.ge @!p0 [sflag:s12], $0x4E20  }
0x50: {  	[sflag:s12] =	ssyncset.done @!p0 $0x0  }
0x51: {  	[sflag:s12] =	ssyncadd.s32 @!p0 $0xFFFFB1E0  }
0x52: {  	_ =	sfence.sel $0x180000  }
0x53: {  	[bflag:$0x0] =	sbarrier.arrive $0xFFFF  }
0x54: {  	_ =	strace $0x9000004A  }
0x55: {  	s0 =	sadd.s32 @!p0 $0x100000, s0;
	[bflag:$0x2] =	sbarrier.arrive $0xFFFF  }
0x56: {  	[sflag:s0] =	ssyncadd.tile.s32 @!p0 $0x1;
	_ =	shalt  }
.Lfunc_end2:
_tile_overlayer_lowered:
.L_overlay_start_2:
0x57: {  	(tag) =	ssettag $0x2  }
0x58: {  	s0 =	rddreg [dreg:$0x0];
	s2 =	stileid.u32  }
0x59: {  	s1 =	rddreg [dreg:$0x1];
	p0 =	sne.s32 s2, $0x0  }
0x5a: {  	s3 =	rddreg [dreg:$0x2];
	[bflag:$0x3] =	sbarrier.arrive $0xFFFF;
	s2 =	simm.s32 @!p0 $0x1C01  }
0x5b: {  	[timem:s3], [sflag:s2] =	dma.local @!p0 [hbm:s0], s1  }
0x5c: {  	s0 =	simm.s32 @!p0 $0x1  }
0x5d: {  	_ =	swait.ge @!p0 [sflag:s0], s1  }
0x5e: {  	s1 =	ssub.s32 @!p0 $0x0, s1;
	[sflag:s0] =	ssyncset.done @!p0 $0x0  }
0x5f: {  	[sflag:s0] =	ssyncadd.s32 @!p0 s1  }
0x60: {  	[bflag:$0x3] =	sbarrier.arrive $0xFFFF  }
0x61: {  	_ =	shalt  }

// kernel: kernel.20.cloned.1.call-start
scs
__scs_entry_jumppad:
0x0: {  	(pc) =	sbr.rel $0x88, $3  }
0x1: {  	(tag) =	ssettag $0x0;
	lr =	simm.s32 $0x1  }
0x2: {  	[smem:$0x3F8B] =	sst lr;
	_ =	strace $0xD0000000  }
0x3: {  	_ = 	snop  }
0x4: {  	_ = 	snop  }
0x5: {  	_ = 	snop  }
0x6: {  	_ = 	snop  }
0x7: {  	_ = 	snop  }
__scs_overlays_trampoline_lowered:
0x8: {  	[smem:$0x3F9A] =	sst s0  }
0x9: {  	[smem:$0x3F9B] =	sst s1  }
0xa: {  	[smem:$0x3F9C] =	sst s2  }
0xb: {  	[smem:$0x3F9D] =	sst s3  }
0xc: {  	[smem:$0x3F9E] =	sst s4  }
0xd: {  	[smem:$0x3F9F] =	sst s5  }
0xe: {  	[smem:$0x3FA0] =	sst s6  }
0xf: {  	[smem:$0x3FA1] =	sst s7  }
0x10: {  	[smem:$0x3FA2] =	sst s8  }
0x11: {  	[smem:$0x3FA3] =	sst s9;
	s0 =	simm.s32 @!p0 $0x0  }
0x12: {  	s1 =	sld [smem:$0x3F89];
	s0 =	simm.s32 @p0 $0x1  }
0x13: {  	[smem:$0x3FA4] =	sst s0;
	s0 =	simm.s32 @!p1 $0x0  }
0x14: {  	s2 =	sld [smem:$0x3F88];
	s0 =	simm.s32 @p1 $0x1  }
0x15: {  	[smem:$0x3FA5] =	sst s0;
	s0 =	simm.s32 @!p2 $0x0  }
0x16: {  	s3 =	sld [smem:$0x3FDB];
	s0 =	simm.s32 @p2 $0x1  }
0x17: {  	s4 =	simm.s32 $0x1BF5;
	[smem:$0x3FA7] =	sst s0  }
0x18: {  	s0 =	sld [smem:$0x3F8A];
	_ =	swait.ge [sflag:s4], $0x0  }
0x19: {  	s7 =	sld [smem:$0x3F8B]  }
0x1a: {  	s8 =	sadd.s32 $0xFFFFE003, lr  }
0x1b: {  	s9 =	sadd.s32 $0xFFFFFEF7, lr;
	s5 =	simm.s32 $0xFFFFFFFF;
	p2 =	slt.u32 s8, $0xFFFFF086  }
0x1c: {  	p1 =	slt.u32 s9, $0xF7A;
	s5 =	simm.s32 @!p2 $0x0  }
0x1d: {  	s5 =	simm.s32 @p1 $0x1;
	p0 =	seq.s32 s7, s2  }
0x1e: {  	s7 =	smul.u32 @!p0 $0xF7A, s2;
	p2 =	seq.s32 @!p0 s5, $0x0  }
0x1f: {  	s9 =	smul.u32 $0xF7A, s1;
	s8 =	simm.s32 @!p0 $0x1BF5;
	p2 =	por !p2, p0  }
0x20: {  	[sflag:s8] =	ssyncset.s32 @!p0 $0xFFFFF086;
	s6 =	sadd.s32 @!p0 s3, s7;
	s7 =	simm.s32 @!p0 $0x108  }
0x21: {  	s3 =	sadd.s32 s3, s9;
	s6 =	sadd.s32 @!p0 $0x88, s6;
	s7 =	simm.s32 @p2 $0x1082  }
0x22: {  	[simem:s7], [sflag:s8] =	dma.local @!p0 [hbm:s6], $0xF7A  }
0x23: {  	s9 =	sor.u32 $0xD0000000, s2;
	s6 =	simm.s32 $0x108;
	_ =	swait.ge @!p0 [sflag:s8], $0x0  }
0x24: {  	s3 =	sadd.s32 $0x88, s3;
	s6 =	simm.s32 @!p1 $0x1082;
	[sflag:s4] =	ssyncset.s32 $0xFFFFF086  }
0x25: {  	[simem:s6], [sflag:s4] =	dma.local [hbm:s3], $0xF7A  }
0x26: {  	[smem:$0x3F8B] =	sst s1;
	(tag) =	ssettag s2;
	_ =	strace s9  }
0x27: {  	s1 =	sld [smem:$0x3F9B]  }
0x28: {  	s2 =	sld [smem:$0x3F9C]  }
0x29: {  	s4 =	sld [smem:$0x3F9E]  }
0x2a: {  	p0 =	seq.s32 s5, $0x0;
	s5 =	sld [smem:$0x3F9F]  }
0x2b: {  	s6 =	sld [smem:$0x3FA0]  }
0x2c: {  	s7 =	sld [smem:$0x3FA1]  }
0x2d: {  	s3 =	simm.s32 $0x108;
	s8 =	sld [smem:$0x3FA2]  }
0x2e: {  	s3 =	simm.s32 @!p0 $0x1082;
	s9 =	sld [smem:$0x3FA3]  }
0x2f: {  	lr =	sadd.s32 s0, s3;
	s0 =	sld [smem:$0x3F9A]  }
0x30: {  	s3 =	sld [smem:$0x3F9D]  }
0x31: {  	[smem:$0x3FA6] =	sst s10  }
0x32: {  	s10 =	sld [smem:$0x3FA4];
	_ =	sdelay $0x3  }
0x33: {  	p0 =	seq.s32 s10, $0x1;
	s10 =	sld [smem:$0x3FA6];
	_ =	sdelay $0x3  }
0x34: {  	[smem:$0x3FA6] =	sst s10  }
0x35: {  	s10 =	sld [smem:$0x3FA5];
	_ =	sdelay $0x3  }
0x36: {  	p1 =	seq.s32 s10, $0x1;
	s10 =	sld [smem:$0x3FA6];
	_ =	sdelay $0x3  }
0x37: {  	[smem:$0x3FA6] =	sst s10  }
0x38: {  	s10 =	sld [smem:$0x3FA7]  }
0x39: {  	_ = 	snop;
	(pc) =	sbr.ind lr, $3  }
0x3a: {  	_ = 	snop  }
0x3b: {  	_ = 	snop  }
0x3c: {  	p2 =	seq.s32 s10, $0x1;
	s10 =	sld [smem:$0x3FA6]  }
0x3d: {  	_ =	shalt  }
0x3e: {  	_ =	shalt  }
0x3f: {  	_ =	shalt  }
0x40: {  	_ =	shalt  }
0x41: {  	_ =	shalt  }
0x42: {  	_ =	shalt  }
0x43: {  	_ =	shalt  }
0x44: {  	_ =	shalt  }
0x45: {  	_ =	shalt  }
0x46: {  	_ =	shalt  }
0x47: {  	_ =	shalt  }
0x48: {  	_ =	shalt  }
0x49: {  	_ =	shalt  }
0x4a: {  	_ =	shalt  }
0x4b: {  	_ =	shalt  }
0x4c: {  	_ =	shalt  }
0x4d: {  	_ =	shalt  }
0x4e: {  	_ =	shalt  }
0x4f: {  	_ =	shalt  }
0x50: {  	_ =	shalt  }
0x51: {  	_ =	shalt  }
0x52: {  	_ =	shalt  }
0x53: {  	_ =	shalt  }
0x54: {  	_ =	shalt  }
0x55: {  	_ =	shalt  }
0x56: {  	_ =	shalt  }
0x57: {  	_ =	shalt  }
0x58: {  	_ =	shalt  }
0x59: {  	_ =	shalt  }
0x5a: {  	_ =	shalt  }
0x5b: {  	_ =	shalt  }
0x5c: {  	_ =	shalt  }
0x5d: {  	_ =	shalt  }
0x5e: {  	_ =	shalt  }
0x5f: {  	_ =	shalt  }
0x60: {  	_ =	shalt  }
0x61: {  	_ =	shalt  }
0x62: {  	_ =	shalt  }
0x63: {  	_ =	shalt  }
0x64: {  	_ =	shalt  }
0x65: {  	_ =	shalt  }
0x66: {  	_ =	shalt  }
0x67: {  	_ =	shalt  }
0x68: {  	_ =	shalt  }
0x69: {  	_ =	shalt  }
0x6a: {  	_ =	shalt  }
0x6b: {  	_ =	shalt  }
0x6c: {  	_ =	shalt  }
0x6d: {  	_ =	shalt  }
0x6e: {  	_ =	shalt  }
0x6f: {  	_ =	shalt  }
0x70: {  	_ =	shalt  }
0x71: {  	_ =	shalt  }
0x72: {  	_ =	shalt  }
0x73: {  	_ =	shalt  }
0x74: {  	_ =	shalt  }
0x75: {  	_ =	shalt  }
0x76: {  	_ =	shalt  }
0x77: {  	_ =	shalt  }
0x78: {  	_ =	shalt  }
0x79: {  	_ =	shalt  }
0x7a: {  	_ =	shalt  }
0x7b: {  	_ =	shalt  }
0x7c: {  	_ =	shalt  }
0x7d: {  	_ =	shalt  }
0x7e: {  	_ =	shalt  }
0x7f: {  	_ =	shalt  }
0x80: {  	_ =	shalt  }
0x81: {  	_ =	shalt  }
0x82: {  	_ =	shalt  }
0x83: {  	_ =	shalt  }
0x84: {  	_ =	shalt  }
0x85: {  	_ =	shalt  }
0x86: {  	_ =	shalt  }
0x87: {  	_ =	shalt  }
.Lfunc_end0:
.L_simem_size_0:
called_computation.1_lowered:
.L_overlay_start_0:
0x88: {  	s2 =	sld [smem:$0x3FD9]  }
0x89: {  	s3 =	sld [smem:$0x3FFE];
	_ =	sdelay $0x1  }
0x8a: {  	s1 =	srdreg.scid  }
0x8b: {  	s0 =	sand.u32 $0x1, s1  }
0x8c: {  	s16 =	sshll.u32 s0, $0xA;
	s2 =	sadd.s32 s3, s2  }
0x8d: {  	s2 =	sadd.s32 s2, s16  }
0x8e: {  	[smem:$0x3FB2] =	sst s2  }
0x8f: {  	_ = 	snop  }
0x90: {  	(tm) =	ssettm $0x1  }
0x91: {  	s17 =	sld [smem:$0x3FFB];
	_ =	sdelay $0x3  }
0x92: {  	_ =	strace s17  }
0x93: {  	s2 =	sld [smem:$0x3FFC];
	_ =	sdelay $0x3  }
0x94: {  	_ =	strace s2  }
0x95: {  	s2 =	sld [smem:$0x3FFD];
	_ =	sdelay $0x3  }
0x96: {  	_ =	strace s2  }
0x97: {  	_ =	strace $0x8FFFFFFF  }
0x98: {  	s18 =	sld [smem:$0x3FDB];
	_ =	sdelay $0x1  }
0x99: {  	s19 =	simm.s32 $_scs_section_size  }
0x9a: {  	s4 =	simm.s32 $_size__tile_overlayer_lowered;
	s5 =	simm.s32 $_tile_overlayer_lowered  }
0x9b: {  	s22 =	simm.s32 $0x1BFF;
	s21 =	sshll.u32 s5, $0x1;
	s2 =	sadd.s32 s19, s18  }
0x9c: {  	s6 =	simm.s32 $0x0;
	s20 =	sshll.u32 s4, $0x1;
	s4 =	sadd.s32 s21, s2  }
0x9d: {  	[timem:s6], [sflag:s22] =	dma.local [hbm:s4], s20  }
0x9e: {  	_ =	swait.ge [sflag:s22], s20  }
0x9f: {  	s3 =	ssub.s32 $0x0, s20;
	[sflag:s22] =	ssyncset.done $0x0  }
0xa0: {  	[sflag:s22] =	ssyncadd.s32 s3;
	_ =	sdelay $0x1  }
0xa1: {  	s23 =	simm.s32 $0x1B8B  }
0xa2: {  	_ =	swait.ge [sflag:s23], $0x1  }
0xa3: {  	[sflag:s23] =	ssyncset.done $0x0  }
0xa4: {  	s25 =	simm.s32 $0x1B8E;
	s24 =	sld [smem:$0x3FFE];
	[sflag:s23] =	ssyncadd.s32 $0xFFFFFFFF  }
0xa5: {  	s26 =	simm.s32 $execute0_lowered;
	[smem:$0x3FD2] =	sst s25  }
0xa6: {  	s4 =	sshll.u32 s26, $0x1;
	_ =	strace $0x80000046;
	[dreg:$0x1] =	wrdreg $0xFFFFFFFF  }
0xa7: {  	s28 =	simm.s32 $_size_execute0_lowered;
	s2 =	sadd.s32 s2, s4;
	[dreg:$0x0] =	wrdreg $0x0  }
0xa8: {  	s4 =	sshll.u32 s28, $0x1;
	[dreg:$0x2] =	wrdreg s2  }
0xa9: {  	[dreg:$0x3] =	wrdreg s4  }
0xaa: {  	[dreg:$0x4] =	wrdreg $0xC0  }
0xab: {  	_ =	task [dreg:s6], $0x5FFFF  }
0xac: {  	[dreg:$0x1] =	wrdreg $0xFFFFFFFF  }
0xad: {  	[dreg:$0x0] =	wrdreg $0x60  }
0xae: {  	[dreg:$0x2] =	wrdreg s24  }
0xaf: {  	[dreg:$0x3] =	wrdreg $0xA  }
0xb0: {  	_ =	task.clear_ibuf [dreg:s6], $0x4FFFF;
	_ =	strace $0x90000046  }
0xb1: {  	s29 =	simm.s32 $0xA;
	_ =	strace $0x80000048  }
0xb2: {  	_ =	swait.ge [sflag:s29], $0x1  }
0xb3: {  	[sflag:s29] =	ssyncadd.s32 $0xFFFFFFFF  }
0xb4: {  	_ =	strace $0x90000048  }
0xb5: {  	_ =	sfence  }
0xb6: {  	s30 =	sld [smem:$0x0];
	_ =	sdelay $0x2  }
0xb7: {  	s31 =	sshll.u32 s1, $0xD;
	s1 =	sshrl.u32 s1, $0x2  }
0xb8: {  	s3 =	sand.u32 $0x4000, s31;
	s1 =	sadd.s32 s1, s30  }
0xb9: {  	s0 =	sor.u32 s3, s0;
	s1 =	sshll.u32 s1, $0x11  }
0xba: {  	s0 =	sor.u32 s1, s0  }
0xbb: {  	s0 =	sadd.s32 $0x8F2B, s0  }
0xbc: {  	[sflag:s0] =	ssyncadd.remote.s32 $0x1  }
0xbd: {  	_ =	sfence.sel $0xFFFF  }
0xbe: {  	[dreg:$0x0] =	wrdreg $0xFFFFFFFF;
	(pc) =	sbr.abs _section_cstart, $3  }
0xbf: {  	[dreg:$0x1] =	wrdreg $0xFFFFFFFF  }
0xc0: {  	_ =	task.clear_ibuf [dreg:s6], $0x2FFFF;
	_ =	strace $0x9FFFFFFF  }
0xc1: {  	(tm) =	ssettm $0x7FFFFFFF  }
tec
execute0_lowered:
.L_overlay_start_1:
0x0: {  	(tag) =	ssettag $0x1  }
0x1: {  	s1 =	srdreg.scid;
	s0 =	stileid.u32  }
0x2: {  	s6 =	sand.u32 $0x1, s1;
	s30 =	sshll.u32 s0, $0x1  }
0x3: {  	s8 =	rddreg [dreg:$0x0];
	s7 =	sor.u32 s6, s30  }
0x4: {  	s2 =	simm.s32 $0x0;
	s1 =	rddreg [dreg:$0x1];
	s3 =	smul.u32 $0x271, s7  }
0x5: {  	[smem:$0x7FF] =	sst s2;
	s5 =	sadd.s32 $0x6E00, s8  }
0x6: {  	_ =	strace $0x80000047;
	s10 =	ssub.s32 $0x2, s6;
	s3 =	sadd.s32 s3, s8  }
0x7: {  	s6 =	simm.s32 $0x1388;
	s4 =	sadd.s32 $0xBE00, s3;
	s3 =	simm.s32 $0x2  }
0x8: {  	[tilespmem:s2], [sflag:$0x2] =	stream.linear.gather [hbm4b:s4+s2], $0x1388, $0x38;
	[tilespmem:$0x14C08] =	vst v63  }
0x9: {  	s9 =	smul.u32 $0x2710, s7;
	s11 =	sshrl.u32 s10, $0x1;
	_ =	swait.ge [sflag:s3], $0x1388  }
0xa: {  	s7 =	simm.s32 $0x1;
	s31 =	ssub.s32 s10, s11;
	[sflag:s3] =	ssyncset.done $0x0  }
0xb: {  	s8 =	sadd.s32 s9, s8;
	s9 =	smax.u32 s31, $0x1;
	[sflag:s3] =	ssyncadd.s32 $0xFFFFEC78  }
0xc: {  	[tilespmem:s6], [sflag:$0x1] =	stream.indirect.gather [hbm4b:s5+s6], $0x10, s2, s6, $0xb8;
	[tilespmem:$0x14C08] =	vst v63  }
0xd: {  	p0 =	sne.s32 s9, $0x1;
	_ =	swait.ge [sflag:s7], $0x13880  }
.Ltmp0:
0xe: {  	[sflag:s7] =	ssyncset.done $0x0;
	(pc) =	sbr.rel @!p0 .LBB2_2-.Ltmp0, $4  }
0xf: {  	s8 =	sadd.s32 $0x15E00, s8;
	[sflag:s7] =	ssyncadd.s32 $0xFFFEC780  }
0x10: {  	[hbm4b:s8+s2] =	stream.linear.scatter [tilespmem:s6], [sflag:$0x2], $0x13880, $0x38;
	[tilespmem:$0x14C08] =	vst v63  }
0x11: {  	_ =	swait.ge [sflag:s3], $0x13880  }
0x12: {  	s9 =	sadd.s32 $0xFFFFFFFF, s9;
	[sflag:s3] =	ssyncset.done $0x0  }
.LBB2_1:
0x13: {  	p0 =	sne.s32 s9, $0x1;
	s9 =	sadd.s32 $0xFFFFFFFF, s9;
	[sflag:s3] =	ssyncadd.s32 $0xFFFEC780  }
0x14: {  	[tilespmem:s2], [sflag:$0x2] =	stream.linear.gather [hbm4b:s4+s2], $0x1388, $0x38;
	[tilespmem:$0x14C08] =	vst v63  }
0x15: {  	_ =	swait.ge [sflag:s3], $0x1388  }
0x16: {  	[sflag:s3] =	ssyncset.done $0x0  }
0x17: {  	[sflag:s3] =	ssyncadd.s32 $0xFFFFEC78  }
0x18: {  	[tilespmem:s6], [sflag:$0x1] =	stream.indirect.gather [hbm4b:s5+s6], $0x10, s2, s6, $0xb8;
	[tilespmem:$0x14C08] =	vst v63  }
0x19: {  	_ =	swait.ge [sflag:s7], $0x13880  }
.Ltmp1:
0x1a: {  	[sflag:s7] =	ssyncset.done $0x0;
	(pc) =	sbr.rel @p0 .LBB2_1-.Ltmp1, $4  }
0x1b: {  	[sflag:s7] =	ssyncadd.s32 $0xFFFEC780  }
0x1c: {  	[hbm4b:s8+s2] =	stream.linear.scatter [tilespmem:s6], [sflag:$0x2], $0x13880, $0x38;
	[tilespmem:$0x14C08] =	vst v63  }
0x1d: {  	_ =	swait.ge [sflag:s3], $0x13880  }
0x1e: {  	[sflag:s3] =	ssyncset.done $0x0  }
.LBB2_2:
0x1f: {  	[sflag:s3] =	ssyncadd.s32 $0xFFFEC780  }
0x20: {  	_ =	sfence.sel $0x180000  }
0x21: {  	[bflag:$0x0] =	sbarrier.arrive $0xFFFF  }
0x22: {  	p0 =	sne.s32 s0, $0x0;
	_ =	strace $0x90000047  }
0x23: {  	s0 =	sadd.s32 @!p0 $0x100000, s1;
	[bflag:$0x2] =	sbarrier.arrive $0xFFFF  }
0x24: {  	[sflag:s0] =	ssyncadd.tile.s32 @!p0 $0x1;
	_ =	shalt  }
.Lfunc_end2:
_tile_overlayer_lowered:
.L_overlay_start_2:
0x25: {  	(tag) =	ssettag $0x2  }
0x26: {  	s0 =	rddreg [dreg:$0x0];
	s2 =	stileid.u32  }
0x27: {  	s1 =	rddreg [dreg:$0x1];
	p0 =	sne.s32 s2, $0x0  }
0x28: {  	s3 =	rddreg [dreg:$0x2];
	[bflag:$0x3] =	sbarrier.arrive $0xFFFF;
	s2 =	simm.s32 @!p0 $0x1C02  }
0x29: {  	[timem:s3], [sflag:s2] =	dma.local @!p0 [hbm:s0], s1  }
0x2a: {  	s0 =	simm.s32 @!p0 $0x2  }
0x2b: {  	_ =	swait.ge @!p0 [sflag:s0], s1  }
0x2c: {  	s1 =	ssub.s32 @!p0 $0x0, s1;
	[sflag:s0] =	ssyncset.done @!p0 $0x0  }
0x2d: {  	[sflag:s0] =	ssyncadd.s32 @!p0 s1  }
0x2e: {  	[bflag:$0x3] =	sbarrier.arrive $0xFFFF  }
0x2f: {  	_ =	shalt  }

// kernel: kernel.23.cloned.1.call-start
scs
__scs_entry_jumppad:
0x0: {  	(pc) =	sbr.rel $0x88, $3  }
0x1: {  	(tag) =	ssettag $0x0;
	lr =	simm.s32 $0x1  }
0x2: {  	[smem:$0x3F8B] =	sst lr;
	_ =	strace $0xD0000000  }
0x3: {  	_ = 	snop  }
0x4: {  	_ = 	snop  }
0x5: {  	_ = 	snop  }
0x6: {  	_ = 	snop  }
0x7: {  	_ = 	snop  }
__scs_overlays_trampoline_lowered:
0x8: {  	[smem:$0x3F9A] =	sst s0  }
0x9: {  	[smem:$0x3F9B] =	sst s1  }
0xa: {  	[smem:$0x3F9C] =	sst s2  }
0xb: {  	[smem:$0x3F9D] =	sst s3  }
0xc: {  	[smem:$0x3F9E] =	sst s4  }
0xd: {  	[smem:$0x3F9F] =	sst s5  }
0xe: {  	[smem:$0x3FA0] =	sst s6  }
0xf: {  	[smem:$0x3FA1] =	sst s7  }
0x10: {  	[smem:$0x3FA2] =	sst s8  }
0x11: {  	[smem:$0x3FA3] =	sst s9;
	s0 =	simm.s32 @!p0 $0x0  }
0x12: {  	s1 =	sld [smem:$0x3F89];
	s0 =	simm.s32 @p0 $0x1  }
0x13: {  	[smem:$0x3FA4] =	sst s0;
	s0 =	simm.s32 @!p1 $0x0  }
0x14: {  	s2 =	sld [smem:$0x3F88];
	s0 =	simm.s32 @p1 $0x1  }
0x15: {  	[smem:$0x3FA5] =	sst s0;
	s0 =	simm.s32 @!p2 $0x0  }
0x16: {  	s3 =	sld [smem:$0x3FDB];
	s0 =	simm.s32 @p2 $0x1  }
0x17: {  	s4 =	simm.s32 $0x1BF5;
	[smem:$0x3FA7] =	sst s0  }
0x18: {  	s0 =	sld [smem:$0x3F8A];
	_ =	swait.ge [sflag:s4], $0x0  }
0x19: {  	s7 =	sld [smem:$0x3F8B]  }
0x1a: {  	s8 =	sadd.s32 $0xFFFFE003, lr  }
0x1b: {  	s9 =	sadd.s32 $0xFFFFFEF7, lr;
	s5 =	simm.s32 $0xFFFFFFFF;
	p2 =	slt.u32 s8, $0xFFFFF086  }
0x1c: {  	p1 =	slt.u32 s9, $0xF7A;
	s5 =	simm.s32 @!p2 $0x0  }
0x1d: {  	s5 =	simm.s32 @p1 $0x1;
	p0 =	seq.s32 s7, s2  }
0x1e: {  	s7 =	smul.u32 @!p0 $0xF7A, s2;
	p2 =	seq.s32 @!p0 s5, $0x0  }
0x1f: {  	s9 =	smul.u32 $0xF7A, s1;
	s8 =	simm.s32 @!p0 $0x1BF5;
	p2 =	por !p2, p0  }
0x20: {  	[sflag:s8] =	ssyncset.s32 @!p0 $0xFFFFF086;
	s6 =	sadd.s32 @!p0 s3, s7;
	s7 =	simm.s32 @!p0 $0x108  }
0x21: {  	s3 =	sadd.s32 s3, s9;
	s6 =	sadd.s32 @!p0 $0x88, s6;
	s7 =	simm.s32 @p2 $0x1082  }
0x22: {  	[simem:s7], [sflag:s8] =	dma.local @!p0 [hbm:s6], $0xF7A  }
0x23: {  	s9 =	sor.u32 $0xD0000000, s2;
	s6 =	simm.s32 $0x108;
	_ =	swait.ge @!p0 [sflag:s8], $0x0  }
0x24: {  	s3 =	sadd.s32 $0x88, s3;
	s6 =	simm.s32 @!p1 $0x1082;
	[sflag:s4] =	ssyncset.s32 $0xFFFFF086  }
0x25: {  	[simem:s6], [sflag:s4] =	dma.local [hbm:s3], $0xF7A  }
0x26: {  	[smem:$0x3F8B] =	sst s1;
	(tag) =	ssettag s2;
	_ =	strace s9  }
0x27: {  	s1 =	sld [smem:$0x3F9B]  }
0x28: {  	s2 =	sld [smem:$0x3F9C]  }
0x29: {  	s4 =	sld [smem:$0x3F9E]  }
0x2a: {  	p0 =	seq.s32 s5, $0x0;
	s5 =	sld [smem:$0x3F9F]  }
0x2b: {  	s6 =	sld [smem:$0x3FA0]  }
0x2c: {  	s7 =	sld [smem:$0x3FA1]  }
0x2d: {  	s3 =	simm.s32 $0x108;
	s8 =	sld [smem:$0x3FA2]  }
0x2e: {  	s3 =	simm.s32 @!p0 $0x1082;
	s9 =	sld [smem:$0x3FA3]  }
0x2f: {  	lr =	sadd.s32 s0, s3;
	s0 =	sld [smem:$0x3F9A]  }
0x30: {  	s3 =	sld [smem:$0x3F9D]  }
0x31: {  	[smem:$0x3FA6] =	sst s10  }
0x32: {  	s10 =	sld [smem:$0x3FA4];
	_ =	sdelay $0x3  }
0x33: {  	p0 =	seq.s32 s10, $0x1;
	s10 =	sld [smem:$0x3FA6];
	_ =	sdelay $0x3  }
0x34: {  	[smem:$0x3FA6] =	sst s10  }
0x35: {  	s10 =	sld [smem:$0x3FA5];
	_ =	sdelay $0x3  }
0x36: {  	p1 =	seq.s32 s10, $0x1;
	s10 =	sld [smem:$0x3FA6];
	_ =	sdelay $0x3  }
0x37: {  	[smem:$0x3FA6] =	sst s10  }
0x38: {  	s10 =	sld [smem:$0x3FA7]  }
0x39: {  	_ = 	snop;
	(pc) =	sbr.ind lr, $3  }
0x3a: {  	_ = 	snop  }
0x3b: {  	_ = 	snop  }
0x3c: {  	p2 =	seq.s32 s10, $0x1;
	s10 =	sld [smem:$0x3FA6]  }
0x3d: {  	_ =	shalt  }
0x3e: {  	_ =	shalt  }
0x3f: {  	_ =	shalt  }
0x40: {  	_ =	shalt  }
0x41: {  	_ =	shalt  }
0x42: {  	_ =	shalt  }
0x43: {  	_ =	shalt  }
0x44: {  	_ =	shalt  }
0x45: {  	_ =	shalt  }
0x46: {  	_ =	shalt  }
0x47: {  	_ =	shalt  }
0x48: {  	_ =	shalt  }
0x49: {  	_ =	shalt  }
0x4a: {  	_ =	shalt  }
0x4b: {  	_ =	shalt  }
0x4c: {  	_ =	shalt  }
0x4d: {  	_ =	shalt  }
0x4e: {  	_ =	shalt  }
0x4f: {  	_ =	shalt  }
0x50: {  	_ =	shalt  }
0x51: {  	_ =	shalt  }
0x52: {  	_ =	shalt  }
0x53: {  	_ =	shalt  }
0x54: {  	_ =	shalt  }
0x55: {  	_ =	shalt  }
0x56: {  	_ =	shalt  }
0x57: {  	_ =	shalt  }
0x58: {  	_ =	shalt  }
0x59: {  	_ =	shalt  }
0x5a: {  	_ =	shalt  }
0x5b: {  	_ =	shalt  }
0x5c: {  	_ =	shalt  }
0x5d: {  	_ =	shalt  }
0x5e: {  	_ =	shalt  }
0x5f: {  	_ =	shalt  }
0x60: {  	_ =	shalt  }
0x61: {  	_ =	shalt  }
0x62: {  	_ =	shalt  }
0x63: {  	_ =	shalt  }
0x64: {  	_ =	shalt  }
0x65: {  	_ =	shalt  }
0x66: {  	_ =	shalt  }
0x67: {  	_ =	shalt  }
0x68: {  	_ =	shalt  }
0x69: {  	_ =	shalt  }
0x6a: {  	_ =	shalt  }
0x6b: {  	_ =	shalt  }
0x6c: {  	_ =	shalt  }
0x6d: {  	_ =	shalt  }
0x6e: {  	_ =	shalt  }
0x6f: {  	_ =	shalt  }
0x70: {  	_ =	shalt  }
0x71: {  	_ =	shalt  }
0x72: {  	_ =	shalt  }
0x73: {  	_ =	shalt  }
0x74: {  	_ =	shalt  }
0x75: {  	_ =	shalt  }
0x76: {  	_ =	shalt  }
0x77: {  	_ =	shalt  }
0x78: {  	_ =	shalt  }
0x79: {  	_ =	shalt  }
0x7a: {  	_ =	shalt  }
0x7b: {  	_ =	shalt  }
0x7c: {  	_ =	shalt  }
0x7d: {  	_ =	shalt  }
0x7e: {  	_ =	shalt  }
0x7f: {  	_ =	shalt  }
0x80: {  	_ =	shalt  }
0x81: {  	_ =	shalt  }
0x82: {  	_ =	shalt  }
0x83: {  	_ =	shalt  }
0x84: {  	_ =	shalt  }
0x85: {  	_ =	shalt  }
0x86: {  	_ =	shalt  }
0x87: {  	_ =	shalt  }
.Lfunc_end0:
.L_simem_size_0:
called_computation.2_lowered:
.L_overlay_start_0:
0x88: {  	s2 =	sld [smem:$0x3FD9]  }
0x89: {  	s3 =	sld [smem:$0x3FFE];
	_ =	sdelay $0x1  }
0x8a: {  	s1 =	srdreg.scid  }
0x8b: {  	s0 =	sand.u32 $0x1, s1  }
0x8c: {  	s17 =	sshll.u32 s0, $0xA;
	s2 =	sadd.s32 s3, s2  }
0x8d: {  	s2 =	sadd.s32 s2, s17  }
0x8e: {  	[smem:$0x3FB2] =	sst s2  }
0x8f: {  	_ = 	snop  }
0x90: {  	(tm) =	ssettm $0x1  }
0x91: {  	s18 =	sld [smem:$0x3FFB];
	_ =	sdelay $0x3  }
0x92: {  	_ =	strace s18  }
0x93: {  	s2 =	sld [smem:$0x3FFC];
	_ =	sdelay $0x3  }
0x94: {  	_ =	strace s2  }
0x95: {  	s2 =	sld [smem:$0x3FFD];
	_ =	sdelay $0x3  }
0x96: {  	_ =	strace s2  }
0x97: {  	_ =	strace $0x8FFFFFFF  }
0x98: {  	s19 =	sld [smem:$0x3FDB];
	_ =	sdelay $0x1  }
0x99: {  	s20 =	simm.s32 $_scs_section_size  }
0x9a: {  	s4 =	simm.s32 $_size__tile_overlayer_lowered;
	s5 =	simm.s32 $_tile_overlayer_lowered  }
0x9b: {  	s6 =	simm.s32 $0x1BFF;
	s21 =	sshll.u32 s5, $0x1;
	s3 =	sadd.s32 s20, s19  }
0x9c: {  	s22 =	simm.s32 $0x0;
	s4 =	sshll.u32 s4, $0x1;
	s5 =	sadd.s32 s21, s3  }
0x9d: {  	[timem:s22], [sflag:s6] =	dma.local [hbm:s5], s4  }
0x9e: {  	_ =	swait.ge [sflag:s6], s4  }
0x9f: {  	s4 =	ssub.s32 $0x0, s4;
	[sflag:s6] =	ssyncset.done $0x0  }
0xa0: {  	[sflag:s6] =	ssyncadd.s32 s4;
	_ =	sdelay $0x1  }
0xa1: {  	s23 =	simm.s32 $0x1B8B  }
0xa2: {  	_ =	swait.ge [sflag:s23], $0x1  }
0xa3: {  	[sflag:s23] =	ssyncset.done $0x0  }
0xa4: {  	[sflag:s23] =	ssyncadd.s32 $0xFFFFFFFF  }
0xa5: {  	s4 =	sld [smem:$0x0]  }
0xa6: {  	s5 =	sand.u32 $0xFFFFFFFE, s1  }
0xa7: {  	p0 =	sne.s32 s1, s5  }
0xa8: {  	s5 =	sshll.u32 @p0 s5, $0xE  }
0xa9: {  	s5 =	sadd.s32 @p0 $0x11B8D, s5;
	s6 =	sshll.u32 @p0 s4, $0x11  }
0xaa: {  	s5 =	sor.u32 @p0 s6, s5  }
0xab: {  	[sflag:s5] =	ssyncadd.remote.s32 @p0 $0x1;
	_ =	sdelay $0x1  }
0xac: {  	s5 =	simm.s32 @p0 $0x1B8D  }
0xad: {  	_ =	swait.eq @p0 [sflag:s5], $0x1  }
0xae: {  	[sflag:s5] =	ssyncadd.s32 @p0 $0xFFFFFFFF  }
0xaf: {  	s6 =	sshll.u32 @!p0 s1, $0xE  }
0xb0: {  	s6 =	sor.u32 @!p0 $0x4000, s6;
	s5 =	simm.s32 @!p0 $0x1B8D  }
0xb1: {  	s4 =	sshll.u32 @!p0 s4, $0x11;
	s6 =	sadd.s32 @!p0 $0x11B8D, s6;
	_ =	swait.eq @!p0 [sflag:s5], $0x1  }
0xb2: {  	s4 =	sor.u32 @!p0 s4, s6;
	[sflag:s5] =	ssyncadd.s32 @!p0 $0xFFFFFFFF  }
0xb3: {  	s25 =	simm.s32 $0x1B8E;
	s24 =	sld [smem:$0x3FFE];
	[sflag:s4] =	ssyncadd.remote.s32 @!p0 $0x1  }
0xb4: {  	s26 =	simm.s32 $execute0_lowered;
	[smem:$0x3FD2] =	sst s25  }
0xb5: {  	s5 =	sshll.u32 s26, $0x1;
	_ =	strace $0x8000004C;
	[dreg:$0x1] =	wrdreg $0xFFFFFFFF  }
0xb6: {  	s28 =	simm.s32 $_size_execute0_lowered;
	s3 =	sadd.s32 s3, s5;
	[dreg:$0x0] =	wrdreg $0x0  }
0xb7: {  	s5 =	sshll.u32 s28, $0x1;
	[dreg:$0x2] =	wrdreg s3  }
0xb8: {  	[dreg:$0x3] =	wrdreg s5  }
0xb9: {  	[dreg:$0x4] =	wrdreg $0xC0  }
0xba: {  	_ =	task [dreg:s22], $0x5FFFF  }
0xbb: {  	[dreg:$0x1] =	wrdreg $0xFFFFFFFF  }
0xbc: {  	[dreg:$0x0] =	wrdreg $0x60  }
0xbd: {  	[dreg:$0x2] =	wrdreg s24  }
0xbe: {  	[dreg:$0x3] =	wrdreg $0x14C080  }
0xbf: {  	[dreg:$0x4] =	wrdreg $0xA  }
0xc0: {  	_ =	task.clear_ibuf [dreg:s22], $0x5FFFF;
	_ =	strace $0x9000004C  }
0xc1: {  	s29 =	simm.s32 $0xA;
	_ =	strace $0x8000004E  }
0xc2: {  	_ =	swait.ge [sflag:s29], $0x1  }
0xc3: {  	[sflag:s29] =	ssyncadd.s32 $0xFFFFFFFF  }
0xc4: {  	_ =	strace $0x9000004E  }
0xc5: {  	_ =	sfence  }
0xc6: {  	s30 =	sld [smem:$0x0];
	_ =	sdelay $0x2  }
0xc7: {  	s31 =	sshll.u32 s1, $0xD;
	s1 =	sshrl.u32 s1, $0x2  }
0xc8: {  	s4 =	sand.u32 $0x4000, s31;
	s1 =	sadd.s32 s1, s30  }
0xc9: {  	s0 =	sor.u32 s4, s0;
	s1 =	sshll.u32 s1, $0x11  }
0xca: {  	s0 =	sor.u32 s1, s0  }
0xcb: {  	s0 =	sadd.s32 $0x8F2B, s0  }
0xcc: {  	[sflag:s0] =	ssyncadd.remote.s32 $0x1  }
0xcd: {  	_ =	sfence.sel $0xFFFF  }
0xce: {  	[dreg:$0x0] =	wrdreg $0xFFFFFFFF;
	(pc) =	sbr.abs _section_cstart, $3  }
0xcf: {  	[dreg:$0x1] =	wrdreg $0xFFFFFFFF  }
0xd0: {  	_ =	task.clear_ibuf [dreg:s22], $0x2FFFF;
	_ =	strace $0x9FFFFFFF  }
0xd1: {  	(tm) =	ssettm $0x7FFFFFFF  }
tec
execute0_lowered:
.L_overlay_start_1:
0x0: {  	(tag) =	ssettag $0x1  }
0x1: {  	s0 =	srdreg.scid  }
0x2: {  	s5 =	sand.u32 $0x1, s0  }
0x3: {  	s8 =	ssub.s32 $0x2, s5  }
0x4: {  	s3 =	rddreg [dreg:$0x0];
	s4 =	stileid.u32;
	s30 =	sshrl.u32 s8, $0x1  }
0x5: {  	s1 =	rddreg [dreg:$0x1];
	s6 =	sshll.u32 s4, $0x1;
	s8 =	ssub.s32 s8, s30  }
0x6: {  	s2 =	simm.s32 $0x0;
	s6 =	sor.u32 s5, s6;
	s31 =	smax.u32 s8, $0x1  }
0x7: {  	p1 =	por $0x0, $0x0;
	s7 =	smul.u32 $0x2710, s6;
	s12 =	sadd.s32 $0xFFFFFFFF, s31  }
0x8: {  	s0 =	rddreg [dreg:$0x2];
	s6 =	smul.u32 $0x271, s6;
	p2 =	sne.s32 s12, $0x0  }
.Ltmp0:
0x9: {  	[smem:$0x7FF] =	sst s2;
	s9 =	sadd.s32 $0x64000, s3;
	(pc) =	sbr.rel @!p2 .LBB2_3-.Ltmp0, $4  }
0xa: {  	p0 =	sne.s32 s4, $0x0;
	_ =	strace $0x8000004D;
	s5 =	smul.u32 $0x4E20, s5  }
0xb: {  	s4 =	sshrl.u32 @!p0 s1, $0x3;
	s10 =	sadd.s32 s7, s3;
	s6 =	sadd.s32 s6, s3  }
0xc: {  	s3 =	sadd.s32 s5, s3;
	s5 =	simm.s32 $0x1;
	s8 =	simm.s32 $0x1388  }
0xd: {  	s7 =	sadd.s32 $0x10E00, s6;
	s6 =	sadd.s32 $0x15E00, s10;
	s3 =	sadd.s32 $0xC1000, s3  }
0xe: {  	s11 =	simm.s32 @!p0 $0x1C01;
	s10 =	simm.s32 @!p0 $0x1  }
0xf: {  	[spmem:s4], [sflag:s11] =	dma.local @!p0 [hbm:s9], $0x4E20  }
0x10: {  	_ =	swait.ge @!p0 [sflag:s10], $0x4E20  }
0x11: {  	[sflag:s10] =	ssyncset.done @!p0 $0x0  }
0x12: {  	[sflag:s10] =	ssyncadd.s32 @!p0 $0xFFFFB1E0  }
0x13: {  	[bflag:$0x0] =	sbarrier.arrive $0xFFFF  }
0x14: {  	[tilespmem:s2], [sflag:$0x1] =	stream.linear.gather [hbm4b:s7+s2], $0x1388, $0x38;
	[tilespmem:$0x17318] =	vst v63  }
0x15: {  	_ =	swait.ge [sflag:s5], $0x1388  }
0x16: {  	[sflag:s5] =	ssyncset.done $0x0  }
0x17: {  	[sflag:s5] =	ssyncadd.s32 $0xFFFFEC78  }
0x18: {  	[tilespmem:s8], [sflag:$0x1] =	stream.linear.gather [hbm4b:s6+s2], $0x13880, $0x38;
	[tilespmem:$0x17318] =	vst v63  }
0x19: {  	_ =	swait.ge [sflag:s5], $0x13880  }
0x1a: {  	[sflag:s5] =	ssyncset.done $0x0  }
0x1b: {  	[sflag:s5] =	ssyncadd.s32 $0xFFFEC780  }
0x1c: {  	[spmem:s1] =	stream.indirect.scatter.add.f32 [tilespmem:s8], [sflag:$0x1], $0x10, s2, s8, $0xb8;
	[tilespmem:$0x17318] =	vst v63  }
0x1d: {  	s12 =	sadd.s32 $0xFFFFFFFF, s12;
	_ =	swait.ge [sflag:s5], $0x13880  }
0x1e: {  	p2 =	sne.s32 s12, $0x0;
	[sflag:s5] =	ssyncset.done $0x0  }
.Ltmp1:
0x1f: {  	[sflag:s5] =	ssyncadd.s32 $0xFFFEC780;
	(pc) =	sbr.rel @!p2 .LBB2_3-.Ltmp1, $4  }
0x20: {  	[bflag:$0x0] =	sbarrier.arrive $0xFFFF  }
0x21: {  	[hbm:s3], [sflag:s11] =	dma.local @!p0 [spmem:s4], $0x4E20  }
0x22: {  	_ =	swait.ge @!p0 [sflag:s10], $0x4E20  }
0x23: {  	p1 =	por $0x1, $0x1;
	[sflag:s10] =	ssyncset.done @!p0 $0x0  }
.LBB2_2:
0x24: {  	[sflag:s10] =	ssyncadd.s32 @!p0 $0xFFFFB1E0  }
0x25: {  	[spmem:s4], [sflag:s11] =	dma.local @!p0 [hbm:s9], $0x4E20  }
0x26: {  	s12 =	sadd.s32 $0xFFFFFFFF, s12;
	_ =	swait.ge @!p0 [sflag:s10], $0x4E20  }
0x27: {  	p2 =	sne.s32 s12, $0x0;
	[sflag:s10] =	ssyncset.done @!p0 $0x0  }
0x28: {  	[sflag:s10] =	ssyncadd.s32 @!p0 $0xFFFFB1E0  }
0x29: {  	[bflag:$0x0] =	sbarrier.arrive $0xFFFF  }
0x2a: {  	[tilespmem:s2], [sflag:$0x1] =	stream.linear.gather [hbm4b:s7+s2], $0x1388, $0x38;
	[tilespmem:$0x17318] =	vst v63  }
0x2b: {  	_ =	swait.ge [sflag:s5], $0x1388  }
0x2c: {  	[sflag:s5] =	ssyncset.done $0x0  }
0x2d: {  	[sflag:s5] =	ssyncadd.s32 $0xFFFFEC78  }
0x2e: {  	[tilespmem:s8], [sflag:$0x1] =	stream.linear.gather [hbm4b:s6+s2], $0x13880, $0x38;
	[tilespmem:$0x17318] =	vst v63  }
0x2f: {  	_ =	swait.ge [sflag:s5], $0x13880  }
0x30: {  	[sflag:s5] =	ssyncset.done $0x0  }
0x31: {  	[sflag:s5] =	ssyncadd.s32 $0xFFFEC780  }
0x32: {  	[spmem:s1] =	stream.indirect.scatter.add.f32 [tilespmem:s8], [sflag:$0x1], $0x10, s2, s8, $0xb8;
	[tilespmem:$0x17318] =	vst v63  }
0x33: {  	_ =	swait.ge [sflag:s5], $0x13880  }
0x34: {  	[sflag:s5] =	ssyncset.done $0x0  }
.Ltmp2:
0x35: {  	[sflag:s5] =	ssyncadd.s32 $0xFFFEC780;
	(pc) =	sbr.rel @p2 .LBB2_2-.Ltmp2, $4  }
0x36: {  	[bflag:$0x0] =	sbarrier.arrive $0xFFFF  }
0x37: {  	[hbm:s3], [sflag:s11] =	dma.local @!p0 [spmem:s4], $0x4E20  }
0x38: {  	_ =	swait.ge @!p0 [sflag:s10], $0x4E20  }
0x39: {  	[sflag:s10] =	ssyncset.done @!p0 $0x0  }
.LBB2_3:
0x3a: {  	p1 =	por p0, !p1  }
0x3b: {  	s11 =	simm.s32 @!p0 $0x1C01;
	s12 =	simm.s32 @!p0 $0x1;
	[sflag:s10] =	ssyncadd.s32 @!p1 $0xFFFFB1E0  }
0x3c: {  	[spmem:s4], [sflag:s11] =	dma.local @!p0 [hbm:s9], $0x4E20  }
0x3d: {  	_ =	swait.ge @!p0 [sflag:s12], $0x4E20  }
0x3e: {  	[sflag:s12] =	ssyncset.done @!p0 $0x0  }
0x3f: {  	[sflag:s12] =	ssyncadd.s32 @!p0 $0xFFFFB1E0  }
0x40: {  	[bflag:$0x0] =	sbarrier.arrive $0xFFFF  }
0x41: {  	[tilespmem:s2], [sflag:$0x1] =	stream.linear.gather [hbm4b:s7+s2], $0x1388, $0x38;
	[tilespmem:$0x17318] =	vst v63  }
0x42: {  	_ =	swait.ge [sflag:s5], $0x1388  }
0x43: {  	[sflag:s5] =	ssyncset.done $0x0  }
0x44: {  	[sflag:s5] =	ssyncadd.s32 $0xFFFFEC78  }
0x45: {  	[tilespmem:s8], [sflag:$0x1] =	stream.linear.gather [hbm4b:s6+s2], $0x13880, $0x38;
	[tilespmem:$0x17318] =	vst v63  }
0x46: {  	_ =	swait.ge [sflag:s5], $0x13880  }
0x47: {  	[sflag:s5] =	ssyncset.done $0x0  }
0x48: {  	[sflag:s5] =	ssyncadd.s32 $0xFFFEC780  }
0x49: {  	[spmem:s1] =	stream.indirect.scatter.add.f32 [tilespmem:s8], [sflag:$0x1], $0x10, s2, s8, $0xb8;
	[tilespmem:$0x17318] =	vst v63  }
0x4a: {  	_ =	swait.ge [sflag:s5], $0x13880  }
0x4b: {  	[sflag:s5] =	ssyncset.done $0x0  }
0x4c: {  	[sflag:s5] =	ssyncadd.s32 $0xFFFEC780  }
0x4d: {  	[bflag:$0x0] =	sbarrier.arrive $0xFFFF  }
0x4e: {  	[hbm:s3], [sflag:s11] =	dma.local @!p0 [spmem:s4], $0x4E20  }
0x4f: {  	_ =	swait.ge @!p0 [sflag:s12], $0x4E20  }
0x50: {  	[sflag:s12] =	ssyncset.done @!p0 $0x0  }
0x51: {  	[sflag:s12] =	ssyncadd.s32 @!p0 $0xFFFFB1E0  }
0x52: {  	_ =	sfence.sel $0x180000  }
0x53: {  	[bflag:$0x0] =	sbarrier.arrive $0xFFFF  }
0x54: {  	_ =	strace $0x9000004D  }
0x55: {  	s0 =	sadd.s32 @!p0 $0x100000, s0;
	[bflag:$0x2] =	sbarrier.arrive $0xFFFF  }
0x56: {  	[sflag:s0] =	ssyncadd.tile.s32 @!p0 $0x1;
	_ =	shalt  }
.Lfunc_end2:
_tile_overlayer_lowered:
.L_overlay_start_2:
0x57: {  	(tag) =	ssettag $0x2  }
0x58: {  	s0 =	rddreg [dreg:$0x0];
	s2 =	stileid.u32  }
0x59: {  	s1 =	rddreg [dreg:$0x1];
	p0 =	sne.s32 s2, $0x0  }
0x5a: {  	s3 =	rddreg [dreg:$0x2];
	[bflag:$0x3] =	sbarrier.arrive $0xFFFF;
	s2 =	simm.s32 @!p0 $0x1C01  }
0x5b: {  	[timem:s3], [sflag:s2] =	dma.local @!p0 [hbm:s0], s1  }
0x5c: {  	s0 =	simm.s32 @!p0 $0x1  }
0x5d: {  	_ =	swait.ge @!p0 [sflag:s0], s1  }
0x5e: {  	s1 =	ssub.s32 @!p0 $0x0, s1;
	[sflag:s0] =	ssyncset.done @!p0 $0x0  }
0x5f: {  	[sflag:s0] =	ssyncadd.s32 @!p0 s1  }
0x60: {  	[bflag:$0x3] =	sbarrier.arrive $0xFFFF  }
0x61: {  	_ =	shalt  }

// kernel: kernel.26.cloned.1.call-start
scs
__scs_entry_jumppad:
0x0: {  	(pc) =	sbr.rel $0x88, $3  }
0x1: {  	(tag) =	ssettag $0x0;
	lr =	simm.s32 $0x1  }
0x2: {  	[smem:$0x3F8B] =	sst lr;
	_ =	strace $0xD0000000  }
0x3: {  	_ = 	snop  }
0x4: {  	_ = 	snop  }
0x5: {  	_ = 	snop  }
0x6: {  	_ = 	snop  }
0x7: {  	_ = 	snop  }
__scs_overlays_trampoline_lowered:
0x8: {  	[smem:$0x3F9A] =	sst s0  }
0x9: {  	[smem:$0x3F9B] =	sst s1  }
0xa: {  	[smem:$0x3F9C] =	sst s2  }
0xb: {  	[smem:$0x3F9D] =	sst s3  }
0xc: {  	[smem:$0x3F9E] =	sst s4  }
0xd: {  	[smem:$0x3F9F] =	sst s5  }
0xe: {  	[smem:$0x3FA0] =	sst s6  }
0xf: {  	[smem:$0x3FA1] =	sst s7  }
0x10: {  	[smem:$0x3FA2] =	sst s8  }
0x11: {  	[smem:$0x3FA3] =	sst s9;
	s0 =	simm.s32 @!p0 $0x0  }
0x12: {  	s1 =	sld [smem:$0x3F89];
	s0 =	simm.s32 @p0 $0x1  }
0x13: {  	[smem:$0x3FA4] =	sst s0;
	s0 =	simm.s32 @!p1 $0x0  }
0x14: {  	s2 =	sld [smem:$0x3F88];
	s0 =	simm.s32 @p1 $0x1  }
0x15: {  	[smem:$0x3FA5] =	sst s0;
	s0 =	simm.s32 @!p2 $0x0  }
0x16: {  	s3 =	sld [smem:$0x3FDB];
	s0 =	simm.s32 @p2 $0x1  }
0x17: {  	s4 =	simm.s32 $0x1BF5;
	[smem:$0x3FA7] =	sst s0  }
0x18: {  	s0 =	sld [smem:$0x3F8A];
	_ =	swait.ge [sflag:s4], $0x0  }
0x19: {  	s7 =	sld [smem:$0x3F8B]  }
0x1a: {  	s8 =	sadd.s32 $0xFFFFE003, lr  }
0x1b: {  	s9 =	sadd.s32 $0xFFFFFEF7, lr;
	s5 =	simm.s32 $0xFFFFFFFF;
	p2 =	slt.u32 s8, $0xFFFFF086  }
0x1c: {  	p1 =	slt.u32 s9, $0xF7A;
	s5 =	simm.s32 @!p2 $0x0  }
0x1d: {  	s5 =	simm.s32 @p1 $0x1;
	p0 =	seq.s32 s7, s2  }
0x1e: {  	s7 =	smul.u32 @!p0 $0xF7A, s2;
	p2 =	seq.s32 @!p0 s5, $0x0  }
0x1f: {  	s9 =	smul.u32 $0xF7A, s1;
	s8 =	simm.s32 @!p0 $0x1BF5;
	p2 =	por !p2, p0  }
0x20: {  	[sflag:s8] =	ssyncset.s32 @!p0 $0xFFFFF086;
	s6 =	sadd.s32 @!p0 s3, s7;
	s7 =	simm.s32 @!p0 $0x108  }
0x21: {  	s3 =	sadd.s32 s3, s9;
	s6 =	sadd.s32 @!p0 $0x88, s6;
	s7 =	simm.s32 @p2 $0x1082  }
0x22: {  	[simem:s7], [sflag:s8] =	dma.local @!p0 [hbm:s6], $0xF7A  }
0x23: {  	s9 =	sor.u32 $0xD0000000, s2;
	s6 =	simm.s32 $0x108;
	_ =	swait.ge @!p0 [sflag:s8], $0x0  }
0x24: {  	s3 =	sadd.s32 $0x88, s3;
	s6 =	simm.s32 @!p1 $0x1082;
	[sflag:s4] =	ssyncset.s32 $0xFFFFF086  }
0x25: {  	[simem:s6], [sflag:s4] =	dma.local [hbm:s3], $0xF7A  }
0x26: {  	[smem:$0x3F8B] =	sst s1;
	(tag) =	ssettag s2;
	_ =	strace s9  }
0x27: {  	s1 =	sld [smem:$0x3F9B]  }
0x28: {  	s2 =	sld [smem:$0x3F9C]  }
0x29: {  	s4 =	sld [smem:$0x3F9E]  }
0x2a: {  	p0 =	seq.s32 s5, $0x0;
	s5 =	sld [smem:$0x3F9F]  }
0x2b: {  	s6 =	sld [smem:$0x3FA0]  }
0x2c: {  	s7 =	sld [smem:$0x3FA1]  }
0x2d: {  	s3 =	simm.s32 $0x108;
	s8 =	sld [smem:$0x3FA2]  }
0x2e: {  	s3 =	simm.s32 @!p0 $0x1082;
	s9 =	sld [smem:$0x3FA3]  }
0x2f: {  	lr =	sadd.s32 s0, s3;
	s0 =	sld [smem:$0x3F9A]  }
0x30: {  	s3 =	sld [smem:$0x3F9D]  }
0x31: {  	[smem:$0x3FA6] =	sst s10  }
0x32: {  	s10 =	sld [smem:$0x3FA4];
	_ =	sdelay $0x3  }
0x33: {  	p0 =	seq.s32 s10, $0x1;
	s10 =	sld [smem:$0x3FA6];
	_ =	sdelay $0x3  }
0x34: {  	[smem:$0x3FA6] =	sst s10  }
0x35: {  	s10 =	sld [smem:$0x3FA5];
	_ =	sdelay $0x3  }
0x36: {  	p1 =	seq.s32 s10, $0x1;
	s10 =	sld [smem:$0x3FA6];
	_ =	sdelay $0x3  }
0x37: {  	[smem:$0x3FA6] =	sst s10  }
0x38: {  	s10 =	sld [smem:$0x3FA7]  }
0x39: {  	_ = 	snop;
	(pc) =	sbr.ind lr, $3  }
0x3a: {  	_ = 	snop  }
0x3b: {  	_ = 	snop  }
0x3c: {  	p2 =	seq.s32 s10, $0x1;
	s10 =	sld [smem:$0x3FA6]  }
0x3d: {  	_ =	shalt  }
0x3e: {  	_ =	shalt  }
0x3f: {  	_ =	shalt  }
0x40: {  	_ =	shalt  }
0x41: {  	_ =	shalt  }
0x42: {  	_ =	shalt  }
0x43: {  	_ =	shalt  }
0x44: {  	_ =	shalt  }
0x45: {  	_ =	shalt  }
0x46: {  	_ =	shalt  }
0x47: {  	_ =	shalt  }
0x48: {  	_ =	shalt  }
0x49: {  	_ =	shalt  }
0x4a: {  	_ =	shalt  }
0x4b: {  	_ =	shalt  }
0x4c: {  	_ =	shalt  }
0x4d: {  	_ =	shalt  }
0x4e: {  	_ =	shalt  }
0x4f: {  	_ =	shalt  }
0x50: {  	_ =	shalt  }
0x51: {  	_ =	shalt  }
0x52: {  	_ =	shalt  }
0x53: {  	_ =	shalt  }
0x54: {  	_ =	shalt  }
0x55: {  	_ =	shalt  }
0x56: {  	_ =	shalt  }
0x57: {  	_ =	shalt  }
0x58: {  	_ =	shalt  }
0x59: {  	_ =	shalt  }
0x5a: {  	_ =	shalt  }
0x5b: {  	_ =	shalt  }
0x5c: {  	_ =	shalt  }
0x5d: {  	_ =	shalt  }
0x5e: {  	_ =	shalt  }
0x5f: {  	_ =	shalt  }
0x60: {  	_ =	shalt  }
0x61: {  	_ =	shalt  }
0x62: {  	_ =	shalt  }
0x63: {  	_ =	shalt  }
0x64: {  	_ =	shalt  }
0x65: {  	_ =	shalt  }
0x66: {  	_ =	shalt  }
0x67: {  	_ =	shalt  }
0x68: {  	_ =	shalt  }
0x69: {  	_ =	shalt  }
0x6a: {  	_ =	shalt  }
0x6b: {  	_ =	shalt  }
0x6c: {  	_ =	shalt  }
0x6d: {  	_ =	shalt  }
0x6e: {  	_ =	shalt  }
0x6f: {  	_ =	shalt  }
0x70: {  	_ =	shalt  }
0x71: {  	_ =	shalt  }
0x72: {  	_ =	shalt  }
0x73: {  	_ =	shalt  }
0x74: {  	_ =	shalt  }
0x75: {  	_ =	shalt  }
0x76: {  	_ =	shalt  }
0x77: {  	_ =	shalt  }
0x78: {  	_ =	shalt  }
0x79: {  	_ =	shalt  }
0x7a: {  	_ =	shalt  }
0x7b: {  	_ =	shalt  }
0x7c: {  	_ =	shalt  }
0x7d: {  	_ =	shalt  }
0x7e: {  	_ =	shalt  }
0x7f: {  	_ =	shalt  }
0x80: {  	_ =	shalt  }
0x81: {  	_ =	shalt  }
0x82: {  	_ =	shalt  }
0x83: {  	_ =	shalt  }
0x84: {  	_ =	shalt  }
0x85: {  	_ =	shalt  }
0x86: {  	_ =	shalt  }
0x87: {  	_ =	shalt  }
.Lfunc_end0:
.L_simem_size_0:
called_computation.3_lowered:
.L_overlay_start_0:
0x88: {  	s2 =	sld [smem:$0x3FD9]  }
0x89: {  	s3 =	sld [smem:$0x3FFE];
	_ =	sdelay $0x1  }
0x8a: {  	s1 =	srdreg.scid  }
0x8b: {  	s0 =	sand.u32 $0x1, s1  }
0x8c: {  	s16 =	sshll.u32 s0, $0xA;
	s2 =	sadd.s32 s3, s2  }
0x8d: {  	s2 =	sadd.s32 s2, s16  }
0x8e: {  	[smem:$0x3FB2] =	sst s2  }
0x8f: {  	_ = 	snop  }
0x90: {  	(tm) =	ssettm $0x1  }
0x91: {  	s17 =	sld [smem:$0x3FFB];
	_ =	sdelay $0x3  }
0x92: {  	_ =	strace s17  }
0x93: {  	s2 =	sld [smem:$0x3FFC];
	_ =	sdelay $0x3  }
0x94: {  	_ =	strace s2  }
0x95: {  	s2 =	sld [smem:$0x3FFD];
	_ =	sdelay $0x3  }
0x96: {  	_ =	strace s2  }
0x97: {  	_ =	strace $0x8FFFFFFF  }
0x98: {  	s18 =	sld [smem:$0x3FDB];
	_ =	sdelay $0x1  }
0x99: {  	s19 =	simm.s32 $_scs_section_size  }
0x9a: {  	s4 =	simm.s32 $_size__tile_overlayer_lowered;
	s5 =	simm.s32 $_tile_overlayer_lowered  }
0x9b: {  	s22 =	simm.s32 $0x1BFF;
	s21 =	sshll.u32 s5, $0x1;
	s2 =	sadd.s32 s19, s18  }
0x9c: {  	s6 =	simm.s32 $0x0;
	s20 =	sshll.u32 s4, $0x1;
	s4 =	sadd.s32 s21, s2  }
0x9d: {  	[timem:s6], [sflag:s22] =	dma.local [hbm:s4], s20  }
0x9e: {  	_ =	swait.ge [sflag:s22], s20  }
0x9f: {  	s3 =	ssub.s32 $0x0, s20;
	[sflag:s22] =	ssyncset.done $0x0  }
0xa0: {  	[sflag:s22] =	ssyncadd.s32 s3;
	_ =	sdelay $0x1  }
0xa1: {  	s23 =	simm.s32 $0x1B8B  }
0xa2: {  	_ =	swait.ge [sflag:s23], $0x1  }
0xa3: {  	[sflag:s23] =	ssyncset.done $0x0  }
0xa4: {  	s25 =	simm.s32 $0x1B8E;
	s24 =	sld [smem:$0x3FFE];
	[sflag:s23] =	ssyncadd.s32 $0xFFFFFFFF  }
0xa5: {  	s26 =	simm.s32 $execute0_lowered;
	[smem:$0x3FD2] =	sst s25  }
0xa6: {  	s4 =	sshll.u32 s26, $0x1;
	_ =	strace $0x8000004F;
	[dreg:$0x1] =	wrdreg $0xFFFFFFFF  }
0xa7: {  	s28 =	simm.s32 $_size_execute0_lowered;
	s2 =	sadd.s32 s2, s4;
	[dreg:$0x0] =	wrdreg $0x0  }
0xa8: {  	s4 =	sshll.u32 s28, $0x1;
	[dreg:$0x2] =	wrdreg s2  }
0xa9: {  	[dreg:$0x3] =	wrdreg s4  }
0xaa: {  	[dreg:$0x4] =	wrdreg $0xC0  }
0xab: {  	_ =	task [dreg:s6], $0x5FFFF  }
0xac: {  	[dreg:$0x1] =	wrdreg $0xFFFFFFFF  }
0xad: {  	[dreg:$0x0] =	wrdreg $0x60  }
0xae: {  	[dreg:$0x2] =	wrdreg s24  }
0xaf: {  	[dreg:$0x3] =	wrdreg $0x9  }
0xb0: {  	_ =	task.clear_ibuf [dreg:s6], $0x4FFFF;
	_ =	strace $0x9000004F  }
0xb1: {  	s29 =	simm.s32 $0x9;
	_ =	strace $0x80000051  }
0xb2: {  	_ =	swait.ge [sflag:s29], $0x1  }
0xb3: {  	[sflag:s29] =	ssyncadd.s32 $0xFFFFFFFF  }
0xb4: {  	_ =	strace $0x90000051  }
0xb5: {  	_ =	sfence  }
0xb6: {  	s30 =	sld [smem:$0x0];
	_ =	sdelay $0x2  }
0xb7: {  	s31 =	sshll.u32 s1, $0xD;
	s1 =	sshrl.u32 s1, $0x2  }
0xb8: {  	s3 =	sand.u32 $0x4000, s31;
	s1 =	sadd.s32 s1, s30  }
0xb9: {  	s0 =	sor.u32 s3, s0;
	s1 =	sshll.u32 s1, $0x11  }
0xba: {  	s0 =	sor.u32 s1, s0  }
0xbb: {  	s0 =	sadd.s32 $0x8F2B, s0  }
0xbc: {  	[sflag:s0] =	ssyncadd.remote.s32 $0x1  }
0xbd: {  	_ =	sfence.sel $0xFFFF  }
0xbe: {  	[dreg:$0x0] =	wrdreg $0xFFFFFFFF;
	(pc) =	sbr.abs _section_cstart, $3  }
0xbf: {  	[dreg:$0x1] =	wrdreg $0xFFFFFFFF  }
0xc0: {  	_ =	task.clear_ibuf [dreg:s6], $0x2FFFF;
	_ =	strace $0x9FFFFFFF  }
0xc1: {  	(tm) =	ssettm $0x7FFFFFFF  }
tec
execute0_lowered:
.L_overlay_start_1:
0x0: {  	(tag) =	ssettag $0x1  }
0x1: {  	s1 =	srdreg.scid;
	s0 =	stileid.u32  }
0x2: {  	s6 =	sand.u32 $0x1, s1;
	s30 =	sshll.u32 s0, $0x1  }
0x3: {  	s8 =	rddreg [dreg:$0x0];
	s7 =	sor.u32 s6, s30  }
0x4: {  	s2 =	simm.s32 $0x0;
	s1 =	rddreg [dreg:$0x1];
	s3 =	smul.u32 $0x271, s7  }
0x5: {  	[smem:$0x7FF] =	sst s2;
	s5 =	sadd.s32 $0x6E00, s8  }
0x6: {  	_ =	strace $0x80000050;
	s10 =	ssub.s32 $0x2, s6;
	s3 =	sadd.s32 s3, s8  }
0x7: {  	s6 =	simm.s32 $0x1388;
	s4 =	sadd.s32 $0xBE00, s3;
	s3 =	simm.s32 $0x2  }
0x8: {  	[tilespmem:s2], [sflag:$0x2] =	stream.linear.gather [hbm4b:s4+s2], $0x1388, $0x38;
	[tilespmem:$0x14C08] =	vst v63  }
0x9: {  	s9 =	smul.u32 $0x2710, s7;
	s11 =	sshrl.u32 s10, $0x1;
	_ =	swait.ge [sflag:s3], $0x1388  }
0xa: {  	s7 =	simm.s32 $0x1;
	s31 =	ssub.s32 s10, s11;
	[sflag:s3] =	ssyncset.done $0x0  }
0xb: {  	s8 =	sadd.s32 s9, s8;
	s9 =	smax.u32 s31, $0x1;
	[sflag:s3] =	ssyncadd.s32 $0xFFFFEC78  }
0xc: {  	[tilespmem:s6], [sflag:$0x1] =	stream.indirect.gather [hbm4b:s5+s6], $0x10, s2, s6, $0xb8;
	[tilespmem:$0x14C08] =	vst v63  }
0xd: {  	p0 =	sne.s32 s9, $0x1;
	_ =	swait.ge [sflag:s7], $0x13880  }
.Ltmp0:
0xe: {  	[sflag:s7] =	ssyncset.done $0x0;
	(pc) =	sbr.rel @!p0 .LBB2_2-.Ltmp0, $4  }
0xf: {  	s8 =	sadd.s32 $0x15E00, s8;
	[sflag:s7] =	ssyncadd.s32 $0xFFFEC780  }
0x10: {  	[hbm4b:s8+s2] =	stream.linear.scatter [tilespmem:s6], [sflag:$0x2], $0x13880, $0x38;
	[tilespmem:$0x14C08] =	vst v63  }
0x11: {  	_ =	swait.ge [sflag:s3], $0x13880  }
0x12: {  	s9 =	sadd.s32 $0xFFFFFFFF, s9;
	[sflag:s3] =	ssyncset.done $0x0  }
.LBB2_1:
0x13: {  	p0 =	sne.s32 s9, $0x1;
	s9 =	sadd.s32 $0xFFFFFFFF, s9;
	[sflag:s3] =	ssyncadd.s32 $0xFFFEC780  }
0x14: {  	[tilespmem:s2], [sflag:$0x2] =	stream.linear.gather [hbm4b:s4+s2], $0x1388, $0x38;
	[tilespmem:$0x14C08] =	vst v63  }
0x15: {  	_ =	swait.ge [sflag:s3], $0x1388  }
0x16: {  	[sflag:s3] =	ssyncset.done $0x0  }
0x17: {  	[sflag:s3] =	ssyncadd.s32 $0xFFFFEC78  }
0x18: {  	[tilespmem:s6], [sflag:$0x1] =	stream.indirect.gather [hbm4b:s5+s6], $0x10, s2, s6, $0xb8;
	[tilespmem:$0x14C08] =	vst v63  }
0x19: {  	_ =	swait.ge [sflag:s7], $0x13880  }
.Ltmp1:
0x1a: {  	[sflag:s7] =	ssyncset.done $0x0;
	(pc) =	sbr.rel @p0 .LBB2_1-.Ltmp1, $4  }
0x1b: {  	[sflag:s7] =	ssyncadd.s32 $0xFFFEC780  }
0x1c: {  	[hbm4b:s8+s2] =	stream.linear.scatter [tilespmem:s6], [sflag:$0x2], $0x13880, $0x38;
	[tilespmem:$0x14C08] =	vst v63  }
0x1d: {  	_ =	swait.ge [sflag:s3], $0x13880  }
0x1e: {  	[sflag:s3] =	ssyncset.done $0x0  }
.LBB2_2:
0x1f: {  	[sflag:s3] =	ssyncadd.s32 $0xFFFEC780  }
0x20: {  	_ =	sfence.sel $0x180000  }
0x21: {  	[bflag:$0x0] =	sbarrier.arrive $0xFFFF  }
0x22: {  	p0 =	sne.s32 s0, $0x0;
	_ =	strace $0x90000050  }
0x23: {  	s0 =	sadd.s32 @!p0 $0x100000, s1;
	[bflag:$0x2] =	sbarrier.arrive $0xFFFF  }
0x24: {  	[sflag:s0] =	ssyncadd.tile.s32 @!p0 $0x1;
	_ =	shalt  }
.Lfunc_end2:
_tile_overlayer_lowered:
.L_overlay_start_2:
0x25: {  	(tag) =	ssettag $0x2  }
0x26: {  	s0 =	rddreg [dreg:$0x0];
	s2 =	stileid.u32  }
0x27: {  	s1 =	rddreg [dreg:$0x1];
	p0 =	sne.s32 s2, $0x0  }
0x28: {  	s3 =	rddreg [dreg:$0x2];
	[bflag:$0x3] =	sbarrier.arrive $0xFFFF;
	s2 =	simm.s32 @!p0 $0x1C02  }
0x29: {  	[timem:s3], [sflag:s2] =	dma.local @!p0 [hbm:s0], s1  }
0x2a: {  	s0 =	simm.s32 @!p0 $0x2  }
0x2b: {  	_ =	swait.ge @!p0 [sflag:s0], s1  }
0x2c: {  	s1 =	ssub.s32 @!p0 $0x0, s1;
	[sflag:s0] =	ssyncset.done @!p0 $0x0  }
0x2d: {  	[sflag:s0] =	ssyncadd.s32 @!p0 s1  }
0x2e: {  	[bflag:$0x3] =	sbarrier.arrive $0xFFFF  }
0x2f: {  	_ =	shalt  }

// kernel: kernel.29.cloned.1.call-start
scs
__scs_entry_jumppad:
0x0: {  	(pc) =	sbr.rel $0x88, $3  }
0x1: {  	(tag) =	ssettag $0x0;
	lr =	simm.s32 $0x1  }
0x2: {  	[smem:$0x3F8B] =	sst lr;
	_ =	strace $0xD0000000  }
0x3: {  	_ = 	snop  }
0x4: {  	_ = 	snop  }
0x5: {  	_ = 	snop  }
0x6: {  	_ = 	snop  }
0x7: {  	_ = 	snop  }
__scs_overlays_trampoline_lowered:
0x8: {  	[smem:$0x3F9A] =	sst s0  }
0x9: {  	[smem:$0x3F9B] =	sst s1  }
0xa: {  	[smem:$0x3F9C] =	sst s2  }
0xb: {  	[smem:$0x3F9D] =	sst s3  }
0xc: {  	[smem:$0x3F9E] =	sst s4  }
0xd: {  	[smem:$0x3F9F] =	sst s5  }
0xe: {  	[smem:$0x3FA0] =	sst s6  }
0xf: {  	[smem:$0x3FA1] =	sst s7  }
0x10: {  	[smem:$0x3FA2] =	sst s8  }
0x11: {  	[smem:$0x3FA3] =	sst s9;
	s0 =	simm.s32 @!p0 $0x0  }
0x12: {  	s1 =	sld [smem:$0x3F89];
	s0 =	simm.s32 @p0 $0x1  }
0x13: {  	[smem:$0x3FA4] =	sst s0;
	s0 =	simm.s32 @!p1 $0x0  }
0x14: {  	s2 =	sld [smem:$0x3F88];
	s0 =	simm.s32 @p1 $0x1  }
0x15: {  	[smem:$0x3FA5] =	sst s0;
	s0 =	simm.s32 @!p2 $0x0  }
0x16: {  	s3 =	sld [smem:$0x3FDB];
	s0 =	simm.s32 @p2 $0x1  }
0x17: {  	s4 =	simm.s32 $0x1BF5;
	[smem:$0x3FA7] =	sst s0  }
0x18: {  	s0 =	sld [smem:$0x3F8A];
	_ =	swait.ge [sflag:s4], $0x0  }
0x19: {  	s7 =	sld [smem:$0x3F8B]  }
0x1a: {  	s8 =	sadd.s32 $0xFFFFE003, lr  }
0x1b: {  	s9 =	sadd.s32 $0xFFFFFEF7, lr;
	s5 =	simm.s32 $0xFFFFFFFF;
	p2 =	slt.u32 s8, $0xFFFFF086  }
0x1c: {  	p1 =	slt.u32 s9, $0xF7A;
	s5 =	simm.s32 @!p2 $0x0  }
0x1d: {  	s5 =	simm.s32 @p1 $0x1;
	p0 =	seq.s32 s7, s2  }
0x1e: {  	s7 =	smul.u32 @!p0 $0xF7A, s2;
	p2 =	seq.s32 @!p0 s5, $0x0  }
0x1f: {  	s9 =	smul.u32 $0xF7A, s1;
	s8 =	simm.s32 @!p0 $0x1BF5;
	p2 =	por !p2, p0  }
0x20: {  	[sflag:s8] =	ssyncset.s32 @!p0 $0xFFFFF086;
	s6 =	sadd.s32 @!p0 s3, s7;
	s7 =	simm.s32 @!p0 $0x108  }
0x21: {  	s3 =	sadd.s32 s3, s9;
	s6 =	sadd.s32 @!p0 $0x88, s6;
	s7 =	simm.s32 @p2 $0x1082  }
0x22: {  	[simem:s7], [sflag:s8] =	dma.local @!p0 [hbm:s6], $0xF7A  }
0x23: {  	s9 =	sor.u32 $0xD0000000, s2;
	s6 =	simm.s32 $0x108;
	_ =	swait.ge @!p0 [sflag:s8], $0x0  }
0x24: {  	s3 =	sadd.s32 $0x88, s3;
	s6 =	simm.s32 @!p1 $0x1082;
	[sflag:s4] =	ssyncset.s32 $0xFFFFF086  }
0x25: {  	[simem:s6], [sflag:s4] =	dma.local [hbm:s3], $0xF7A  }
0x26: {  	[smem:$0x3F8B] =	sst s1;
	(tag) =	ssettag s2;
	_ =	strace s9  }
0x27: {  	s1 =	sld [smem:$0x3F9B]  }
0x28: {  	s2 =	sld [smem:$0x3F9C]  }
0x29: {  	s4 =	sld [smem:$0x3F9E]  }
0x2a: {  	p0 =	seq.s32 s5, $0x0;
	s5 =	sld [smem:$0x3F9F]  }
0x2b: {  	s6 =	sld [smem:$0x3FA0]  }
0x2c: {  	s7 =	sld [smem:$0x3FA1]  }
0x2d: {  	s3 =	simm.s32 $0x108;
	s8 =	sld [smem:$0x3FA2]  }
0x2e: {  	s3 =	simm.s32 @!p0 $0x1082;
	s9 =	sld [smem:$0x3FA3]  }
0x2f: {  	lr =	sadd.s32 s0, s3;
	s0 =	sld [smem:$0x3F9A]  }
0x30: {  	s3 =	sld [smem:$0x3F9D]  }
0x31: {  	[smem:$0x3FA6] =	sst s10  }
0x32: {  	s10 =	sld [smem:$0x3FA4];
	_ =	sdelay $0x3  }
0x33: {  	p0 =	seq.s32 s10, $0x1;
	s10 =	sld [smem:$0x3FA6];
	_ =	sdelay $0x3  }
0x34: {  	[smem:$0x3FA6] =	sst s10  }
0x35: {  	s10 =	sld [smem:$0x3FA5];
	_ =	sdelay $0x3  }
0x36: {  	p1 =	seq.s32 s10, $0x1;
	s10 =	sld [smem:$0x3FA6];
	_ =	sdelay $0x3  }
0x37: {  	[smem:$0x3FA6] =	sst s10  }
0x38: {  	s10 =	sld [smem:$0x3FA7]  }
0x39: {  	_ = 	snop;
	(pc) =	sbr.ind lr, $3  }
0x3a: {  	_ = 	snop  }
0x3b: {  	_ = 	snop  }
0x3c: {  	p2 =	seq.s32 s10, $0x1;
	s10 =	sld [smem:$0x3FA6]  }
0x3d: {  	_ =	shalt  }
0x3e: {  	_ =	shalt  }
0x3f: {  	_ =	shalt  }
0x40: {  	_ =	shalt  }
0x41: {  	_ =	shalt  }
0x42: {  	_ =	shalt  }
0x43: {  	_ =	shalt  }
0x44: {  	_ =	shalt  }
0x45: {  	_ =	shalt  }
0x46: {  	_ =	shalt  }
0x47: {  	_ =	shalt  }
0x48: {  	_ =	shalt  }
0x49: {  	_ =	shalt  }
0x4a: {  	_ =	shalt  }
0x4b: {  	_ =	shalt  }
0x4c: {  	_ =	shalt  }
0x4d: {  	_ =	shalt  }
0x4e: {  	_ =	shalt  }
0x4f: {  	_ =	shalt  }
0x50: {  	_ =	shalt  }
0x51: {  	_ =	shalt  }
0x52: {  	_ =	shalt  }
0x53: {  	_ =	shalt  }
0x54: {  	_ =	shalt  }
0x55: {  	_ =	shalt  }
0x56: {  	_ =	shalt  }
0x57: {  	_ =	shalt  }
0x58: {  	_ =	shalt  }
0x59: {  	_ =	shalt  }
0x5a: {  	_ =	shalt  }
0x5b: {  	_ =	shalt  }
0x5c: {  	_ =	shalt  }
0x5d: {  	_ =	shalt  }
0x5e: {  	_ =	shalt  }
0x5f: {  	_ =	shalt  }
0x60: {  	_ =	shalt  }
0x61: {  	_ =	shalt  }
0x62: {  	_ =	shalt  }
0x63: {  	_ =	shalt  }
0x64: {  	_ =	shalt  }
0x65: {  	_ =	shalt  }
0x66: {  	_ =	shalt  }
0x67: {  	_ =	shalt  }
0x68: {  	_ =	shalt  }
0x69: {  	_ =	shalt  }
0x6a: {  	_ =	shalt  }
0x6b: {  	_ =	shalt  }
0x6c: {  	_ =	shalt  }
0x6d: {  	_ =	shalt  }
0x6e: {  	_ =	shalt  }
0x6f: {  	_ =	shalt  }
0x70: {  	_ =	shalt  }
0x71: {  	_ =	shalt  }
0x72: {  	_ =	shalt  }
0x73: {  	_ =	shalt  }
0x74: {  	_ =	shalt  }
0x75: {  	_ =	shalt  }
0x76: {  	_ =	shalt  }
0x77: {  	_ =	shalt  }
0x78: {  	_ =	shalt  }
0x79: {  	_ =	shalt  }
0x7a: {  	_ =	shalt  }
0x7b: {  	_ =	shalt  }
0x7c: {  	_ =	shalt  }
0x7d: {  	_ =	shalt  }
0x7e: {  	_ =	shalt  }
0x7f: {  	_ =	shalt  }
0x80: {  	_ =	shalt  }
0x81: {  	_ =	shalt  }
0x82: {  	_ =	shalt  }
0x83: {  	_ =	shalt  }
0x84: {  	_ =	shalt  }
0x85: {  	_ =	shalt  }
0x86: {  	_ =	shalt  }
0x87: {  	_ =	shalt  }
.Lfunc_end0:
.L_simem_size_0:
called_computation.4_lowered:
.L_overlay_start_0:
0x88: {  	s2 =	sld [smem:$0x3FD9]  }
0x89: {  	s3 =	sld [smem:$0x3FFE];
	_ =	sdelay $0x1  }
0x8a: {  	s1 =	srdreg.scid  }
0x8b: {  	s0 =	sand.u32 $0x1, s1  }
0x8c: {  	s16 =	sshll.u32 s0, $0xA;
	s2 =	sadd.s32 s3, s2  }
0x8d: {  	s2 =	sadd.s32 s2, s16  }
0x8e: {  	[smem:$0x3FB2] =	sst s2  }
0x8f: {  	_ = 	snop  }
0x90: {  	(tm) =	ssettm $0x1  }
0x91: {  	s17 =	sld [smem:$0x3FFB];
	_ =	sdelay $0x3  }
0x92: {  	_ =	strace s17  }
0x93: {  	s2 =	sld [smem:$0x3FFC];
	_ =	sdelay $0x3  }
0x94: {  	_ =	strace s2  }
0x95: {  	s2 =	sld [smem:$0x3FFD];
	_ =	sdelay $0x3  }
0x96: {  	_ =	strace s2  }
0x97: {  	_ =	strace $0x8FFFFFFF  }
0x98: {  	s18 =	sld [smem:$0x3FDB];
	_ =	sdelay $0x1  }
0x99: {  	s19 =	simm.s32 $_scs_section_size  }
0x9a: {  	s4 =	simm.s32 $_size__tile_overlayer_lowered;
	s5 =	simm.s32 $_tile_overlayer_lowered  }
0x9b: {  	s22 =	simm.s32 $0x1BFF;
	s21 =	sshll.u32 s5, $0x1;
	s2 =	sadd.s32 s19, s18  }
0x9c: {  	s6 =	simm.s32 $0x0;
	s20 =	sshll.u32 s4, $0x1;
	s4 =	sadd.s32 s21, s2  }
0x9d: {  	[timem:s6], [sflag:s22] =	dma.local [hbm:s4], s20  }
0x9e: {  	_ =	swait.ge [sflag:s22], s20  }
0x9f: {  	s3 =	ssub.s32 $0x0, s20;
	[sflag:s22] =	ssyncset.done $0x0  }
0xa0: {  	[sflag:s22] =	ssyncadd.s32 s3;
	_ =	sdelay $0x1  }
0xa1: {  	s23 =	simm.s32 $0x1B8B  }
0xa2: {  	_ =	swait.ge [sflag:s23], $0x1  }
0xa3: {  	[sflag:s23] =	ssyncset.done $0x0  }
0xa4: {  	s25 =	simm.s32 $0x1B8E;
	s24 =	sld [smem:$0x3FFE];
	[sflag:s23] =	ssyncadd.s32 $0xFFFFFFFF  }
0xa5: {  	s26 =	simm.s32 $execute0_lowered;
	[smem:$0x3FD2] =	sst s25  }
0xa6: {  	s4 =	sshll.u32 s26, $0x1;
	_ =	strace $0x80000052;
	[dreg:$0x1] =	wrdreg $0xFFFFFFFF  }
0xa7: {  	s28 =	simm.s32 $_size_execute0_lowered;
	s2 =	sadd.s32 s2, s4;
	[dreg:$0x0] =	wrdreg $0x0  }
0xa8: {  	s4 =	sshll.u32 s28, $0x1;
	[dreg:$0x2] =	wrdreg s2  }
0xa9: {  	[dreg:$0x3] =	wrdreg s4  }
0xaa: {  	[dreg:$0x4] =	wrdreg $0xC0  }
0xab: {  	_ =	task [dreg:s6], $0x5FFFF  }
0xac: {  	[dreg:$0x1] =	wrdreg $0xFFFFFFFF  }
0xad: {  	[dreg:$0x0] =	wrdreg $0x60  }
0xae: {  	[dreg:$0x2] =	wrdreg s24  }
0xaf: {  	[dreg:$0x3] =	wrdreg $0x14C080  }
0xb0: {  	[dreg:$0x4] =	wrdreg $0x9  }
0xb1: {  	_ =	task.clear_ibuf [dreg:s6], $0x5FFFF;
	_ =	strace $0x90000052  }
0xb2: {  	s29 =	simm.s32 $0x9;
	_ =	strace $0x80000054  }
0xb3: {  	_ =	swait.ge [sflag:s29], $0x1  }
0xb4: {  	[sflag:s29] =	ssyncadd.s32 $0xFFFFFFFF  }
0xb5: {  	_ =	strace $0x90000054  }
0xb6: {  	_ =	sfence  }
0xb7: {  	s30 =	sld [smem:$0x0];
	_ =	sdelay $0x2  }
0xb8: {  	s31 =	sshll.u32 s1, $0xD;
	s1 =	sshrl.u32 s1, $0x2  }
0xb9: {  	s3 =	sand.u32 $0x4000, s31;
	s1 =	sadd.s32 s1, s30  }
0xba: {  	s0 =	sor.u32 s3, s0;
	s1 =	sshll.u32 s1, $0x11  }
0xbb: {  	s0 =	sor.u32 s1, s0  }
0xbc: {  	s0 =	sadd.s32 $0x8F2B, s0  }
0xbd: {  	[sflag:s0] =	ssyncadd.remote.s32 $0x1  }
0xbe: {  	_ =	sfence.sel $0xFFFF  }
0xbf: {  	[dreg:$0x0] =	wrdreg $0xFFFFFFFF;
	(pc) =	sbr.abs _section_cstart, $3  }
0xc0: {  	[dreg:$0x1] =	wrdreg $0xFFFFFFFF  }
0xc1: {  	_ =	task.clear_ibuf [dreg:s6], $0x2FFFF;
	_ =	strace $0x9FFFFFFF  }
0xc2: {  	(tm) =	ssettm $0x7FFFFFFF  }
0xc3: {  	_ =	shalt  }
tec
execute0_lowered:
.L_overlay_start_1:
0x0: {  	(tag) =	ssettag $0x1  }
0x1: {  	s0 =	srdreg.scid  }
0x2: {  	s5 =	sand.u32 $0x1, s0  }
0x3: {  	s8 =	ssub.s32 $0x2, s5  }
0x4: {  	s3 =	rddreg [dreg:$0x0];
	s4 =	stileid.u32;
	s30 =	sshrl.u32 s8, $0x1  }
0x5: {  	s1 =	rddreg [dreg:$0x1];
	s6 =	sshll.u32 s4, $0x1;
	s8 =	ssub.s32 s8, s30  }
0x6: {  	s2 =	simm.s32 $0x0;
	s6 =	sor.u32 s5, s6;
	s31 =	smax.u32 s8, $0x1  }
0x7: {  	p1 =	por $0x0, $0x0;
	s7 =	smul.u32 $0x2710, s6;
	s12 =	sadd.s32 $0xFFFFFFFF, s31  }
0x8: {  	s0 =	rddreg [dreg:$0x2];
	s6 =	smul.u32 $0x271, s6;
	p2 =	sne.s32 s12, $0x0  }
.Ltmp0:
0x9: {  	[smem:$0x7FF] =	sst s2;
	s9 =	sadd.s32 $0x64000, s3;
	(pc) =	sbr.rel @!p2 .LBB2_3-.Ltmp0, $4  }
0xa: {  	p0 =	sne.s32 s4, $0x0;
	_ =	strace $0x80000053;
	s5 =	smul.u32 $0x4E20, s5  }
0xb: {  	s4 =	sshrl.u32 @!p0 s1, $0x3;
	s10 =	sadd.s32 s7, s3;
	s6 =	sadd.s32 s6, s3  }
0xc: {  	s3 =	sadd.s32 s5, s3;
	s5 =	simm.s32 $0x1;
	s8 =	simm.s32 $0x1388  }
0xd: {  	s7 =	sadd.s32 $0x10E00, s6;
	s6 =	sadd.s32 $0x15E00, s10;
	s3 =	sadd.s32 $0x69000, s3  }
0xe: {  	s11 =	simm.s32 @!p0 $0x1C01;
	s10 =	simm.s32 @!p0 $0x1  }
0xf: {  	[spmem:s4], [sflag:s11] =	dma.local @!p0 [hbm:s9], $0x4E20  }
0x10: {  	_ =	swait.ge @!p0 [sflag:s10], $0x4E20  }
0x11: {  	[sflag:s10] =	ssyncset.done @!p0 $0x0  }
0x12: {  	[sflag:s10] =	ssyncadd.s32 @!p0 $0xFFFFB1E0  }
0x13: {  	[bflag:$0x0] =	sbarrier.arrive $0xFFFF  }
0x14: {  	[tilespmem:s2], [sflag:$0x1] =	stream.linear.gather [hbm4b:s7+s2], $0x1388, $0x38;
	[tilespmem:$0x17318] =	vst v63  }
0x15: {  	_ =	swait.ge [sflag:s5], $0x1388  }
0x16: {  	[sflag:s5] =	ssyncset.done $0x0  }
0x17: {  	[sflag:s5] =	ssyncadd.s32 $0xFFFFEC78  }
0x18: {  	[tilespmem:s8], [sflag:$0x1] =	stream.linear.gather [hbm4b:s6+s2], $0x13880, $0x38;
	[tilespmem:$0x17318] =	vst v63  }
0x19: {  	_ =	swait.ge [sflag:s5], $0x13880  }
0x1a: {  	[sflag:s5] =	ssyncset.done $0x0  }
0x1b: {  	[sflag:s5] =	ssyncadd.s32 $0xFFFEC780  }
0x1c: {  	[spmem:s1] =	stream.indirect.scatter.add.f32 [tilespmem:s8], [sflag:$0x1], $0x10, s2, s8, $0xb8;
	[tilespmem:$0x17318] =	vst v63  }
0x1d: {  	s12 =	sadd.s32 $0xFFFFFFFF, s12;
	_ =	swait.ge [sflag:s5], $0x13880  }
0x1e: {  	p2 =	sne.s32 s12, $0x0;
	[sflag:s5] =	ssyncset.done $0x0  }
.Ltmp1:
0x1f: {  	[sflag:s5] =	ssyncadd.s32 $0xFFFEC780;
	(pc) =	sbr.rel @!p2 .LBB2_3-.Ltmp1, $4  }
0x20: {  	[bflag:$0x0] =	sbarrier.arrive $0xFFFF  }
0x21: {  	[hbm:s3], [sflag:s11] =	dma.local @!p0 [spmem:s4], $0x4E20  }
0x22: {  	_ =	swait.ge @!p0 [sflag:s10], $0x4E20  }
0x23: {  	p1 =	por $0x1, $0x1;
	[sflag:s10] =	ssyncset.done @!p0 $0x0  }
.LBB2_2:
0x24: {  	[sflag:s10] =	ssyncadd.s32 @!p0 $0xFFFFB1E0  }
0x25: {  	[spmem:s4], [sflag:s11] =	dma.local @!p0 [hbm:s9], $0x4E20  }
0x26: {  	s12 =	sadd.s32 $0xFFFFFFFF, s12;
	_ =	swait.ge @!p0 [sflag:s10], $0x4E20  }
0x27: {  	p2 =	sne.s32 s12, $0x0;
	[sflag:s10] =	ssyncset.done @!p0 $0x0  }
0x28: {  	[sflag:s10] =	ssyncadd.s32 @!p0 $0xFFFFB1E0  }
0x29: {  	[bflag:$0x0] =	sbarrier.arrive $0xFFFF  }
0x2a: {  	[tilespmem:s2], [sflag:$0x1] =	stream.linear.gather [hbm4b:s7+s2], $0x1388, $0x38;
	[tilespmem:$0x17318] =	vst v63  }
0x2b: {  	_ =	swait.ge [sflag:s5], $0x1388  }
0x2c: {  	[sflag:s5] =	ssyncset.done $0x0  }
0x2d: {  	[sflag:s5] =	ssyncadd.s32 $0xFFFFEC78  }
0x2e: {  	[tilespmem:s8], [sflag:$0x1] =	stream.linear.gather [hbm4b:s6+s2], $0x13880, $0x38;
	[tilespmem:$0x17318] =	vst v63  }
0x2f: {  	_ =	swait.ge [sflag:s5], $0x13880  }
0x30: {  	[sflag:s5] =	ssyncset.done $0x0  }
0x31: {  	[sflag:s5] =	ssyncadd.s32 $0xFFFEC780  }
0x32: {  	[spmem:s1] =	stream.indirect.scatter.add.f32 [tilespmem:s8], [sflag:$0x1], $0x10, s2, s8, $0xb8;
	[tilespmem:$0x17318] =	vst v63  }
0x33: {  	_ =	swait.ge [sflag:s5], $0x13880  }
0x34: {  	[sflag:s5] =	ssyncset.done $0x0  }
.Ltmp2:
0x35: {  	[sflag:s5] =	ssyncadd.s32 $0xFFFEC780;
	(pc) =	sbr.rel @p2 .LBB2_2-.Ltmp2, $4  }
0x36: {  	[bflag:$0x0] =	sbarrier.arrive $0xFFFF  }
0x37: {  	[hbm:s3], [sflag:s11] =	dma.local @!p0 [spmem:s4], $0x4E20  }
0x38: {  	_ =	swait.ge @!p0 [sflag:s10], $0x4E20  }
0x39: {  	[sflag:s10] =	ssyncset.done @!p0 $0x0  }
.LBB2_3:
0x3a: {  	p1 =	por p0, !p1  }
0x3b: {  	s11 =	simm.s32 @!p0 $0x1C01;
	s12 =	simm.s32 @!p0 $0x1;
	[sflag:s10] =	ssyncadd.s32 @!p1 $0xFFFFB1E0  }
0x3c: {  	[spmem:s4], [sflag:s11] =	dma.local @!p0 [hbm:s9], $0x4E20  }
0x3d: {  	_ =	swait.ge @!p0 [sflag:s12], $0x4E20  }
0x3e: {  	[sflag:s12] =	ssyncset.done @!p0 $0x0  }
0x3f: {  	[sflag:s12] =	ssyncadd.s32 @!p0 $0xFFFFB1E0  }
0x40: {  	[bflag:$0x0] =	sbarrier.arrive $0xFFFF  }
0x41: {  	[tilespmem:s2], [sflag:$0x1] =	stream.linear.gather [hbm4b:s7+s2], $0x1388, $0x38;
	[tilespmem:$0x17318] =	vst v63  }
0x42: {  	_ =	swait.ge [sflag:s5], $0x1388  }
0x43: {  	[sflag:s5] =	ssyncset.done $0x0  }
0x44: {  	[sflag:s5] =	ssyncadd.s32 $0xFFFFEC78  }
0x45: {  	[tilespmem:s8], [sflag:$0x1] =	stream.linear.gather [hbm4b:s6+s2], $0x13880, $0x38;
	[tilespmem:$0x17318] =	vst v63  }
0x46: {  	_ =	swait.ge [sflag:s5], $0x13880  }
0x47: {  	[sflag:s5] =	ssyncset.done $0x0  }
0x48: {  	[sflag:s5] =	ssyncadd.s32 $0xFFFEC780  }
0x49: {  	[spmem:s1] =	stream.indirect.scatter.add.f32 [tilespmem:s8], [sflag:$0x1], $0x10, s2, s8, $0xb8;
	[tilespmem:$0x17318] =	vst v63  }
0x4a: {  	_ =	swait.ge [sflag:s5], $0x13880  }
0x4b: {  	[sflag:s5] =	ssyncset.done $0x0  }
0x4c: {  	[sflag:s5] =	ssyncadd.s32 $0xFFFEC780  }
0x4d: {  	[bflag:$0x0] =	sbarrier.arrive $0xFFFF  }
0x4e: {  	[hbm:s3], [sflag:s11] =	dma.local @!p0 [spmem:s4], $0x4E20  }
0x4f: {  	_ =	swait.ge @!p0 [sflag:s12], $0x4E20  }
0x50: {  	[sflag:s12] =	ssyncset.done @!p0 $0x0  }
0x51: {  	[sflag:s12] =	ssyncadd.s32 @!p0 $0xFFFFB1E0  }
0x52: {  	_ =	sfence.sel $0x180000  }
0x53: {  	[bflag:$0x0] =	sbarrier.arrive $0xFFFF  }
0x54: {  	_ =	strace $0x90000053  }
0x55: {  	s0 =	sadd.s32 @!p0 $0x100000, s0;
	[bflag:$0x2] =	sbarrier.arrive $0xFFFF  }
0x56: {  	[sflag:s0] =	ssyncadd.tile.s32 @!p0 $0x1;
	_ =	shalt  }
.Lfunc_end2:
_tile_overlayer_lowered:
.L_overlay_start_2:
0x57: {  	(tag) =	ssettag $0x2  }
0x58: {  	s0 =	rddreg [dreg:$0x0];
	s2 =	stileid.u32  }
0x59: {  	s1 =	rddreg [dreg:$0x1];
	p0 =	sne.s32 s2, $0x0  }
0x5a: {  	s3 =	rddreg [dreg:$0x2];
	[bflag:$0x3] =	sbarrier.arrive $0xFFFF;
	s2 =	simm.s32 @!p0 $0x1C01  }
0x5b: {  	[timem:s3], [sflag:s2] =	dma.local @!p0 [hbm:s0], s1  }
0x5c: {  	s0 =	simm.s32 @!p0 $0x1  }
0x5d: {  	_ =	swait.ge @!p0 [sflag:s0], s1  }
0x5e: {  	s1 =	ssub.s32 @!p0 $0x0, s1;
	[sflag:s0] =	ssyncset.done @!p0 $0x0  }
0x5f: {  	[sflag:s0] =	ssyncadd.s32 @!p0 s1  }
0x60: {  	[bflag:$0x3] =	sbarrier.arrive $0xFFFF  }
0x61: {  	_ =	shalt  }

// kernel: kernel.32.cloned.1.call-start
scs
__scs_entry_jumppad:
0x0: {  	(pc) =	sbr.rel $0x88, $3  }
0x1: {  	(tag) =	ssettag $0x0;
	lr =	simm.s32 $0x1  }
0x2: {  	[smem:$0x3F8B] =	sst lr;
	_ =	strace $0xD0000000  }
0x3: {  	_ = 	snop  }
0x4: {  	_ = 	snop  }
0x5: {  	_ = 	snop  }
0x6: {  	_ = 	snop  }
0x7: {  	_ = 	snop  }
__scs_overlays_trampoline_lowered:
0x8: {  	[smem:$0x3F9A] =	sst s0  }
0x9: {  	[smem:$0x3F9B] =	sst s1  }
0xa: {  	[smem:$0x3F9C] =	sst s2  }
0xb: {  	[smem:$0x3F9D] =	sst s3  }
0xc: {  	[smem:$0x3F9E] =	sst s4  }
0xd: {  	[smem:$0x3F9F] =	sst s5  }
0xe: {  	[smem:$0x3FA0] =	sst s6  }
0xf: {  	[smem:$0x3FA1] =	sst s7  }
0x10: {  	[smem:$0x3FA2] =	sst s8  }
0x11: {  	[smem:$0x3FA3] =	sst s9;
	s0 =	simm.s32 @!p0 $0x0  }
0x12: {  	s1 =	sld [smem:$0x3F89];
	s0 =	simm.s32 @p0 $0x1  }
0x13: {  	[smem:$0x3FA4] =	sst s0;
	s0 =	simm.s32 @!p1 $0x0  }
0x14: {  	s2 =	sld [smem:$0x3F88];
	s0 =	simm.s32 @p1 $0x1  }
0x15: {  	[smem:$0x3FA5] =	sst s0;
	s0 =	simm.s32 @!p2 $0x0  }
0x16: {  	s3 =	sld [smem:$0x3FDB];
	s0 =	simm.s32 @p2 $0x1  }
0x17: {  	s4 =	simm.s32 $0x1BF5;
	[smem:$0x3FA7] =	sst s0  }
0x18: {  	s0 =	sld [smem:$0x3F8A];
	_ =	swait.ge [sflag:s4], $0x0  }
0x19: {  	s7 =	sld [smem:$0x3F8B]  }
0x1a: {  	s8 =	sadd.s32 $0xFFFFE003, lr  }
0x1b: {  	s9 =	sadd.s32 $0xFFFFFEF7, lr;
	s5 =	simm.s32 $0xFFFFFFFF;
	p2 =	slt.u32 s8, $0xFFFFF086  }
0x1c: {  	p1 =	slt.u32 s9, $0xF7A;
	s5 =	simm.s32 @!p2 $0x0  }
0x1d: {  	s5 =	simm.s32 @p1 $0x1;
	p0 =	seq.s32 s7, s2  }
0x1e: {  	s7 =	smul.u32 @!p0 $0xF7A, s2;
	p2 =	seq.s32 @!p0 s5, $0x0  }
0x1f: {  	s9 =	smul.u32 $0xF7A, s1;
	s8 =	simm.s32 @!p0 $0x1BF5;
	p2 =	por !p2, p0  }
0x20: {  	[sflag:s8] =	ssyncset.s32 @!p0 $0xFFFFF086;
	s6 =	sadd.s32 @!p0 s3, s7;
	s7 =	simm.s32 @!p0 $0x108  }
0x21: {  	s3 =	sadd.s32 s3, s9;
	s6 =	sadd.s32 @!p0 $0x88, s6;
	s7 =	simm.s32 @p2 $0x1082  }
0x22: {  	[simem:s7], [sflag:s8] =	dma.local @!p0 [hbm:s6], $0xF7A  }
0x23: {  	s9 =	sor.u32 $0xD0000000, s2;
	s6 =	simm.s32 $0x108;
	_ =	swait.ge @!p0 [sflag:s8], $0x0  }
0x24: {  	s3 =	sadd.s32 $0x88, s3;
	s6 =	simm.s32 @!p1 $0x1082;
	[sflag:s4] =	ssyncset.s32 $0xFFFFF086  }
0x25: {  	[simem:s6], [sflag:s4] =	dma.local [hbm:s3], $0xF7A  }
0x26: {  	[smem:$0x3F8B] =	sst s1;
	(tag) =	ssettag s2;
	_ =	strace s9  }
0x27: {  	s1 =	sld [smem:$0x3F9B]  }
0x28: {  	s2 =	sld [smem:$0x3F9C]  }
0x29: {  	s4 =	sld [smem:$0x3F9E]  }
0x2a: {  	p0 =	seq.s32 s5, $0x0;
	s5 =	sld [smem:$0x3F9F]  }
0x2b: {  	s6 =	sld [smem:$0x3FA0]  }
0x2c: {  	s7 =	sld [smem:$0x3FA1]  }
0x2d: {  	s3 =	simm.s32 $0x108;
	s8 =	sld [smem:$0x3FA2]  }
0x2e: {  	s3 =	simm.s32 @!p0 $0x1082;
	s9 =	sld [smem:$0x3FA3]  }
0x2f: {  	lr =	sadd.s32 s0, s3;
	s0 =	sld [smem:$0x3F9A]  }
0x30: {  	s3 =	sld [smem:$0x3F9D]  }
0x31: {  	[smem:$0x3FA6] =	sst s10  }
0x32: {  	s10 =	sld [smem:$0x3FA4];
	_ =	sdelay $0x3  }
0x33: {  	p0 =	seq.s32 s10, $0x1;
	s10 =	sld [smem:$0x3FA6];
	_ =	sdelay $0x3  }
0x34: {  	[smem:$0x3FA6] =	sst s10  }
0x35: {  	s10 =	sld [smem:$0x3FA5];
	_ =	sdelay $0x3  }
0x36: {  	p1 =	seq.s32 s10, $0x1;
	s10 =	sld [smem:$0x3FA6];
	_ =	sdelay $0x3  }
0x37: {  	[smem:$0x3FA6] =	sst s10  }
0x38: {  	s10 =	sld [smem:$0x3FA7]  }
0x39: {  	_ = 	snop;
	(pc) =	sbr.ind lr, $3  }
0x3a: {  	_ = 	snop  }
0x3b: {  	_ = 	snop  }
0x3c: {  	p2 =	seq.s32 s10, $0x1;
	s10 =	sld [smem:$0x3FA6]  }
0x3d: {  	_ =	shalt  }
0x3e: {  	_ =	shalt  }
0x3f: {  	_ =	shalt  }
0x40: {  	_ =	shalt  }
0x41: {  	_ =	shalt  }
0x42: {  	_ =	shalt  }
0x43: {  	_ =	shalt  }
0x44: {  	_ =	shalt  }
0x45: {  	_ =	shalt  }
0x46: {  	_ =	shalt  }
0x47: {  	_ =	shalt  }
0x48: {  	_ =	shalt  }
0x49: {  	_ =	shalt  }
0x4a: {  	_ =	shalt  }
0x4b: {  	_ =	shalt  }
0x4c: {  	_ =	shalt  }
0x4d: {  	_ =	shalt  }
0x4e: {  	_ =	shalt  }
0x4f: {  	_ =	shalt  }
0x50: {  	_ =	shalt  }
0x51: {  	_ =	shalt  }
0x52: {  	_ =	shalt  }
0x53: {  	_ =	shalt  }
0x54: {  	_ =	shalt  }
0x55: {  	_ =	shalt  }
0x56: {  	_ =	shalt  }
0x57: {  	_ =	shalt  }
0x58: {  	_ =	shalt  }
0x59: {  	_ =	shalt  }
0x5a: {  	_ =	shalt  }
0x5b: {  	_ =	shalt  }
0x5c: {  	_ =	shalt  }
0x5d: {  	_ =	shalt  }
0x5e: {  	_ =	shalt  }
0x5f: {  	_ =	shalt  }
0x60: {  	_ =	shalt  }
0x61: {  	_ =	shalt  }
0x62: {  	_ =	shalt  }
0x63: {  	_ =	shalt  }
0x64: {  	_ =	shalt  }
0x65: {  	_ =	shalt  }
0x66: {  	_ =	shalt  }
0x67: {  	_ =	shalt  }
0x68: {  	_ =	shalt  }
0x69: {  	_ =	shalt  }
0x6a: {  	_ =	shalt  }
0x6b: {  	_ =	shalt  }
0x6c: {  	_ =	shalt  }
0x6d: {  	_ =	shalt  }
0x6e: {  	_ =	shalt  }
0x6f: {  	_ =	shalt  }
0x70: {  	_ =	shalt  }
0x71: {  	_ =	shalt  }
0x72: {  	_ =	shalt  }
0x73: {  	_ =	shalt  }
0x74: {  	_ =	shalt  }
0x75: {  	_ =	shalt  }
0x76: {  	_ =	shalt  }
0x77: {  	_ =	shalt  }
0x78: {  	_ =	shalt  }
0x79: {  	_ =	shalt  }
0x7a: {  	_ =	shalt  }
0x7b: {  	_ =	shalt  }
0x7c: {  	_ =	shalt  }
0x7d: {  	_ =	shalt  }
0x7e: {  	_ =	shalt  }
0x7f: {  	_ =	shalt  }
0x80: {  	_ =	shalt  }
0x81: {  	_ =	shalt  }
0x82: {  	_ =	shalt  }
0x83: {  	_ =	shalt  }
0x84: {  	_ =	shalt  }
0x85: {  	_ =	shalt  }
0x86: {  	_ =	shalt  }
0x87: {  	_ =	shalt  }
.Lfunc_end0:
.L_simem_size_0:
called_computation.5_lowered:
.L_overlay_start_0:
0x88: {  	s2 =	sld [smem:$0x3FD9]  }
0x89: {  	s3 =	sld [smem:$0x3FFE];
	_ =	sdelay $0x1  }
0x8a: {  	s1 =	srdreg.scid  }
0x8b: {  	s0 =	sand.u32 $0x1, s1  }
0x8c: {  	s16 =	sshll.u32 s0, $0xA;
	s2 =	sadd.s32 s3, s2  }
0x8d: {  	s2 =	sadd.s32 s2, s16  }
0x8e: {  	[smem:$0x3FB2] =	sst s2  }
0x8f: {  	_ = 	snop  }
0x90: {  	(tm) =	ssettm $0x1  }
0x91: {  	s17 =	sld [smem:$0x3FFB];
	_ =	sdelay $0x3  }
0x92: {  	_ =	strace s17  }
0x93: {  	s2 =	sld [smem:$0x3FFC];
	_ =	sdelay $0x3  }
0x94: {  	_ =	strace s2  }
0x95: {  	s2 =	sld [smem:$0x3FFD];
	_ =	sdelay $0x3  }
0x96: {  	_ =	strace s2  }
0x97: {  	_ =	strace $0x8FFFFFFF  }
0x98: {  	s18 =	sld [smem:$0x3FDB];
	_ =	sdelay $0x1  }
0x99: {  	s19 =	simm.s32 $_scs_section_size  }
0x9a: {  	s4 =	simm.s32 $_size__tile_overlayer_lowered;
	s5 =	simm.s32 $_tile_overlayer_lowered  }
0x9b: {  	s22 =	simm.s32 $0x1BFF;
	s21 =	sshll.u32 s5, $0x1;
	s2 =	sadd.s32 s19, s18  }
0x9c: {  	s6 =	simm.s32 $0x0;
	s20 =	sshll.u32 s4, $0x1;
	s4 =	sadd.s32 s21, s2  }
0x9d: {  	[timem:s6], [sflag:s22] =	dma.local [hbm:s4], s20  }
0x9e: {  	_ =	swait.ge [sflag:s22], s20  }
0x9f: {  	s3 =	ssub.s32 $0x0, s20;
	[sflag:s22] =	ssyncset.done $0x0  }
0xa0: {  	[sflag:s22] =	ssyncadd.s32 s3;
	_ =	sdelay $0x1  }
0xa1: {  	s23 =	simm.s32 $0x1B8B  }
0xa2: {  	_ =	swait.ge [sflag:s23], $0x1  }
0xa3: {  	[sflag:s23] =	ssyncset.done $0x0  }
0xa4: {  	s25 =	simm.s32 $0x1B8E;
	s24 =	sld [smem:$0x3FFE];
	[sflag:s23] =	ssyncadd.s32 $0xFFFFFFFF  }
0xa5: {  	s26 =	simm.s32 $execute0_lowered;
	[smem:$0x3FD2] =	sst s25  }
0xa6: {  	s4 =	sshll.u32 s26, $0x1;
	_ =	strace $0x80000055;
	[dreg:$0x1] =	wrdreg $0xFFFFFFFF  }
0xa7: {  	s28 =	simm.s32 $_size_execute0_lowered;
	s2 =	sadd.s32 s2, s4;
	[dreg:$0x0] =	wrdreg $0x0  }
0xa8: {  	s4 =	sshll.u32 s28, $0x1;
	[dreg:$0x2] =	wrdreg s2  }
0xa9: {  	[dreg:$0x3] =	wrdreg s4  }
0xaa: {  	[dreg:$0x4] =	wrdreg $0xC0  }
0xab: {  	_ =	task [dreg:s6], $0x5FFFF  }
0xac: {  	[dreg:$0x1] =	wrdreg $0xFFFFFFFF  }
0xad: {  	[dreg:$0x0] =	wrdreg $0x60  }
0xae: {  	[dreg:$0x2] =	wrdreg s24  }
0xaf: {  	[dreg:$0x3] =	wrdreg $0x9  }
0xb0: {  	_ =	task.clear_ibuf [dreg:s6], $0x4FFFF;
	_ =	strace $0x90000055  }
0xb1: {  	s29 =	simm.s32 $0x9;
	_ =	strace $0x80000057  }
0xb2: {  	_ =	swait.ge [sflag:s29], $0x1  }
0xb3: {  	[sflag:s29] =	ssyncadd.s32 $0xFFFFFFFF  }
0xb4: {  	_ =	strace $0x90000057  }
0xb5: {  	_ =	sfence  }
0xb6: {  	s30 =	sld [smem:$0x0];
	_ =	sdelay $0x2  }
0xb7: {  	s31 =	sshll.u32 s1, $0xD;
	s1 =	sshrl.u32 s1, $0x2  }
0xb8: {  	s3 =	sand.u32 $0x4000, s31;
	s1 =	sadd.s32 s1, s30  }
0xb9: {  	s0 =	sor.u32 s3, s0;
	s1 =	sshll.u32 s1, $0x11  }
0xba: {  	s0 =	sor.u32 s1, s0  }
0xbb: {  	s0 =	sadd.s32 $0x8F2B, s0  }
0xbc: {  	[sflag:s0] =	ssyncadd.remote.s32 $0x1  }
0xbd: {  	_ =	sfence.sel $0xFFFF  }
0xbe: {  	[dreg:$0x0] =	wrdreg $0xFFFFFFFF;
	(pc) =	sbr.abs _section_cstart, $3  }
0xbf: {  	[dreg:$0x1] =	wrdreg $0xFFFFFFFF  }
0xc0: {  	_ =	task.clear_ibuf [dreg:s6], $0x2FFFF;
	_ =	strace $0x9FFFFFFF  }
0xc1: {  	(tm) =	ssettm $0x7FFFFFFF  }
tec
execute0_lowered:
.L_overlay_start_1:
0x0: {  	(tag) =	ssettag $0x1  }
0x1: {  	s1 =	srdreg.scid;
	s0 =	stileid.u32  }
0x2: {  	s6 =	sand.u32 $0x1, s1;
	s30 =	sshll.u32 s0, $0x1  }
0x3: {  	s8 =	rddreg [dreg:$0x0];
	s7 =	sor.u32 s6, s30  }
0x4: {  	s2 =	simm.s32 $0x0;
	s1 =	rddreg [dreg:$0x1];
	s3 =	smul.u32 $0x271, s7  }
0x5: {  	[smem:$0x7FF] =	sst s2;
	s5 =	sadd.s32 $0x6E00, s8  }
0x6: {  	_ =	strace $0x80000056;
	s10 =	ssub.s32 $0x2, s6;
	s3 =	sadd.s32 s3, s8  }
0x7: {  	s6 =	simm.s32 $0x1388;
	s4 =	sadd.s32 $0xBE00, s3;
	s3 =	simm.s32 $0x2  }
0x8: {  	[tilespmem:s2], [sflag:$0x2] =	stream.linear.gather [hbm4b:s4+s2], $0x1388, $0x38;
	[tilespmem:$0x14C08] =	vst v63  }
0x9: {  	s9 =	smul.u32 $0x2710, s7;
	s11 =	sshrl.u32 s10, $0x1;
	_ =	swait.ge [sflag:s3], $0x1388  }
0xa: {  	s7 =	simm.s32 $0x1;
	s31 =	ssub.s32 s10, s11;
	[sflag:s3] =	ssyncset.done $0x0  }
0xb: {  	s8 =	sadd.s32 s9, s8;
	s9 =	smax.u32 s31, $0x1;
	[sflag:s3] =	ssyncadd.s32 $0xFFFFEC78  }
0xc: {  	[tilespmem:s6], [sflag:$0x1] =	stream.indirect.gather [hbm4b:s5+s6], $0x10, s2, s6, $0xb8;
	[tilespmem:$0x14C08] =	vst v63  }
0xd: {  	p0 =	sne.s32 s9, $0x1;
	_ =	swait.ge [sflag:s7], $0x13880  }
.Ltmp0:
0xe: {  	[sflag:s7] =	ssyncset.done $0x0;
	(pc) =	sbr.rel @!p0 .LBB2_2-.Ltmp0, $4  }
0xf: {  	s8 =	sadd.s32 $0x15E00, s8;
	[sflag:s7] =	ssyncadd.s32 $0xFFFEC780  }
0x10: {  	[hbm4b:s8+s2] =	stream.linear.scatter [tilespmem:s6], [sflag:$0x2], $0x13880, $0x38;
	[tilespmem:$0x14C08] =	vst v63  }
0x11: {  	_ =	swait.ge [sflag:s3], $0x13880  }
0x12: {  	s9 =	sadd.s32 $0xFFFFFFFF, s9;
	[sflag:s3] =	ssyncset.done $0x0  }
.LBB2_1:
0x13: {  	p0 =	sne.s32 s9, $0x1;
	s9 =	sadd.s32 $0xFFFFFFFF, s9;
	[sflag:s3] =	ssyncadd.s32 $0xFFFEC780  }
0x14: {  	[tilespmem:s2], [sflag:$0x2] =	stream.linear.gather [hbm4b:s4+s2], $0x1388, $0x38;
	[tilespmem:$0x14C08] =	vst v63  }
0x15: {  	_ =	swait.ge [sflag:s3], $0x1388  }
0x16: {  	[sflag:s3] =	ssyncset.done $0x0  }
0x17: {  	[sflag:s3] =	ssyncadd.s32 $0xFFFFEC78  }
0x18: {  	[tilespmem:s6], [sflag:$0x1] =	stream.indirect.gather [hbm4b:s5+s6], $0x10, s2, s6, $0xb8;
	[tilespmem:$0x14C08] =	vst v63  }
0x19: {  	_ =	swait.ge [sflag:s7], $0x13880  }
.Ltmp1:
0x1a: {  	[sflag:s7] =	ssyncset.done $0x0;
	(pc) =	sbr.rel @p0 .LBB2_1-.Ltmp1, $4  }
0x1b: {  	[sflag:s7] =	ssyncadd.s32 $0xFFFEC780  }
0x1c: {  	[hbm4b:s8+s2] =	stream.linear.scatter [tilespmem:s6], [sflag:$0x2], $0x13880, $0x38;
	[tilespmem:$0x14C08] =	vst v63  }
0x1d: {  	_ =	swait.ge [sflag:s3], $0x13880  }
0x1e: {  	[sflag:s3] =	ssyncset.done $0x0  }
.LBB2_2:
0x1f: {  	[sflag:s3] =	ssyncadd.s32 $0xFFFEC780  }
0x20: {  	_ =	sfence.sel $0x180000  }
0x21: {  	[bflag:$0x0] =	sbarrier.arrive $0xFFFF  }
0x22: {  	p0 =	sne.s32 s0, $0x0;
	_ =	strace $0x90000056  }
0x23: {  	s0 =	sadd.s32 @!p0 $0x100000, s1;
	[bflag:$0x2] =	sbarrier.arrive $0xFFFF  }
0x24: {  	[sflag:s0] =	ssyncadd.tile.s32 @!p0 $0x1;
	_ =	shalt  }
.Lfunc_end2:
_tile_overlayer_lowered:
.L_overlay_start_2:
0x25: {  	(tag) =	ssettag $0x2  }
0x26: {  	s0 =	rddreg [dreg:$0x0];
	s2 =	stileid.u32  }
0x27: {  	s1 =	rddreg [dreg:$0x1];
	p0 =	sne.s32 s2, $0x0  }
0x28: {  	s3 =	rddreg [dreg:$0x2];
	[bflag:$0x3] =	sbarrier.arrive $0xFFFF;
	s2 =	simm.s32 @!p0 $0x1C02  }
0x29: {  	[timem:s3], [sflag:s2] =	dma.local @!p0 [hbm:s0], s1  }
0x2a: {  	s0 =	simm.s32 @!p0 $0x2  }
0x2b: {  	_ =	swait.ge @!p0 [sflag:s0], s1  }
0x2c: {  	s1 =	ssub.s32 @!p0 $0x0, s1;
	[sflag:s0] =	ssyncset.done @!p0 $0x0  }
0x2d: {  	[sflag:s0] =	ssyncadd.s32 @!p0 s1  }
0x2e: {  	[bflag:$0x3] =	sbarrier.arrive $0xFFFF  }
0x2f: {  	_ =	shalt  }

// kernel: kernel.35.cloned.1.call-start
scs
__scs_entry_jumppad:
0x0: {  	(pc) =	sbr.rel $0x88, $3  }
0x1: {  	(tag) =	ssettag $0x0;
	lr =	simm.s32 $0x1  }
0x2: {  	[smem:$0x3F8B] =	sst lr;
	_ =	strace $0xD0000000  }
0x3: {  	_ = 	snop  }
0x4: {  	_ = 	snop  }
0x5: {  	_ = 	snop  }
0x6: {  	_ = 	snop  }
0x7: {  	_ = 	snop  }
__scs_overlays_trampoline_lowered:
0x8: {  	[smem:$0x3F9A] =	sst s0  }
0x9: {  	[smem:$0x3F9B] =	sst s1  }
0xa: {  	[smem:$0x3F9C] =	sst s2  }
0xb: {  	[smem:$0x3F9D] =	sst s3  }
0xc: {  	[smem:$0x3F9E] =	sst s4  }
0xd: {  	[smem:$0x3F9F] =	sst s5  }
0xe: {  	[smem:$0x3FA0] =	sst s6  }
0xf: {  	[smem:$0x3FA1] =	sst s7  }
0x10: {  	[smem:$0x3FA2] =	sst s8  }
0x11: {  	[smem:$0x3FA3] =	sst s9;
	s0 =	simm.s32 @!p0 $0x0  }
0x12: {  	s1 =	sld [smem:$0x3F89];
	s0 =	simm.s32 @p0 $0x1  }
0x13: {  	[smem:$0x3FA4] =	sst s0;
	s0 =	simm.s32 @!p1 $0x0  }
0x14: {  	s2 =	sld [smem:$0x3F88];
	s0 =	simm.s32 @p1 $0x1  }
0x15: {  	[smem:$0x3FA5] =	sst s0;
	s0 =	simm.s32 @!p2 $0x0  }
0x16: {  	s3 =	sld [smem:$0x3FDB];
	s0 =	simm.s32 @p2 $0x1  }
0x17: {  	s4 =	simm.s32 $0x1BF5;
	[smem:$0x3FA7] =	sst s0  }
0x18: {  	s0 =	sld [smem:$0x3F8A];
	_ =	swait.ge [sflag:s4], $0x0  }
0x19: {  	s7 =	sld [smem:$0x3F8B]  }
0x1a: {  	s8 =	sadd.s32 $0xFFFFE003, lr  }
0x1b: {  	s9 =	sadd.s32 $0xFFFFFEF7, lr;
	s5 =	simm.s32 $0xFFFFFFFF;
	p2 =	slt.u32 s8, $0xFFFFF086  }
0x1c: {  	p1 =	slt.u32 s9, $0xF7A;
	s5 =	simm.s32 @!p2 $0x0  }
0x1d: {  	s5 =	simm.s32 @p1 $0x1;
	p0 =	seq.s32 s7, s2  }
0x1e: {  	s7 =	smul.u32 @!p0 $0xF7A, s2;
	p2 =	seq.s32 @!p0 s5, $0x0  }
0x1f: {  	s9 =	smul.u32 $0xF7A, s1;
	s8 =	simm.s32 @!p0 $0x1BF5;
	p2 =	por !p2, p0  }
0x20: {  	[sflag:s8] =	ssyncset.s32 @!p0 $0xFFFFF086;
	s6 =	sadd.s32 @!p0 s3, s7;
	s7 =	simm.s32 @!p0 $0x108  }
0x21: {  	s3 =	sadd.s32 s3, s9;
	s6 =	sadd.s32 @!p0 $0x88, s6;
	s7 =	simm.s32 @p2 $0x1082  }
0x22: {  	[simem:s7], [sflag:s8] =	dma.local @!p0 [hbm:s6], $0xF7A  }
0x23: {  	s9 =	sor.u32 $0xD0000000, s2;
	s6 =	simm.s32 $0x108;
	_ =	swait.ge @!p0 [sflag:s8], $0x0  }
0x24: {  	s3 =	sadd.s32 $0x88, s3;
	s6 =	simm.s32 @!p1 $0x1082;
	[sflag:s4] =	ssyncset.s32 $0xFFFFF086  }
0x25: {  	[simem:s6], [sflag:s4] =	dma.local [hbm:s3], $0xF7A  }
0x26: {  	[smem:$0x3F8B] =	sst s1;
	(tag) =	ssettag s2;
	_ =	strace s9  }
0x27: {  	s1 =	sld [smem:$0x3F9B]  }
0x28: {  	s2 =	sld [smem:$0x3F9C]  }
0x29: {  	s4 =	sld [smem:$0x3F9E]  }
0x2a: {  	p0 =	seq.s32 s5, $0x0;
	s5 =	sld [smem:$0x3F9F]  }
0x2b: {  	s6 =	sld [smem:$0x3FA0]  }
0x2c: {  	s7 =	sld [smem:$0x3FA1]  }
0x2d: {  	s3 =	simm.s32 $0x108;
	s8 =	sld [smem:$0x3FA2]  }
0x2e: {  	s3 =	simm.s32 @!p0 $0x1082;
	s9 =	sld [smem:$0x3FA3]  }
0x2f: {  	lr =	sadd.s32 s0, s3;
	s0 =	sld [smem:$0x3F9A]  }
0x30: {  	s3 =	sld [smem:$0x3F9D]  }
0x31: {  	[smem:$0x3FA6] =	sst s10  }
0x32: {  	s10 =	sld [smem:$0x3FA4];
	_ =	sdelay $0x3  }
0x33: {  	p0 =	seq.s32 s10, $0x1;
	s10 =	sld [smem:$0x3FA6];
	_ =	sdelay $0x3  }
0x34: {  	[smem:$0x3FA6] =	sst s10  }
0x35: {  	s10 =	sld [smem:$0x3FA5];
	_ =	sdelay $0x3  }
0x36: {  	p1 =	seq.s32 s10, $0x1;
	s10 =	sld [smem:$0x3FA6];
	_ =	sdelay $0x3  }
0x37: {  	[smem:$0x3FA6] =	sst s10  }
0x38: {  	s10 =	sld [smem:$0x3FA7]  }
0x39: {  	_ = 	snop;
	(pc) =	sbr.ind lr, $3  }
0x3a: {  	_ = 	snop  }
0x3b: {  	_ = 	snop  }
0x3c: {  	p2 =	seq.s32 s10, $0x1;
	s10 =	sld [smem:$0x3FA6]  }
0x3d: {  	_ =	shalt  }
0x3e: {  	_ =	shalt  }
0x3f: {  	_ =	shalt  }
0x40: {  	_ =	shalt  }
0x41: {  	_ =	shalt  }
0x42: {  	_ =	shalt  }
0x43: {  	_ =	shalt  }
0x44: {  	_ =	shalt  }
0x45: {  	_ =	shalt  }
0x46: {  	_ =	shalt  }
0x47: {  	_ =	shalt  }
0x48: {  	_ =	shalt  }
0x49: {  	_ =	shalt  }
0x4a: {  	_ =	shalt  }
0x4b: {  	_ =	shalt  }
0x4c: {  	_ =	shalt  }
0x4d: {  	_ =	shalt  }
0x4e: {  	_ =	shalt  }
0x4f: {  	_ =	shalt  }
0x50: {  	_ =	shalt  }
0x51: {  	_ =	shalt  }
0x52: {  	_ =	shalt  }
0x53: {  	_ =	shalt  }
0x54: {  	_ =	shalt  }
0x55: {  	_ =	shalt  }
0x56: {  	_ =	shalt  }
0x57: {  	_ =	shalt  }
0x58: {  	_ =	shalt  }
0x59: {  	_ =	shalt  }
0x5a: {  	_ =	shalt  }
0x5b: {  	_ =	shalt  }
0x5c: {  	_ =	shalt  }
0x5d: {  	_ =	shalt  }
0x5e: {  	_ =	shalt  }
0x5f: {  	_ =	shalt  }
0x60: {  	_ =	shalt  }
0x61: {  	_ =	shalt  }
0x62: {  	_ =	shalt  }
0x63: {  	_ =	shalt  }
0x64: {  	_ =	shalt  }
0x65: {  	_ =	shalt  }
0x66: {  	_ =	shalt  }
0x67: {  	_ =	shalt  }
0x68: {  	_ =	shalt  }
0x69: {  	_ =	shalt  }
0x6a: {  	_ =	shalt  }
0x6b: {  	_ =	shalt  }
0x6c: {  	_ =	shalt  }
0x6d: {  	_ =	shalt  }
0x6e: {  	_ =	shalt  }
0x6f: {  	_ =	shalt  }
0x70: {  	_ =	shalt  }
0x71: {  	_ =	shalt  }
0x72: {  	_ =	shalt  }
0x73: {  	_ =	shalt  }
0x74: {  	_ =	shalt  }
0x75: {  	_ =	shalt  }
0x76: {  	_ =	shalt  }
0x77: {  	_ =	shalt  }
0x78: {  	_ =	shalt  }
0x79: {  	_ =	shalt  }
0x7a: {  	_ =	shalt  }
0x7b: {  	_ =	shalt  }
0x7c: {  	_ =	shalt  }
0x7d: {  	_ =	shalt  }
0x7e: {  	_ =	shalt  }
0x7f: {  	_ =	shalt  }
0x80: {  	_ =	shalt  }
0x81: {  	_ =	shalt  }
0x82: {  	_ =	shalt  }
0x83: {  	_ =	shalt  }
0x84: {  	_ =	shalt  }
0x85: {  	_ =	shalt  }
0x86: {  	_ =	shalt  }
0x87: {  	_ =	shalt  }
.Lfunc_end0:
.L_simem_size_0:
called_computation.6_lowered:
.L_overlay_start_0:
0x88: {  	s2 =	sld [smem:$0x3FD9]  }
0x89: {  	s3 =	sld [smem:$0x3FFE];
	_ =	sdelay $0x1  }
0x8a: {  	s1 =	srdreg.scid  }
0x8b: {  	s0 =	sand.u32 $0x1, s1  }
0x8c: {  	s16 =	sshll.u32 s0, $0xA;
	s2 =	sadd.s32 s3, s2  }
0x8d: {  	s2 =	sadd.s32 s2, s16  }
0x8e: {  	[smem:$0x3FB2] =	sst s2  }
0x8f: {  	_ = 	snop  }
0x90: {  	(tm) =	ssettm $0x1  }
0x91: {  	s17 =	sld [smem:$0x3FFB];
	_ =	sdelay $0x3  }
0x92: {  	_ =	strace s17  }
0x93: {  	s2 =	sld [smem:$0x3FFC];
	_ =	sdelay $0x3  }
0x94: {  	_ =	strace s2  }
0x95: {  	s2 =	sld [smem:$0x3FFD];
	_ =	sdelay $0x3  }
0x96: {  	_ =	strace s2  }
0x97: {  	_ =	strace $0x8FFFFFFF  }
0x98: {  	s18 =	sld [smem:$0x3FDB];
	_ =	sdelay $0x1  }
0x99: {  	s19 =	simm.s32 $_scs_section_size  }
0x9a: {  	s4 =	simm.s32 $_size__tile_overlayer_lowered;
	s5 =	simm.s32 $_tile_overlayer_lowered  }
0x9b: {  	s22 =	simm.s32 $0x1BFF;
	s21 =	sshll.u32 s5, $0x1;
	s2 =	sadd.s32 s19, s18  }
0x9c: {  	s6 =	simm.s32 $0x0;
	s20 =	sshll.u32 s4, $0x1;
	s4 =	sadd.s32 s21, s2  }
0x9d: {  	[timem:s6], [sflag:s22] =	dma.local [hbm:s4], s20  }
0x9e: {  	_ =	swait.ge [sflag:s22], s20  }
0x9f: {  	s3 =	ssub.s32 $0x0, s20;
	[sflag:s22] =	ssyncset.done $0x0  }
0xa0: {  	[sflag:s22] =	ssyncadd.s32 s3;
	_ =	sdelay $0x1  }
0xa1: {  	s23 =	simm.s32 $0x1B8B  }
0xa2: {  	_ =	swait.ge [sflag:s23], $0x1  }
0xa3: {  	[sflag:s23] =	ssyncset.done $0x0  }
0xa4: {  	s25 =	simm.s32 $0x1B8E;
	s24 =	sld [smem:$0x3FFE];
	[sflag:s23] =	ssyncadd.s32 $0xFFFFFFFF  }
0xa5: {  	s26 =	simm.s32 $execute0_lowered;
	[smem:$0x3FD2] =	sst s25  }
0xa6: {  	s4 =	sshll.u32 s26, $0x1;
	_ =	strace $0x80000058;
	[dreg:$0x1] =	wrdreg $0xFFFFFFFF  }
0xa7: {  	s28 =	simm.s32 $_size_execute0_lowered;
	s2 =	sadd.s32 s2, s4;
	[dreg:$0x0] =	wrdreg $0x0  }
0xa8: {  	s4 =	sshll.u32 s28, $0x1;
	[dreg:$0x2] =	wrdreg s2  }
0xa9: {  	[dreg:$0x3] =	wrdreg s4  }
0xaa: {  	[dreg:$0x4] =	wrdreg $0xC0  }
0xab: {  	_ =	task [dreg:s6], $0x5FFFF  }
0xac: {  	[dreg:$0x1] =	wrdreg $0xFFFFFFFF  }
0xad: {  	[dreg:$0x0] =	wrdreg $0x60  }
0xae: {  	[dreg:$0x2] =	wrdreg s24  }
0xaf: {  	[dreg:$0x3] =	wrdreg $0x14C080  }
0xb0: {  	[dreg:$0x4] =	wrdreg $0x9  }
0xb1: {  	_ =	task.clear_ibuf [dreg:s6], $0x5FFFF;
	_ =	strace $0x90000058  }
0xb2: {  	s29 =	simm.s32 $0x9;
	_ =	strace $0x8000005A  }
0xb3: {  	_ =	swait.ge [sflag:s29], $0x1  }
0xb4: {  	[sflag:s29] =	ssyncadd.s32 $0xFFFFFFFF  }
0xb5: {  	_ =	strace $0x9000005A  }
0xb6: {  	_ =	sfence  }
0xb7: {  	s30 =	sld [smem:$0x0];
	_ =	sdelay $0x2  }
0xb8: {  	s31 =	sshll.u32 s1, $0xD;
	s1 =	sshrl.u32 s1, $0x2  }
0xb9: {  	s3 =	sand.u32 $0x4000, s31;
	s1 =	sadd.s32 s1, s30  }
0xba: {  	s0 =	sor.u32 s3, s0;
	s1 =	sshll.u32 s1, $0x11  }
0xbb: {  	s0 =	sor.u32 s1, s0  }
0xbc: {  	s0 =	sadd.s32 $0x8F2B, s0  }
0xbd: {  	[sflag:s0] =	ssyncadd.remote.s32 $0x1  }
0xbe: {  	_ =	sfence.sel $0xFFFF  }
0xbf: {  	[dreg:$0x0] =	wrdreg $0xFFFFFFFF;
	(pc) =	sbr.abs _section_cstart, $3  }
0xc0: {  	[dreg:$0x1] =	wrdreg $0xFFFFFFFF  }
0xc1: {  	_ =	task.clear_ibuf [dreg:s6], $0x2FFFF;
	_ =	strace $0x9FFFFFFF  }
0xc2: {  	(tm) =	ssettm $0x7FFFFFFF  }
0xc3: {  	_ =	shalt  }
tec
execute0_lowered:
.L_overlay_start_1:
0x0: {  	(tag) =	ssettag $0x1  }
0x1: {  	s0 =	srdreg.scid  }
0x2: {  	s5 =	sand.u32 $0x1, s0  }
0x3: {  	s8 =	ssub.s32 $0x2, s5  }
0x4: {  	s3 =	rddreg [dreg:$0x0];
	s4 =	stileid.u32;
	s30 =	sshrl.u32 s8, $0x1  }
0x5: {  	s1 =	rddreg [dreg:$0x1];
	s6 =	sshll.u32 s4, $0x1;
	s8 =	ssub.s32 s8, s30  }
0x6: {  	s2 =	simm.s32 $0x0;
	s6 =	sor.u32 s5, s6;
	s31 =	smax.u32 s8, $0x1  }
0x7: {  	p1 =	por $0x0, $0x0;
	s7 =	smul.u32 $0x2710, s6;
	s12 =	sadd.s32 $0xFFFFFFFF, s31  }
0x8: {  	s0 =	rddreg [dreg:$0x2];
	s6 =	smul.u32 $0x271, s6;
	p2 =	sne.s32 s12, $0x0  }
.Ltmp0:
0x9: {  	[smem:$0x7FF] =	sst s2;
	s9 =	sadd.s32 $0x64000, s3;
	(pc) =	sbr.rel @!p2 .LBB2_3-.Ltmp0, $4  }
0xa: {  	p0 =	sne.s32 s4, $0x0;
	_ =	strace $0x80000059;
	s5 =	smul.u32 $0x4E20, s5  }
0xb: {  	s4 =	sshrl.u32 @!p0 s1, $0x3;
	s10 =	sadd.s32 s7, s3;
	s6 =	sadd.s32 s6, s3  }
0xc: {  	s3 =	sadd.s32 s5, s3;
	s5 =	simm.s32 $0x1;
	s8 =	simm.s32 $0x1388  }
0xd: {  	s7 =	sadd.s32 $0x10E00, s6;
	s6 =	sadd.s32 $0x15E00, s10;
	s3 =	sadd.s32 $0x69000, s3  }
0xe: {  	s11 =	simm.s32 @!p0 $0x1C01;
	s10 =	simm.s32 @!p0 $0x1  }
0xf: {  	[spmem:s4], [sflag:s11] =	dma.local @!p0 [hbm:s9], $0x4E20  }
0x10: {  	_ =	swait.ge @!p0 [sflag:s10], $0x4E20  }
0x11: {  	[sflag:s10] =	ssyncset.done @!p0 $0x0  }
0x12: {  	[sflag:s10] =	ssyncadd.s32 @!p0 $0xFFFFB1E0  }
0x13: {  	[bflag:$0x0] =	sbarrier.arrive $0xFFFF  }
0x14: {  	[tilespmem:s2], [sflag:$0x1] =	stream.linear.gather [hbm4b:s7+s2], $0x1388, $0x38;
	[tilespmem:$0x17318] =	vst v63  }
0x15: {  	_ =	swait.ge [sflag:s5], $0x1388  }
0x16: {  	[sflag:s5] =	ssyncset.done $0x0  }
0x17: {  	[sflag:s5] =	ssyncadd.s32 $0xFFFFEC78  }
0x18: {  	[tilespmem:s8], [sflag:$0x1] =	stream.linear.gather [hbm4b:s6+s2], $0x13880, $0x38;
	[tilespmem:$0x17318] =	vst v63  }
0x19: {  	_ =	swait.ge [sflag:s5], $0x13880  }
0x1a: {  	[sflag:s5] =	ssyncset.done $0x0  }
0x1b: {  	[sflag:s5] =	ssyncadd.s32 $0xFFFEC780  }
0x1c: {  	[spmem:s1] =	stream.indirect.scatter.add.f32 [tilespmem:s8], [sflag:$0x1], $0x10, s2, s8, $0xb8;
	[tilespmem:$0x17318] =	vst v63  }
0x1d: {  	s12 =	sadd.s32 $0xFFFFFFFF, s12;
	_ =	swait.ge [sflag:s5], $0x13880  }
0x1e: {  	p2 =	sne.s32 s12, $0x0;
	[sflag:s5] =	ssyncset.done $0x0  }
.Ltmp1:
0x1f: {  	[sflag:s5] =	ssyncadd.s32 $0xFFFEC780;
	(pc) =	sbr.rel @!p2 .LBB2_3-.Ltmp1, $4  }
0x20: {  	[bflag:$0x0] =	sbarrier.arrive $0xFFFF  }
0x21: {  	[hbm:s3], [sflag:s11] =	dma.local @!p0 [spmem:s4], $0x4E20  }
0x22: {  	_ =	swait.ge @!p0 [sflag:s10], $0x4E20  }
0x23: {  	p1 =	por $0x1, $0x1;
	[sflag:s10] =	ssyncset.done @!p0 $0x0  }
.LBB2_2:
0x24: {  	[sflag:s10] =	ssyncadd.s32 @!p0 $0xFFFFB1E0  }
0x25: {  	[spmem:s4], [sflag:s11] =	dma.local @!p0 [hbm:s9], $0x4E20  }
0x26: {  	s12 =	sadd.s32 $0xFFFFFFFF, s12;
	_ =	swait.ge @!p0 [sflag:s10], $0x4E20  }
0x27: {  	p2 =	sne.s32 s12, $0x0;
	[sflag:s10] =	ssyncset.done @!p0 $0x0  }
0x28: {  	[sflag:s10] =	ssyncadd.s32 @!p0 $0xFFFFB1E0  }
0x29: {  	[bflag:$0x0] =	sbarrier.arrive $0xFFFF  }
0x2a: {  	[tilespmem:s2], [sflag:$0x1] =	stream.linear.gather [hbm4b:s7+s2], $0x1388, $0x38;
	[tilespmem:$0x17318] =	vst v63  }
0x2b: {  	_ =	swait.ge [sflag:s5], $0x1388  }
0x2c: {  	[sflag:s5] =	ssyncset.done $0x0  }
0x2d: {  	[sflag:s5] =	ssyncadd.s32 $0xFFFFEC78  }
0x2e: {  	[tilespmem:s8], [sflag:$0x1] =	stream.linear.gather [hbm4b:s6+s2], $0x13880, $0x38;
	[tilespmem:$0x17318] =	vst v63  }
0x2f: {  	_ =	swait.ge [sflag:s5], $0x13880  }
0x30: {  	[sflag:s5] =	ssyncset.done $0x0  }
0x31: {  	[sflag:s5] =	ssyncadd.s32 $0xFFFEC780  }
0x32: {  	[spmem:s1] =	stream.indirect.scatter.add.f32 [tilespmem:s8], [sflag:$0x1], $0x10, s2, s8, $0xb8;
	[tilespmem:$0x17318] =	vst v63  }
0x33: {  	_ =	swait.ge [sflag:s5], $0x13880  }
0x34: {  	[sflag:s5] =	ssyncset.done $0x0  }
.Ltmp2:
0x35: {  	[sflag:s5] =	ssyncadd.s32 $0xFFFEC780;
	(pc) =	sbr.rel @p2 .LBB2_2-.Ltmp2, $4  }
0x36: {  	[bflag:$0x0] =	sbarrier.arrive $0xFFFF  }
0x37: {  	[hbm:s3], [sflag:s11] =	dma.local @!p0 [spmem:s4], $0x4E20  }
0x38: {  	_ =	swait.ge @!p0 [sflag:s10], $0x4E20  }
0x39: {  	[sflag:s10] =	ssyncset.done @!p0 $0x0  }
.LBB2_3:
0x3a: {  	p1 =	por p0, !p1  }
0x3b: {  	s11 =	simm.s32 @!p0 $0x1C01;
	s12 =	simm.s32 @!p0 $0x1;
	[sflag:s10] =	ssyncadd.s32 @!p1 $0xFFFFB1E0  }
0x3c: {  	[spmem:s4], [sflag:s11] =	dma.local @!p0 [hbm:s9], $0x4E20  }
0x3d: {  	_ =	swait.ge @!p0 [sflag:s12], $0x4E20  }
0x3e: {  	[sflag:s12] =	ssyncset.done @!p0 $0x0  }
0x3f: {  	[sflag:s12] =	ssyncadd.s32 @!p0 $0xFFFFB1E0  }
0x40: {  	[bflag:$0x0] =	sbarrier.arrive $0xFFFF  }
0x41: {  	[tilespmem:s2], [sflag:$0x1] =	stream.linear.gather [hbm4b:s7+s2], $0x1388, $0x38;
	[tilespmem:$0x17318] =	vst v63  }
0x42: {  	_ =	swait.ge [sflag:s5], $0x1388  }
0x43: {  	[sflag:s5] =	ssyncset.done $0x0  }
0x44: {  	[sflag:s5] =	ssyncadd.s32 $0xFFFFEC78  }
0x45: {  	[tilespmem:s8], [sflag:$0x1] =	stream.linear.gather [hbm4b:s6+s2], $0x13880, $0x38;
	[tilespmem:$0x17318] =	vst v63  }
0x46: {  	_ =	swait.ge [sflag:s5], $0x13880  }
0x47: {  	[sflag:s5] =	ssyncset.done $0x0  }
0x48: {  	[sflag:s5] =	ssyncadd.s32 $0xFFFEC780  }
0x49: {  	[spmem:s1] =	stream.indirect.scatter.add.f32 [tilespmem:s8], [sflag:$0x1], $0x10, s2, s8, $0xb8;
	[tilespmem:$0x17318] =	vst v63  }
0x4a: {  	_ =	swait.ge [sflag:s5], $0x13880  }
0x4b: {  	[sflag:s5] =	ssyncset.done $0x0  }
0x4c: {  	[sflag:s5] =	ssyncadd.s32 $0xFFFEC780  }
0x4d: {  	[bflag:$0x0] =	sbarrier.arrive $0xFFFF  }
0x4e: {  	[hbm:s3], [sflag:s11] =	dma.local @!p0 [spmem:s4], $0x4E20  }
0x4f: {  	_ =	swait.ge @!p0 [sflag:s12], $0x4E20  }
0x50: {  	[sflag:s12] =	ssyncset.done @!p0 $0x0  }
0x51: {  	[sflag:s12] =	ssyncadd.s32 @!p0 $0xFFFFB1E0  }
0x52: {  	_ =	sfence.sel $0x180000  }
0x53: {  	[bflag:$0x0] =	sbarrier.arrive $0xFFFF  }
0x54: {  	_ =	strace $0x90000059  }
0x55: {  	s0 =	sadd.s32 @!p0 $0x100000, s0;
	[bflag:$0x2] =	sbarrier.arrive $0xFFFF  }
0x56: {  	[sflag:s0] =	ssyncadd.tile.s32 @!p0 $0x1;
	_ =	shalt  }
.Lfunc_end2:
_tile_overlayer_lowered:
.L_overlay_start_2:
0x57: {  	(tag) =	ssettag $0x2  }
0x58: {  	s0 =	rddreg [dreg:$0x0];
	s2 =	stileid.u32  }
0x59: {  	s1 =	rddreg [dreg:$0x1];
	p0 =	sne.s32 s2, $0x0  }
0x5a: {  	s3 =	rddreg [dreg:$0x2];
	[bflag:$0x3] =	sbarrier.arrive $0xFFFF;
	s2 =	simm.s32 @!p0 $0x1C01  }
0x5b: {  	[timem:s3], [sflag:s2] =	dma.local @!p0 [hbm:s0], s1  }
0x5c: {  	s0 =	simm.s32 @!p0 $0x1  }
0x5d: {  	_ =	swait.ge @!p0 [sflag:s0], s1  }
0x5e: {  	s1 =	ssub.s32 @!p0 $0x0, s1;
	[sflag:s0] =	ssyncset.done @!p0 $0x0  }
0x5f: {  	[sflag:s0] =	ssyncadd.s32 @!p0 s1  }
0x60: {  	[bflag:$0x3] =	sbarrier.arrive $0xFFFF  }
0x61: {  	_ =	shalt  }

</sc_bundles>
